<compile_context>
chip_gen: v7x
topology: tpu7x:2x2x1
jax: 0.10.2.dev20260603
libtpu: 0.0.44.dev20260713+nightly
codegen_flags: <defaults>
</compile_context>

<pallas_src>
import functools

import jax
import jax.numpy as jnp
from jax import lax
from jax.experimental import pallas as pl
from jax.experimental.pallas import tpu as pltpu
from jax.experimental.pallas import tpu_sc as plsc

_B, _N, _C = 4, 16384, 32
_S, _NS = 1024, 32
_R2 = 0.1 * 0.1
_DIN = 48
_NT = 1024
_ST = 256
_BIG = 1e9


_FPP = 4


def _fps_body(xp_ref, yp_ref, zp_ref, new_xyz_ref):
    xs = [xp_ref[a] for a in range(_FPP)]
    ys = [yp_ref[a] for a in range(_FPP)]
    zs = [zp_ref[a] for a in range(_FPP)]
    flat = (lax.broadcasted_iota(jnp.int32, (128, 128), 0) * 128
            + lax.broadcasted_iota(jnp.int32, (128, 128), 1)
            ).astype(jnp.float32)

    def body(i, carry):
        out = []
        for a in range(_FPP):
            dists, cx, cy, cz = carry[a]
            new_xyz_ref[a, pl.ds(i, 1), :] = jnp.concatenate(
                [cx, cy, cz], axis=1)
            dx = xs[a] - cx
            dy = ys[a] - cy
            dz = zs[a] - cz
            d = (dx * dx + dy * dy) + dz * dz
            dists = jnp.minimum(dists, d)
            m = jnp.max(dists)
            cand = jnp.where(dists == m, flat, _BIG)
            m2 = jnp.min(cand)
            onehot = cand == m2
            nx = jnp.sum(jnp.where(onehot, xs[a], 0.0)).reshape(1, 1)
            ny = jnp.sum(jnp.where(onehot, ys[a], 0.0)).reshape(1, 1)
            nz = jnp.sum(jnp.where(onehot, zs[a], 0.0)).reshape(1, 1)
            out.append((dists, nx, ny, nz))
        return tuple(out)

    dists0 = jnp.full((128, 128), 1e10, dtype=jnp.float32)
    init = tuple(
        (dists0, xs[a][0:1, 0:1], ys[a][0:1, 0:1], zs[a][0:1, 0:1])
        for a in range(_FPP))
    lax.fori_loop(0, _S, body, init)


def _fps(xp, yp, zp):
    return pl.pallas_call(
        _fps_body,
        grid=(_B // _FPP,),
        in_specs=[
            pl.BlockSpec((_FPP, 128, 128), lambda b: (b, 0, 0)),
            pl.BlockSpec((_FPP, 128, 128), lambda b: (b, 0, 0)),
            pl.BlockSpec((_FPP, 128, 128), lambda b: (b, 0, 0)),
        ],
        out_specs=pl.BlockSpec((_FPP, _S, 3), lambda b: (b, 0, 0)),
        out_shape=jax.ShapeDtypeStruct((_B, _S, 3), jnp.float32),
        compiler_params=pltpu.CompilerParams(
            dimension_semantics=("arbitrary",),
        ),
    )(xp, yp, zp)


def _bq_body(nx_ref, px_ref, py_ref, pz_ref, tri_ref, gidx_ref):
    b = pl.program_id(0)
    c = nx_ref[0]
    cx = c[:, 0:1]
    cy = c[:, 1:2]
    cz = c[:, 2:3]
    cn = (cx * cx + cy * cy) + cz * cz
    cxb = cx.astype(jnp.bfloat16).astype(jnp.float32)
    cyb = cy.astype(jnp.bfloat16).astype(jnp.float32)
    czb = cz.astype(jnp.bfloat16).astype(jnp.float32)
    tri = tri_ref[...]
    lane = lax.broadcasted_iota(jnp.int32, (32, _NT), 1).astype(jnp.float32)

    def one_tile(t, grp, run):
        sl = pl.ds(t * _NT, _NT)
        pxt = px_ref[0, 0:1, sl]
        pyt = py_ref[0, 0:1, sl]
        pzt = pz_ref[0, 0:1, sl]
        pnt = (pxt * pxt + pyt * pyt) + pzt * pzt
        pxb = pxt.astype(jnp.bfloat16).astype(jnp.float32)
        pyb = pyt.astype(jnp.bfloat16).astype(jnp.float32)
        pzb = pzt.astype(jnp.bfloat16).astype(jnp.float32)
        dot = (cxb * pxb + cyb * pyb) + czb * pzb
        sq = (cn + pnt) - 2.0 * dot
        mask = sq <= _R2
        mf = mask.astype(jnp.bfloat16)
        pref = lax.dot_general(
            mf, tri, (((1,), (0,)), ((), ())),
            preferred_element_type=jnp.float32)
        pref = pref + run
        colf = lane + (t * _NT).astype(jnp.float32)
        slots = []
        for k in range(_NS):
            cand = jnp.where(pref >= (k + 1), colf, _BIG)
            slots.append(jnp.min(cand, axis=1, keepdims=True))
        tile_min = jnp.concatenate(slots, axis=1)
        return jnp.minimum(grp, tile_min), pref[:, _NT - 1:_NT]

    def tile4(t, carry):
        grp, run = carry
        for u in range(4):
            grp, run = one_tile(4 * t + u, grp, run)
        return grp, run

    grp0 = jnp.full((32, _NS), _BIG, dtype=jnp.float32)
    run0 = jnp.zeros((32, 1), dtype=jnp.float32)
    grp, _ = lax.fori_loop(0, _N // _NT // 4, tile4, (grp0, run0))
    first = grp[:, 0:1]
    grp = jnp.where(grp >= _BIG, first, grp)
    gidx_ref[0] = grp.astype(jnp.int32) + b * _N


def _ball_query(new_xyz, px, py, pz, tri):
    return pl.pallas_call(
        _bq_body,
        grid=(_B, _S // 32),
        in_specs=[
            pl.BlockSpec((1, 32, 3), lambda b, s: (b, s, 0)),
            pl.BlockSpec((1, 1, _N), lambda b, s: (b, 0, 0)),
            pl.BlockSpec((1, 1, _N), lambda b, s: (b, 0, 0)),
            pl.BlockSpec((1, 1, _N), lambda b, s: (b, 0, 0)),
            pl.BlockSpec((_NT, _NT), lambda b, s: (0, 0)),
        ],
        out_specs=pl.BlockSpec((1, 32, _NS), lambda b, s: (b, s, 0)),
        out_shape=jax.ShapeDtypeStruct((_B, _S, _NS), jnp.int32),
        compiler_params=pltpu.CompilerParams(
            dimension_semantics=("parallel", "arbitrary"),
        ),
    )(new_xyz, px, py, pz, tri)


_NW = 32
_TOT = _B * _S * _NS
_PERW = _TOT // _NW
_CH = 1024


def _sc_gather(table, idx_flat):
    mesh = plsc.VectorSubcoreMesh(core_axis_name="c", subcore_axis_name="s")

    @functools.partial(
        pl.kernel,
        out_type=jax.ShapeDtypeStruct((_TOT, _DIN), jnp.float32),
        mesh=mesh,
        scratch_types=[
            pltpu.VMEM((_CH,), jnp.int32),
            pltpu.VMEM((_CH, _DIN), jnp.float32),
            pltpu.SemaphoreType.DMA,
        ],
        compiler_params=pltpu.CompilerParams(use_tc_tiling_on_sc=False),
    )
    def k(table_hbm, idx_hbm, out_hbm, idx_v, rows_v, sem):
        wid = lax.axis_index("s") * 2 + lax.axis_index("c")
        base = wid * _PERW

        @pl.loop(0, _PERW, step=_CH)
        def _(off):
            pltpu.sync_copy(idx_hbm.at[pl.ds(base + off, _CH)], idx_v)
            pltpu.async_copy(table_hbm.at[idx_v], rows_v, sem).wait()
            pltpu.sync_copy(rows_v, out_hbm.at[pl.ds(base + off, _CH)])

    return k(table, idx_flat)


def _mlp_body(g_ref, nx_ref, w1_ref, b1_ref, w2_ref, b2_ref, w3_ref, b3_ref,
              out_ref):
    g = g_ref[...]
    c = nx_ref[0]
    cc = jnp.broadcast_to(c.reshape(_ST, 1, 3), (_ST, _NS, 3))
    cc = cc.reshape(_ST * _NS, 3)
    sub = jnp.concatenate(
        [cc, jnp.zeros((_ST * _NS, _DIN - 3), jnp.float32)], axis=1)
    t = g - sub

    def mm(x, w, bias):
        y = lax.dot_general(x, w, (((1,), (0,)), ((), ())),
                            preferred_element_type=jnp.float32)
        return jnp.maximum(y + bias, 0.0)

    h = mm(t, w1_ref[...], b1_ref[...])
    h = mm(h, w2_ref[...], b2_ref[...])
    h = mm(h, w3_ref[...], b3_ref[...])
    pooled = jnp.max(h.reshape(_ST, _NS, 128), axis=1)
    out_ref[0] = pooled.T


def _mlp(gathered, new_xyz, w1p, b1, w2, b2, w3, b3):
    nblk = _S // _ST
    return pl.pallas_call(
        _mlp_body,
        grid=(_B, nblk),
        in_specs=[
            pl.BlockSpec((_ST * _NS, _DIN), lambda b, s: (b * nblk + s, 0)),
            pl.BlockSpec((1, _ST, 3), lambda b, s: (b, s, 0)),
            pl.BlockSpec((_DIN, 64), lambda b, s: (0, 0)),
            pl.BlockSpec((1, 64), lambda b, s: (0, 0)),
            pl.BlockSpec((64, 64), lambda b, s: (0, 0)),
            pl.BlockSpec((1, 64), lambda b, s: (0, 0)),
            pl.BlockSpec((64, 128), lambda b, s: (0, 0)),
            pl.BlockSpec((1, 128), lambda b, s: (0, 0)),
        ],
        out_specs=pl.BlockSpec((1, 128, _ST), lambda b, s: (b, 0, s)),
        out_shape=jax.ShapeDtypeStruct((_B, 128, _S), jnp.float32),
        compiler_params=pltpu.CompilerParams(
            dimension_semantics=("parallel", "arbitrary"),
        ),
    )(gathered, new_xyz, w1p, b1, w2, b2, w3, b3)


def kernel(xyz, features, W1, b1, W2, b2, W3, b3):
    x = xyz[:, :, 0]
    y = xyz[:, :, 1]
    z = xyz[:, :, 2]
    new_xyz = _fps(x.reshape(_B, 128, 128), y.reshape(_B, 128, 128),
                   z.reshape(_B, 128, 128))

    tri = (lax.broadcasted_iota(jnp.int32, (_NT, _NT), 0)
           <= lax.broadcasted_iota(jnp.int32, (_NT, _NT), 1)
           ).astype(jnp.bfloat16)
    gidx = _ball_query(new_xyz, x.reshape(_B, 1, _N), y.reshape(_B, 1, _N),
                       z.reshape(_B, 1, _N), tri)

    table = jnp.concatenate(
        [xyz, jnp.transpose(features, (0, 2, 1)),
         jnp.zeros((_B, _N, _DIN - 3 - _C), jnp.float32)], axis=2)
    table = table.reshape(_B * _N, _DIN)
    gathered = _sc_gather(table, gidx.reshape(_TOT))

    w1p = jnp.concatenate(
        [W1, jnp.zeros((_DIN - 3 - _C, 64), jnp.float32)], axis=0)
    new_features = _mlp(gathered, new_xyz, w1p, b1.reshape(1, 64),
                        W2, b2.reshape(1, 64), W3, b3.reshape(1, 128))
    return new_xyz, new_features

# --- scband reference (transcript-rebuilt; emitter-appended) ---
"""Pipeline reference for scband-pointnet-samodule-base-59081570124917 (READ-ONLY COPY).

The authoritative reference and input builder live on the scoring server;
editing this copy changes nothing except your own understanding.
"""

import jax, jax.numpy as jnp
import numpy as np

B, N, C = 4, 16384, 32
NPOINT, NSAMPLE = 1024, 32
RADIUS = 0.1
MLP = [C + 3, 64, 64, 128]


def setup_inputs(seed: int = 0) -> dict:
    key = jax.random.key(seed)
    ks = jax.random.split(key, 8)
    inp = {
        "xyz": jax.random.uniform(ks[0], (B, N, 3), dtype=jnp.float32),
        "features": jax.random.normal(ks[1], (B, C, N), dtype=jnp.float32),
    }
    for i in range(3):
        fan_in, fan_out = MLP[i], MLP[i + 1]
        inp[f"W{i+1}"] = jax.random.normal(ks[2 + i], (fan_in, fan_out), dtype=jnp.float32) * (2.0 / fan_in) ** 0.5
        inp[f"b{i+1}"] = jnp.zeros((fan_out,), dtype=jnp.float32)
    return inp


def index_points(points, idx):
    # points: [B, N, D], idx: [B, ...] int -> [B, ..., D]
    return jax.vmap(lambda p, i: p[i])(points, idx)


def furthest_point_sample(xyz, npoint):
    b, n, _ = xyz.shape

    def body(i, state):
        dists, idxs, farthest = state
        idxs = idxs.at[:, i].set(farthest)
        centroid = jax.vmap(lambda p, f: p[f])(xyz, farthest)  # [B, 3]
        d = jnp.sum((xyz - centroid[:, None, :]) ** 2, axis=-1)
        dists = jnp.minimum(dists, d)
        farthest = jnp.argmax(dists, axis=1).astype(jnp.int32)
        return dists, idxs, farthest

    state = (
        jnp.full((b, n), 1e10, dtype=jnp.float32),
        jnp.zeros((b, npoint), dtype=jnp.int32),
        jnp.zeros((b,), dtype=jnp.int32),
    )
    _, idxs, _ = jax.lax.fori_loop(0, npoint, body, state)
    return idxs


def ball_query(radius, nsample, xyz, new_xyz):
    b, n, _ = xyz.shape
    s = new_xyz.shape[1]
    sq = (
        jnp.sum(new_xyz ** 2, axis=-1)[:, :, None]
        + jnp.sum(xyz ** 2, axis=-1)[:, None, :]
        - 2.0 * jnp.einsum("bsd,bnd->bsn", new_xyz, xyz)
    )  # [B, S, N]
    idx = jnp.broadcast_to(jnp.arange(n, dtype=jnp.int32), (b, s, n))
    idx = jnp.where(sq > radius ** 2, n, idx)
    idx = jnp.sort(idx, axis=-1)[:, :, :nsample]
    first = idx[:, :, :1]
    idx = jnp.where(idx == n, jnp.broadcast_to(first, idx.shape), idx)
    return idx  # [B, S, nsample]


def reference(xyz, features, W1, b1, W2, b2, W3, b3):
    # PointNet++ Set Abstraction: FPS -> gather centroids -> ball-query group -> shared MLP -> max-pool
    fps_idx = furthest_point_sample(xyz, NPOINT)          # [B, S]
    new_xyz = index_points(xyz, fps_idx)                  # [B, S, 3]
    grp_idx = ball_query(RADIUS, NSAMPLE, xyz, new_xyz)   # [B, S, ns]
    grouped_xyz = index_points(xyz, grp_idx) - new_xyz[:, :, None, :]  # [B, S, ns, 3]
    feats = jnp.transpose(features, (0, 2, 1))            # [B, N, C]
    grouped_feats = index_points(feats, grp_idx)          # [B, S, ns, C]
    h = jnp.concatenate([grouped_xyz, grouped_feats], axis=-1)  # [B, S, ns, C+3]
    h = jax.nn.relu(h @ W1 + b1)
    h = jax.nn.relu(h @ W2 + b2)
    h = jax.nn.relu(h @ W3 + b3)
    pooled = jnp.max(h, axis=2)                           # [B, S, mlp[-1]] (max_pool2d over group dim)
    new_features = jnp.transpose(pooled, (0, 2, 1))       # [B, mlp[-1], S]
    return new_xyz, new_features

if __name__ == "__main__":
    import jax
    _d = setup_inputs()
    print(jax.jit(kernel)(*tuple(_d.values())))

</pallas_src>

<mosaic_0001>
#map = affine_map<(d0, d1) -> (0, 0)>
#map1 = affine_map<(d0, d1) -> (0)>
module attributes {stable_mosaic.version = 14 : i64} {
  func.func @k(%arg0: i32, %arg1: i32, %arg2: memref<65536x48xf32, #tpu.memory_space<hbm>>, %arg3: memref<131072xi32, #tpu.memory_space<hbm>>, %arg4: memref<131072x48xf32, #tpu.memory_space<hbm>>, %arg5: memref<1024xi32, #tpu.memory_space<vmem>>, %arg6: memref<1024x48xf32, #tpu.memory_space<vmem>>, %arg7: memref<!tpu.dma_semaphore, #tpu.memory_space<semaphore_mem>>) attributes {dimension_semantics = [#tpu.dimension_semantics<core_parallel>, #tpu.dimension_semantics<subcore_parallel>], iteration_bounds = array<i64: 2, 16>, scalar_prefetch = 0 : i64, scratch_operands = 3 : i64, tpu.core_type = #tpu.core_type<sc_vector_subcore>, window_params = [{transform_indices = #map}, {transform_indices = #map1}, {transform_indices = #map}]} {
    %mul3A = arith.constant 2 : i32
    %mul3A_0 = arith.muli %arg1, %mul3A : i32
    %add3A = arith.addi %mul3A_0, %arg0 : i32
    %mul3A_1 = arith.constant 4096 : i32
    %mul3A_2 = arith.muli %add3A, %mul3A_1 : i32
    %scan3A = arith.constant 0 : i32
    %scan3A_3 = arith.constant 4 : i32
    %scan3A_4 = arith.addi %scan3A, %scan3A_3 : i32
    %scan3A_5 = arith.constant 1 : i32
    scf.for %scan3A_7 = %scan3A to %scan3A_4 step %scan3A_5  : i32 {
      %mul3A_8 = arith.constant 1024 : i32
      %mul3A_9 = arith.muli %scan3A_7, %mul3A_8 : i32
      %add3A_10 = arith.constant 0 : i32
      %add3A_11 = arith.addi %add3A_10, %mul3A_9 : i32
      %add3A_12 = arith.addi %mul3A_2, %add3A_11 : i32
      "tpu.region"() ({
        %run_scoped3A = tpu.sem_alloc : memref<!tpu.dma_semaphore, #tpu.memory_space<semaphore_mem>>
        %dma_start3A_18 = tpu.memref_slice %arg3[%add3A_12] : memref<131072xi32, #tpu.memory_space<hbm>> -> memref<1024xi32, #tpu.memory_space<hbm>>
        %dma_start3A_19 = tpu.memref_slice %arg3[%add3A_12] : memref<131072xi32, #tpu.memory_space<hbm>> -> memref<1024xi32, #tpu.memory_space<hbm>>
        tpu.enqueue_dma source(%dma_start3A_19 : memref<1024xi32, #tpu.memory_space<hbm>>) target(%arg5 : memref<1024xi32, #tpu.memory_space<vmem>>) target_semaphore(%run_scoped3A : memref<!tpu.dma_semaphore, #tpu.memory_space<semaphore_mem>>)
        %dma_wait3A_20 = tpu.memref_slice %arg3[%add3A_12] : memref<131072xi32, #tpu.memory_space<hbm>> -> memref<1024xi32, #tpu.memory_space<hbm>>
        %dma_wait3A_21 = tpu.memref_slice %arg3[%add3A_12] : memref<131072xi32, #tpu.memory_space<hbm>> -> memref<1024xi32, #tpu.memory_space<hbm>>
        tpu.wait_dma2 semaphore(%run_scoped3A : memref<!tpu.dma_semaphore, #tpu.memory_space<semaphore_mem>>) src(%dma_wait3A_21 : memref<1024xi32, #tpu.memory_space<hbm>>) dst(%arg5 : memref<1024xi32, #tpu.memory_space<vmem>>)
        tpu.yield
      }) : () -> ()
      %dma_start3A = arith.constant 0 : i32
      %dma_start3A_13 = arith.constant 0 : i32
      %dma_start3A_14 = tpu.memref_slice %arg2[%dma_start3A, %dma_start3A_13] : memref<65536x48xf32, #tpu.memory_space<hbm>> -> memref<65536x48xf32, #tpu.memory_space<hbm>>
      tpu.enqueue_indirect_dma source(%dma_start3A_14 : memref<65536x48xf32, #tpu.memory_space<hbm>>) target(%arg6 : memref<1024x48xf32, #tpu.memory_space<vmem>>) offsets(%arg5 : memref<1024xi32, #tpu.memory_space<vmem>>) semaphore(%arg7 : memref<!tpu.dma_semaphore, #tpu.memory_space<semaphore_mem>>)
      %dma_wait3A = arith.constant 0 : i32
      %dma_wait3A_15 = arith.constant 0 : i32
      %dma_wait3A_16 = tpu.memref_slice %arg2[%dma_wait3A, %dma_wait3A_15] : memref<65536x48xf32, #tpu.memory_space<hbm>> -> memref<65536x48xf32, #tpu.memory_space<hbm>>
      tpu.wait_indirect_dma semaphore(%arg7 : memref<!tpu.dma_semaphore, #tpu.memory_space<semaphore_mem>>) src(%dma_wait3A_16 : memref<65536x48xf32, #tpu.memory_space<hbm>>) dst(%arg6 : memref<1024x48xf32, #tpu.memory_space<vmem>>)
      %add3A_17 = arith.addi %mul3A_2, %add3A_11 : i32
      "tpu.region"() ({
        %run_scoped3A = tpu.sem_alloc : memref<!tpu.dma_semaphore, #tpu.memory_space<semaphore_mem>>
        %dma_start3A_18 = arith.constant 0 : i32
        %dma_start3A_19 = tpu.memref_slice %arg4[%add3A_17, %dma_start3A_18] : memref<131072x48xf32, #tpu.memory_space<hbm>> -> memref<1024x48xf32, #tpu.memory_space<hbm>>
        %dma_start3A_20 = arith.constant 0 : i32
        %dma_start3A_21 = tpu.memref_slice %arg4[%add3A_17, %dma_start3A_20] : memref<131072x48xf32, #tpu.memory_space<hbm>> -> memref<1024x48xf32, #tpu.memory_space<hbm>>
        tpu.enqueue_dma source(%arg6 : memref<1024x48xf32, #tpu.memory_space<vmem>>) target(%dma_start3A_21 : memref<1024x48xf32, #tpu.memory_space<hbm>>) target_semaphore(%run_scoped3A : memref<!tpu.dma_semaphore, #tpu.memory_space<semaphore_mem>>)
        %dma_wait3A_22 = arith.constant 0 : i32
        %dma_wait3A_23 = tpu.memref_slice %arg4[%add3A_17, %dma_wait3A_22] : memref<131072x48xf32, #tpu.memory_space<hbm>> -> memref<1024x48xf32, #tpu.memory_space<hbm>>
        %dma_wait3A_24 = arith.constant 0 : i32
        %dma_wait3A_25 = tpu.memref_slice %arg4[%add3A_17, %dma_wait3A_24] : memref<131072x48xf32, #tpu.memory_space<hbm>> -> memref<1024x48xf32, #tpu.memory_space<hbm>>
        tpu.wait_dma2 semaphore(%run_scoped3A : memref<!tpu.dma_semaphore, #tpu.memory_space<semaphore_mem>>) src(%arg6 : memref<1024x48xf32, #tpu.memory_space<vmem>>) dst(%dma_wait3A_25 : memref<1024x48xf32, #tpu.memory_space<hbm>>)
        tpu.yield
      }) : () -> ()
    }
    %scan3A_6 = arith.constant 4 : i32
    return
  }
}

module attributes {stable_mosaic.version = 14 : i64} {
  func.func @_fps_body(%arg0: i32, %arg1: memref<4x128x128xf32, #tpu.memory_space<vmem>>, %arg2: memref<4x128x128xf32, #tpu.memory_space<vmem>>, %arg3: memref<4x128x128xf32, #tpu.memory_space<vmem>>, %arg4: memref<4x1024x3xf32, #tpu.memory_space<vmem>>) attributes {dimension_semantics = [#tpu.dimension_semantics<arbitrary>], iteration_bounds = array<i64: 1>, scalar_prefetch = 0 : i64, scratch_operands = 0 : i64, tpu.core_type = #tpu.core_type<tc>, window_params = [{transform_indices = @transform_0, window_bounds = array<i64: 4, 128, 128>}, {transform_indices = @transform_1, window_bounds = array<i64: 4, 128, 128>}, {transform_indices = @transform_2, window_bounds = array<i64: 4, 128, 128>}, {transform_indices = @transform_3, window_bounds = array<i64: 4, 1024, 3>}]} {
    %get3A = arith.constant 0 : index
    %get3A_0 = arith.constant 0 : index
    %get3A_1 = arith.constant 0 : index
    %get3A_2 = vector.load %arg1[%get3A, %get3A_0, %get3A_1] : memref<4x128x128xf32, #tpu.memory_space<vmem>>, vector<1x128x128xf32>
    %get3A_3 = vector.shape_cast %get3A_2 : vector<1x128x128xf32> to vector<128x128xf32>
    %get3A_4 = arith.constant 1 : index
    %get3A_5 = arith.constant 0 : index
    %get3A_6 = arith.constant 0 : index
    %get3A_7 = vector.load %arg1[%get3A_4, %get3A_5, %get3A_6] : memref<4x128x128xf32, #tpu.memory_space<vmem>>, vector<1x128x128xf32>
    %get3A_8 = vector.shape_cast %get3A_7 : vector<1x128x128xf32> to vector<128x128xf32>
    %get3A_9 = arith.constant 2 : index
    %get3A_10 = arith.constant 0 : index
    %get3A_11 = arith.constant 0 : index
    %get3A_12 = vector.load %arg1[%get3A_9, %get3A_10, %get3A_11] : memref<4x128x128xf32, #tpu.memory_space<vmem>>, vector<1x128x128xf32>
    %get3A_13 = vector.shape_cast %get3A_12 : vector<1x128x128xf32> to vector<128x128xf32>
    %get3A_14 = arith.constant 3 : index
    %get3A_15 = arith.constant 0 : index
    %get3A_16 = arith.constant 0 : index
    %get3A_17 = vector.load %arg1[%get3A_14, %get3A_15, %get3A_16] : memref<4x128x128xf32, #tpu.memory_space<vmem>>, vector<1x128x128xf32>
    %get3A_18 = vector.shape_cast %get3A_17 : vector<1x128x128xf32> to vector<128x128xf32>
    %get3A_19 = arith.constant 0 : index
    %get3A_20 = arith.constant 0 : index
    %get3A_21 = arith.constant 0 : index
    %get3A_22 = vector.load %arg2[%get3A_19, %get3A_20, %get3A_21] : memref<4x128x128xf32, #tpu.memory_space<vmem>>, vector<1x128x128xf32>
    %get3A_23 = vector.shape_cast %get3A_22 : vector<1x128x128xf32> to vector<128x128xf32>
    %get3A_24 = arith.constant 1 : index
    %get3A_25 = arith.constant 0 : index
    %get3A_26 = arith.constant 0 : index
    %get3A_27 = vector.load %arg2[%get3A_24, %get3A_25, %get3A_26] : memref<4x128x128xf32, #tpu.memory_space<vmem>>, vector<1x128x128xf32>
    %get3A_28 = vector.shape_cast %get3A_27 : vector<1x128x128xf32> to vector<128x128xf32>
    %get3A_29 = arith.constant 2 : index
    %get3A_30 = arith.constant 0 : index
    %get3A_31 = arith.constant 0 : index
    %get3A_32 = vector.load %arg2[%get3A_29, %get3A_30, %get3A_31] : memref<4x128x128xf32, #tpu.memory_space<vmem>>, vector<1x128x128xf32>
    %get3A_33 = vector.shape_cast %get3A_32 : vector<1x128x128xf32> to vector<128x128xf32>
    %get3A_34 = arith.constant 3 : index
    %get3A_35 = arith.constant 0 : index
    %get3A_36 = arith.constant 0 : index
    %get3A_37 = vector.load %arg2[%get3A_34, %get3A_35, %get3A_36] : memref<4x128x128xf32, #tpu.memory_space<vmem>>, vector<1x128x128xf32>
    %get3A_38 = vector.shape_cast %get3A_37 : vector<1x128x128xf32> to vector<128x128xf32>
    %get3A_39 = arith.constant 0 : index
    %get3A_40 = arith.constant 0 : index
    %get3A_41 = arith.constant 0 : index
    %get3A_42 = vector.load %arg3[%get3A_39, %get3A_40, %get3A_41] : memref<4x128x128xf32, #tpu.memory_space<vmem>>, vector<1x128x128xf32>
    %get3A_43 = vector.shape_cast %get3A_42 : vector<1x128x128xf32> to vector<128x128xf32>
    %get3A_44 = arith.constant 1 : index
    %get3A_45 = arith.constant 0 : index
    %get3A_46 = arith.constant 0 : index
    %get3A_47 = vector.load %arg3[%get3A_44, %get3A_45, %get3A_46] : memref<4x128x128xf32, #tpu.memory_space<vmem>>, vector<1x128x128xf32>
    %get3A_48 = vector.shape_cast %get3A_47 : vector<1x128x128xf32> to vector<128x128xf32>
    %get3A_49 = arith.constant 2 : index
    %get3A_50 = arith.constant 0 : index
    %get3A_51 = arith.constant 0 : index
    %get3A_52 = vector.load %arg3[%get3A_49, %get3A_50, %get3A_51] : memref<4x128x128xf32, #tpu.memory_space<vmem>>, vector<1x128x128xf32>
    %get3A_53 = vector.shape_cast %get3A_52 : vector<1x128x128xf32> to vector<128x128xf32>
    %get3A_54 = arith.constant 3 : index
    %get3A_55 = arith.constant 0 : index
    %get3A_56 = arith.constant 0 : index
    %get3A_57 = vector.load %arg3[%get3A_54, %get3A_55, %get3A_56] : memref<4x128x128xf32, #tpu.memory_space<vmem>>, vector<1x128x128xf32>
    %get3A_58 = vector.shape_cast %get3A_57 : vector<1x128x128xf32> to vector<128x128xf32>
    %iota3A = tpu.iota {dimensions = array<i32: 0>} : vector<128x128xi32>
    %mul3A = arith.constant 128 : i32
    %mul3A_59 = vector.broadcast %mul3A : i32 to vector<128x128xi32>
    %mul3A_60 = arith.muli %iota3A, %mul3A_59 : vector<128x128xi32>
    %iota3A_61 = tpu.iota {dimensions = array<i32: 1>} : vector<128x128xi32>
    %add3A = arith.addi %mul3A_60, %iota3A_61 : vector<128x128xi32>
    %convert_element_type3A = arith.sitofp %add3A : vector<128x128xi32> to vector<128x128xf32>
    %broadcast_in_dim3A = arith.constant 1.000000e+10 : f32
    %broadcast_in_dim3A_62 = vector.broadcast %broadcast_in_dim3A : f32 to vector<128x128xf32>
    %slice3A = vector.extract_strided_slice %get3A_3 {offsets = [0, 0], sizes = [1, 1], strides = [1, 1]} : vector<128x128xf32> to vector<1x1xf32>
    %slice3A_63 = vector.extract_strided_slice %get3A_23 {offsets = [0, 0], sizes = [1, 1], strides = [1, 1]} : vector<128x128xf32> to vector<1x1xf32>
    %slice3A_64 = vector.extract_strided_slice %get3A_43 {offsets = [0, 0], sizes = [1, 1], strides = [1, 1]} : vector<128x128xf32> to vector<1x1xf32>
    %slice3A_65 = vector.extract_strided_slice %get3A_8 {offsets = [0, 0], sizes = [1, 1], strides = [1, 1]} : vector<128x128xf32> to vector<1x1xf32>
    %slice3A_66 = vector.extract_strided_slice %get3A_28 {offsets = [0, 0], sizes = [1, 1], strides = [1, 1]} : vector<128x128xf32> to vector<1x1xf32>
    %slice3A_67 = vector.extract_strided_slice %get3A_48 {offsets = [0, 0], sizes = [1, 1], strides = [1, 1]} : vector<128x128xf32> to vector<1x1xf32>
    %slice3A_68 = vector.extract_strided_slice %get3A_13 {offsets = [0, 0], sizes = [1, 1], strides = [1, 1]} : vector<128x128xf32> to vector<1x1xf32>
    %slice3A_69 = vector.extract_strided_slice %get3A_33 {offsets = [0, 0], sizes = [1, 1], strides = [1, 1]} : vector<128x128xf32> to vector<1x1xf32>
    %slice3A_70 = vector.extract_strided_slice %get3A_53 {offsets = [0, 0], sizes = [1, 1], strides = [1, 1]} : vector<128x128xf32> to vector<1x1xf32>
    %slice3A_71 = vector.extract_strided_slice %get3A_18 {offsets = [0, 0], sizes = [1, 1], strides = [1, 1]} : vector<128x128xf32> to vector<1x1xf32>
    %slice3A_72 = vector.extract_strided_slice %get3A_38 {offsets = [0, 0], sizes = [1, 1], strides = [1, 1]} : vector<128x128xf32> to vector<1x1xf32>
    %slice3A_73 = vector.extract_strided_slice %get3A_58 {offsets = [0, 0], sizes = [1, 1], strides = [1, 1]} : vector<128x128xf32> to vector<1x1xf32>
    %scan3A = arith.constant 0 : i32
    %scan3A_74 = arith.constant 1024 : i32
    %scan3A_75 = arith.addi %scan3A, %scan3A_74 : i32
    %scan3A_76 = arith.constant 1 : i32
    %scan3A_77:16 = scf.for %scan3A_79 = %scan3A to %scan3A_75 step %scan3A_76 iter_args(%scan3A_80 = %broadcast_in_dim3A_62, %scan3A_81 = %slice3A, %scan3A_82 = %slice3A_63, %scan3A_83 = %slice3A_64, %scan3A_84 = %broadcast_in_dim3A_62, %scan3A_85 = %slice3A_65, %scan3A_86 = %slice3A_66, %scan3A_87 = %slice3A_67, %scan3A_88 = %broadcast_in_dim3A_62, %scan3A_89 = %slice3A_68, %scan3A_90 = %slice3A_69, %scan3A_91 = %slice3A_70, %scan3A_92 = %broadcast_in_dim3A_62, %scan3A_93 = %slice3A_71, %scan3A_94 = %slice3A_72, %scan3A_95 = %slice3A_73) -> (vector<128x128xf32>, vector<1x1xf32>, vector<1x1xf32>, vector<1x1xf32>, vector<128x128xf32>, vector<1x1xf32>, vector<1x1xf32>, vector<1x1xf32>, vector<128x128xf32>, vector<1x1xf32>, vector<1x1xf32>, vector<1x1xf32>, vector<128x128xf32>, vector<1x1xf32>, vector<1x1xf32>, vector<1x1xf32>)  : i32 {
      %concatenate3A = tpu.concatenate %scan3A_81, %scan3A_82, %scan3A_83 in 1 : vector<1x1xf32>, vector<1x1xf32>, vector<1x1xf32> -> vector<1x3xf32>
      %swap3A = arith.constant 0 : index
      %swap3A_96 = arith.index_cast %scan3A_79 : i32 to index
      %swap3A_97 = arith.constant 0 : index
      %swap3A_98 = vector.load %arg4[%swap3A, %swap3A_96, %swap3A_97] : memref<4x1024x3xf32, #tpu.memory_space<vmem>>, vector<1x1x3xf32>
      %swap3A_99 = vector.shape_cast %swap3A_98 : vector<1x1x3xf32> to vector<1x3xf32>
      %swap3A_100 = vector.shape_cast %concatenate3A : vector<1x3xf32> to vector<1x1x3xf32>
      tpu.vector_store %arg4[%swap3A, %swap3A_96, %swap3A_97], %swap3A_100 {strides = array<i32>} : memref<4x1024x3xf32, #tpu.memory_space<vmem>>, vector<1x1x3xf32>,
      %sub3A = vector.broadcast %scan3A_81 : vector<1x1xf32> to vector<128x128xf32>
      %sub3A_101 = arith.subf %get3A_3, %sub3A : vector<128x128xf32>
      %sub3A_102 = vector.broadcast %scan3A_82 : vector<1x1xf32> to vector<128x128xf32>
      %sub3A_103 = arith.subf %get3A_23, %sub3A_102 : vector<128x128xf32>
      %sub3A_104 = vector.broadcast %scan3A_83 : vector<1x1xf32> to vector<128x128xf32>
      %sub3A_105 = arith.subf %get3A_43, %sub3A_104 : vector<128x128xf32>
      %mul3A_106 = arith.mulf %sub3A_101, %sub3A_101 : vector<128x128xf32>
      %mul3A_107 = arith.mulf %sub3A_103, %sub3A_103 : vector<128x128xf32>
      %add3A_108 = arith.addf %mul3A_106, %mul3A_107 : vector<128x128xf32>
      %mul3A_109 = arith.mulf %sub3A_105, %sub3A_105 : vector<128x128xf32>
      %add3A_110 = arith.addf %add3A_108, %mul3A_109 : vector<128x128xf32>
      %min3A = arith.minimumf %scan3A_80, %add3A_110 : vector<128x128xf32>
      %reduce_max3A = vector.shape_cast %min3A : vector<128x128xf32> to vector<1x128x128xf32>
      %reduce_max3A_111 = arith.constant dense<0xFF800000> : vector<1xf32>
      %reduce_max3A_112 = vector.multi_reduction <maximumf>, %reduce_max3A, %reduce_max3A_111 [1, 2] : vector<1x128x128xf32> to vector<1xf32>
      %reduce_max3A_113 = vector.shape_cast %reduce_max3A_112 : vector<1xf32> to vector<1x1x1xf32>
      %reduce_max3A_114 = vector.extract %reduce_max3A_113[0, 0, 0] : f32 from vector<1x1x1xf32>
      %eq3A = vector.broadcast %reduce_max3A_114 : f32 to vector<128x128xf32>
      %eq3A_115 = arith.cmpf oeq, %min3A, %eq3A : vector<128x128xf32>
      %jit3A = arith.constant 1.000000e+09 : f32
      %broadcast_in_dim3A_116 = vector.broadcast %jit3A : f32 to vector<128x128xf32>
      %select_n3A = arith.select %eq3A_115, %convert_element_type3A, %broadcast_in_dim3A_116 : vector<128x128xi1>, vector<128x128xf32>
      %reduce_min3A = vector.shape_cast %select_n3A : vector<128x128xf32> to vector<1x128x128xf32>
      %reduce_min3A_117 = arith.constant dense<0x7F800000> : vector<1xf32>
      %reduce_min3A_118 = vector.multi_reduction <minimumf>, %reduce_min3A, %reduce_min3A_117 [1, 2] : vector<1x128x128xf32> to vector<1xf32>
      %reduce_min3A_119 = vector.shape_cast %reduce_min3A_118 : vector<1xf32> to vector<1x1x1xf32>
      %reduce_min3A_120 = vector.extract %reduce_min3A_119[0, 0, 0] : f32 from vector<1x1x1xf32>
      %eq3A_121 = vector.broadcast %reduce_min3A_120 : f32 to vector<128x128xf32>
      %eq3A_122 = arith.cmpf oeq, %select_n3A, %eq3A_121 : vector<128x128xf32>
      %jit3A_123 = arith.constant 0.000000e+00 : f32
      %broadcast_in_dim3A_124 = vector.broadcast %jit3A_123 : f32 to vector<128x128xf32>
      %select_n3A_125 = arith.select %eq3A_122, %get3A_3, %broadcast_in_dim3A_124 : vector<128x128xi1>, vector<128x128xf32>
      %reduce_sum3A = vector.shape_cast %select_n3A_125 : vector<128x128xf32> to vector<1x128x128xf32>
      %reduce_sum3A_126 = arith.constant dense<0.000000e+00> : vector<1xf32>
      %reduce_sum3A_127 = vector.multi_reduction <add>, %reduce_sum3A, %reduce_sum3A_126 [1, 2] : vector<1x128x128xf32> to vector<1xf32>
      %reduce_sum3A_128 = vector.shape_cast %reduce_sum3A_127 : vector<1xf32> to vector<1x1x1xf32>
      %reduce_sum3A_129 = vector.extract %reduce_sum3A_128[0, 0, 0] : f32 from vector<1x1x1xf32>
      %reshape3A = vector.broadcast %reduce_sum3A_129 : f32 to vector<1x1xf32>
      %jit3A_130 = arith.constant 0.000000e+00 : f32
      %broadcast_in_dim3A_131 = vector.broadcast %jit3A_130 : f32 to vector<128x128xf32>
      %select_n3A_132 = arith.select %eq3A_122, %get3A_23, %broadcast_in_dim3A_131 : vector<128x128xi1>, vector<128x128xf32>
      %reduce_sum3A_133 = vector.shape_cast %select_n3A_132 : vector<128x128xf32> to vector<1x128x128xf32>
      %reduce_sum3A_134 = arith.constant dense<0.000000e+00> : vector<1xf32>
      %reduce_sum3A_135 = vector.multi_reduction <add>, %reduce_sum3A_133, %reduce_sum3A_134 [1, 2] : vector<1x128x128xf32> to vector<1xf32>
      %reduce_sum3A_136 = vector.shape_cast %reduce_sum3A_135 : vector<1xf32> to vector<1x1x1xf32>
      %reduce_sum3A_137 = vector.extract %reduce_sum3A_136[0, 0, 0] : f32 from vector<1x1x1xf32>
      %reshape3A_138 = vector.broadcast %reduce_sum3A_137 : f32 to vector<1x1xf32>
      %jit3A_139 = arith.constant 0.000000e+00 : f32
      %broadcast_in_dim3A_140 = vector.broadcast %jit3A_139 : f32 to vector<128x128xf32>
      %select_n3A_141 = arith.select %eq3A_122, %get3A_43, %broadcast_in_dim3A_140 : vector<128x128xi1>, vector<128x128xf32>
      %reduce_sum3A_142 = vector.shape_cast %select_n3A_141 : vector<128x128xf32> to vector<1x128x128xf32>
      %reduce_sum3A_143 = arith.constant dense<0.000000e+00> : vector<1xf32>
      %reduce_sum3A_144 = vector.multi_reduction <add>, %reduce_sum3A_142, %reduce_sum3A_143 [1, 2] : vector<1x128x128xf32> to vector<1xf32>
      %reduce_sum3A_145 = vector.shape_cast %reduce_sum3A_144 : vector<1xf32> to vector<1x1x1xf32>
      %reduce_sum3A_146 = vector.extract %reduce_sum3A_145[0, 0, 0] : f32 from vector<1x1x1xf32>
      %reshape3A_147 = vector.broadcast %reduce_sum3A_146 : f32 to vector<1x1xf32>
      %concatenate3A_148 = tpu.concatenate %scan3A_85, %scan3A_86, %scan3A_87 in 1 : vector<1x1xf32>, vector<1x1xf32>, vector<1x1xf32> -> vector<1x3xf32>
      %swap3A_149 = arith.constant 1 : index
      %swap3A_150 = arith.index_cast %scan3A_79 : i32 to index
      %swap3A_151 = arith.constant 0 : index
      %swap3A_152 = vector.load %arg4[%swap3A_149, %swap3A_150, %swap3A_151] : memref<4x1024x3xf32, #tpu.memory_space<vmem>>, vector<1x1x3xf32>
      %swap3A_153 = vector.shape_cast %swap3A_152 : vector<1x1x3xf32> to vector<1x3xf32>
      %swap3A_154 = vector.shape_cast %concatenate3A_148 : vector<1x3xf32> to vector<1x1x3xf32>
      tpu.vector_store %arg4[%swap3A_149, %swap3A_150, %swap3A_151], %swap3A_154 {strides = array<i32>} : memref<4x1024x3xf32, #tpu.memory_space<vmem>>, vector<1x1x3xf32>,
      %sub3A_155 = vector.broadcast %scan3A_85 : vector<1x1xf32> to vector<128x128xf32>
      %sub3A_156 = arith.subf %get3A_8, %sub3A_155 : vector<128x128xf32>
      %sub3A_157 = vector.broadcast %scan3A_86 : vector<1x1xf32> to vector<128x128xf32>
      %sub3A_158 = arith.subf %get3A_28, %sub3A_157 : vector<128x128xf32>
      %sub3A_159 = vector.broadcast %scan3A_87 : vector<1x1xf32> to vector<128x128xf32>
      %sub3A_160 = arith.subf %get3A_48, %sub3A_159 : vector<128x128xf32>
      %mul3A_161 = arith.mulf %sub3A_156, %sub3A_156 : vector<128x128xf32>
      %mul3A_162 = arith.mulf %sub3A_158, %sub3A_158 : vector<128x128xf32>
      %add3A_163 = arith.addf %mul3A_161, %mul3A_162 : vector<128x128xf32>
      %mul3A_164 = arith.mulf %sub3A_160, %sub3A_160 : vector<128x128xf32>
      %add3A_165 = arith.addf %add3A_163, %mul3A_164 : vector<128x128xf32>
      %min3A_166 = arith.minimumf %scan3A_84, %add3A_165 : vector<128x128xf32>
      %reduce_max3A_167 = vector.shape_cast %min3A_166 : vector<128x128xf32> to vector<1x128x128xf32>
      %reduce_max3A_168 = arith.constant dense<0xFF800000> : vector<1xf32>
      %reduce_max3A_169 = vector.multi_reduction <maximumf>, %reduce_max3A_167, %reduce_max3A_168 [1, 2] : vector<1x128x128xf32> to vector<1xf32>
      %reduce_max3A_170 = vector.shape_cast %reduce_max3A_169 : vector<1xf32> to vector<1x1x1xf32>
      %reduce_max3A_171 = vector.extract %reduce_max3A_170[0, 0, 0] : f32 from vector<1x1x1xf32>
      %eq3A_172 = vector.broadcast %reduce_max3A_171 : f32 to vector<128x128xf32>
      %eq3A_173 = arith.cmpf oeq, %min3A_166, %eq3A_172 : vector<128x128xf32>
      %jit3A_174 = arith.constant 1.000000e+09 : f32
      %broadcast_in_dim3A_175 = vector.broadcast %jit3A_174 : f32 to vector<128x128xf32>
      %select_n3A_176 = arith.select %eq3A_173, %convert_element_type3A, %broadcast_in_dim3A_175 : vector<128x128xi1>, vector<128x128xf32>
      %reduce_min3A_177 = vector.shape_cast %select_n3A_176 : vector<128x128xf32> to vector<1x128x128xf32>
      %reduce_min3A_178 = arith.constant dense<0x7F800000> : vector<1xf32>
      %reduce_min3A_179 = vector.multi_reduction <minimumf>, %reduce_min3A_177, %reduce_min3A_178 [1, 2] : vector<1x128x128xf32> to vector<1xf32>
      %reduce_min3A_180 = vector.shape_cast %reduce_min3A_179 : vector<1xf32> to vector<1x1x1xf32>
      %reduce_min3A_181 = vector.extract %reduce_min3A_180[0, 0, 0] : f32 from vector<1x1x1xf32>
      %eq3A_182 = vector.broadcast %reduce_min3A_181 : f32 to vector<128x128xf32>
      %eq3A_183 = arith.cmpf oeq, %select_n3A_176, %eq3A_182 : vector<128x128xf32>
      %jit3A_184 = arith.constant 0.000000e+00 : f32
      %broadcast_in_dim3A_185 = vector.broadcast %jit3A_184 : f32 to vector<128x128xf32>
      %select_n3A_186 = arith.select %eq3A_183, %get3A_8, %broadcast_in_dim3A_185 : vector<128x128xi1>, vector<128x128xf32>
      %reduce_sum3A_187 = vector.shape_cast %select_n3A_186 : vector<128x128xf32> to vector<1x128x128xf32>
      %reduce_sum3A_188 = arith.constant dense<0.000000e+00> : vector<1xf32>
      %reduce_sum3A_189 = vector.multi_reduction <add>, %reduce_sum3A_187, %reduce_sum3A_188 [1, 2] : vector<1x128x128xf32> to vector<1xf32>
      %reduce_sum3A_190 = vector.shape_cast %reduce_sum3A_189 : vector<1xf32> to vector<1x1x1xf32>
      %reduce_sum3A_191 = vector.extract %reduce_sum3A_190[0, 0, 0] : f32 from vector<1x1x1xf32>
      %reshape3A_192 = vector.broadcast %reduce_sum3A_191 : f32 to vector<1x1xf32>
      %jit3A_193 = arith.constant 0.000000e+00 : f32
      %broadcast_in_dim3A_194 = vector.broadcast %jit3A_193 : f32 to vector<128x128xf32>
      %select_n3A_195 = arith.select %eq3A_183, %get3A_28, %broadcast_in_dim3A_194 : vector<128x128xi1>, vector<128x128xf32>
      %reduce_sum3A_196 = vector.shape_cast %select_n3A_195 : vector<128x128xf32> to vector<1x128x128xf32>
      %reduce_sum3A_197 = arith.constant dense<0.000000e+00> : vector<1xf32>
      %reduce_sum3A_198 = vector.multi_reduction <add>, %reduce_sum3A_196, %reduce_sum3A_197 [1, 2] : vector<1x128x128xf32> to vector<1xf32>
      %reduce_sum3A_199 = vector.shape_cast %reduce_sum3A_198 : vector<1xf32> to vector<1x1x1xf32>
      %reduce_sum3A_200 = vector.extract %reduce_sum3A_199[0, 0, 0] : f32 from vector<1x1x1xf32>
      %reshape3A_201 = vector.broadcast %reduce_sum3A_200 : f32 to vector<1x1xf32>
      %jit3A_202 = arith.constant 0.000000e+00 : f32
      %broadcast_in_dim3A_203 = vector.broadcast %jit3A_202 : f32 to vector<128x128xf32>
      %select_n3A_204 = arith.select %eq3A_183, %get3A_48, %broadcast_in_dim3A_203 : vector<128x128xi1>, vector<128x128xf32>
      %reduce_sum3A_205 = vector.shape_cast %select_n3A_204 : vector<128x128xf32> to vector<1x128x128xf32>
      %reduce_sum3A_206 = arith.constant dense<0.000000e+00> : vector<1xf32>
      %reduce_sum3A_207 = vector.multi_reduction <add>, %reduce_sum3A_205, %reduce_sum3A_206 [1, 2] : vector<1x128x128xf32> to vector<1xf32>
      %reduce_sum3A_208 = vector.shape_cast %reduce_sum3A_207 : vector<1xf32> to vector<1x1x1xf32>
      %reduce_sum3A_209 = vector.extract %reduce_sum3A_208[0, 0, 0] : f32 from vector<1x1x1xf32>
      %reshape3A_210 = vector.broadcast %reduce_sum3A_209 : f32 to vector<1x1xf32>
      %concatenate3A_211 = tpu.concatenate %scan3A_89, %scan3A_90, %scan3A_91 in 1 : vector<1x1xf32>, vector<1x1xf32>, vector<1x1xf32> -> vector<1x3xf32>
      %swap3A_212 = arith.constant 2 : index
      %swap3A_213 = arith.index_cast %scan3A_79 : i32 to index
      %swap3A_214 = arith.constant 0 : index
      %swap3A_215 = vector.load %arg4[%swap3A_212, %swap3A_213, %swap3A_214] : memref<4x1024x3xf32, #tpu.memory_space<vmem>>, vector<1x1x3xf32>
      %swap3A_216 = vector.shape_cast %swap3A_215 : vector<1x1x3xf32> to vector<1x3xf32>
      %swap3A_217 = vector.shape_cast %concatenate3A_211 : vector<1x3xf32> to vector<1x1x3xf32>
      tpu.vector_store %arg4[%swap3A_212, %swap3A_213, %swap3A_214], %swap3A_217 {strides = array<i32>} : memref<4x1024x3xf32, #tpu.memory_space<vmem>>, vector<1x1x3xf32>,
      %sub3A_218 = vector.broadcast %scan3A_89 : vector<1x1xf32> to vector<128x128xf32>
      %sub3A_219 = arith.subf %get3A_13, %sub3A_218 : vector<128x128xf32>
      %sub3A_220 = vector.broadcast %scan3A_90 : vector<1x1xf32> to vector<128x128xf32>
      %sub3A_221 = arith.subf %get3A_33, %sub3A_220 : vector<128x128xf32>
      %sub3A_222 = vector.broadcast %scan3A_91 : vector<1x1xf32> to vector<128x128xf32>
      %sub3A_223 = arith.subf %get3A_53, %sub3A_222 : vector<128x128xf32>
      %mul3A_224 = arith.mulf %sub3A_219, %sub3A_219 : vector<128x128xf32>
      %mul3A_225 = arith.mulf %sub3A_221, %sub3A_221 : vector<128x128xf32>
      %add3A_226 = arith.addf %mul3A_224, %mul3A_225 : vector<128x128xf32>
      %mul3A_227 = arith.mulf %sub3A_223, %sub3A_223 : vector<128x128xf32>
      %add3A_228 = arith.addf %add3A_226, %mul3A_227 : vector<128x128xf32>
      %min3A_229 = arith.minimumf %scan3A_88, %add3A_228 : vector<128x128xf32>
      %reduce_max3A_230 = vector.shape_cast %min3A_229 : vector<128x128xf32> to vector<1x128x128xf32>
      %reduce_max3A_231 = arith.constant dense<0xFF800000> : vector<1xf32>
      %reduce_max3A_232 = vector.multi_reduction <maximumf>, %reduce_max3A_230, %reduce_max3A_231 [1, 2] : vector<1x128x128xf32> to vector<1xf32>
      %reduce_max3A_233 = vector.shape_cast %reduce_max3A_232 : vector<1xf32> to vector<1x1x1xf32>
      %reduce_max3A_234 = vector.extract %reduce_max3A_233[0, 0, 0] : f32 from vector<1x1x1xf32>
      %eq3A_235 = vector.broadcast %reduce_max3A_234 : f32 to vector<128x128xf32>
      %eq3A_236 = arith.cmpf oeq, %min3A_229, %eq3A_235 : vector<128x128xf32>
      %jit3A_237 = arith.constant 1.000000e+09 : f32
      %broadcast_in_dim3A_238 = vector.broadcast %jit3A_237 : f32 to vector<128x128xf32>
      %select_n3A_239 = arith.select %eq3A_236, %convert_element_type3A, %broadcast_in_dim3A_238 : vector<128x128xi1>, vector<128x128xf32>
      %reduce_min3A_240 = vector.shape_cast %select_n3A_239 : vector<128x128xf32> to vector<1x128x128xf32>
      %reduce_min3A_241 = arith.constant dense<0x7F800000> : vector<1xf32>
      %reduce_min3A_242 = vector.multi_reduction <minimumf>, %reduce_min3A_240, %reduce_min3A_241 [1, 2] : vector<1x128x128xf32> to vector<1xf32>
      %reduce_min3A_243 = vector.shape_cast %reduce_min3A_242 : vector<1xf32> to vector<1x1x1xf32>
      %reduce_min3A_244 = vector.extract %reduce_min3A_243[0, 0, 0] : f32 from vector<1x1x1xf32>
      %eq3A_245 = vector.broadcast %reduce_min3A_244 : f32 to vector<128x128xf32>
      %eq3A_246 = arith.cmpf oeq, %select_n3A_239, %eq3A_245 : vector<128x128xf32>
      %jit3A_247 = arith.constant 0.000000e+00 : f32
      %broadcast_in_dim3A_248 = vector.broadcast %jit3A_247 : f32 to vector<128x128xf32>
      %select_n3A_249 = arith.select %eq3A_246, %get3A_13, %broadcast_in_dim3A_248 : vector<128x128xi1>, vector<128x128xf32>
      %reduce_sum3A_250 = vector.shape_cast %select_n3A_249 : vector<128x128xf32> to vector<1x128x128xf32>
      %reduce_sum3A_251 = arith.constant dense<0.000000e+00> : vector<1xf32>
      %reduce_sum3A_252 = vector.multi_reduction <add>, %reduce_sum3A_250, %reduce_sum3A_251 [1, 2] : vector<1x128x128xf32> to vector<1xf32>
      %reduce_sum3A_253 = vector.shape_cast %reduce_sum3A_252 : vector<1xf32> to vector<1x1x1xf32>
      %reduce_sum3A_254 = vector.extract %reduce_sum3A_253[0, 0, 0] : f32 from vector<1x1x1xf32>
      %reshape3A_255 = vector.broadcast %reduce_sum3A_254 : f32 to vector<1x1xf32>
      %jit3A_256 = arith.constant 0.000000e+00 : f32
      %broadcast_in_dim3A_257 = vector.broadcast %jit3A_256 : f32 to vector<128x128xf32>
      %select_n3A_258 = arith.select %eq3A_246, %get3A_33, %broadcast_in_dim3A_257 : vector<128x128xi1>, vector<128x128xf32>
      %reduce_sum3A_259 = vector.shape_cast %select_n3A_258 : vector<128x128xf32> to vector<1x128x128xf32>
      %reduce_sum3A_260 = arith.constant dense<0.000000e+00> : vector<1xf32>
      %reduce_sum3A_261 = vector.multi_reduction <add>, %reduce_sum3A_259, %reduce_sum3A_260 [1, 2] : vector<1x128x128xf32> to vector<1xf32>
      %reduce_sum3A_262 = vector.shape_cast %reduce_sum3A_261 : vector<1xf32> to vector<1x1x1xf32>
      %reduce_sum3A_263 = vector.extract %reduce_sum3A_262[0, 0, 0] : f32 from vector<1x1x1xf32>
      %reshape3A_264 = vector.broadcast %reduce_sum3A_263 : f32 to vector<1x1xf32>
      %jit3A_265 = arith.constant 0.000000e+00 : f32
      %broadcast_in_dim3A_266 = vector.broadcast %jit3A_265 : f32 to vector<128x128xf32>
      %select_n3A_267 = arith.select %eq3A_246, %get3A_53, %broadcast_in_dim3A_266 : vector<128x128xi1>, vector<128x128xf32>
      %reduce_sum3A_268 = vector.shape_cast %select_n3A_267 : vector<128x128xf32> to vector<1x128x128xf32>
      %reduce_sum3A_269 = arith.constant dense<0.000000e+00> : vector<1xf32>
      %reduce_sum3A_270 = vector.multi_reduction <add>, %reduce_sum3A_268, %reduce_sum3A_269 [1, 2] : vector<1x128x128xf32> to vector<1xf32>
      %reduce_sum3A_271 = vector.shape_cast %reduce_sum3A_270 : vector<1xf32> to vector<1x1x1xf32>
      %reduce_sum3A_272 = vector.extract %reduce_sum3A_271[0, 0, 0] : f32 from vector<1x1x1xf32>
      %reshape3A_273 = vector.broadcast %reduce_sum3A_272 : f32 to vector<1x1xf32>
      %concatenate3A_274 = tpu.concatenate %scan3A_93, %scan3A_94, %scan3A_95 in 1 : vector<1x1xf32>, vector<1x1xf32>, vector<1x1xf32> -> vector<1x3xf32>
      %swap3A_275 = arith.constant 3 : index
      %swap3A_276 = arith.index_cast %scan3A_79 : i32 to index
      %swap3A_277 = arith.constant 0 : index
      %swap3A_278 = vector.load %arg4[%swap3A_275, %swap3A_276, %swap3A_277] : memref<4x1024x3xf32, #tpu.memory_space<vmem>>, vector<1x1x3xf32>
      %swap3A_279 = vector.shape_cast %swap3A_278 : vector<1x1x3xf32> to vector<1x3xf32>
      %swap3A_280 = vector.shape_cast %concatenate3A_274 : vector<1x3xf32> to vector<1x1x3xf32>
      tpu.vector_store %arg4[%swap3A_275, %swap3A_276, %swap3A_277], %swap3A_280 {strides = array<i32>} : memref<4x1024x3xf32, #tpu.memory_space<vmem>>, vector<1x1x3xf32>,
      %sub3A_281 = vector.broadcast %scan3A_93 : vector<1x1xf32> to vector<128x128xf32>
      %sub3A_282 = arith.subf %get3A_18, %sub3A_281 : vector<128x128xf32>
      %sub3A_283 = vector.broadcast %scan3A_94 : vector<1x1xf32> to vector<128x128xf32>
      %sub3A_284 = arith.subf %get3A_38, %sub3A_283 : vector<128x128xf32>
      %sub3A_285 = vector.broadcast %scan3A_95 : vector<1x1xf32> to vector<128x128xf32>
      %sub3A_286 = arith.subf %get3A_58, %sub3A_285 : vector<128x128xf32>
      %mul3A_287 = arith.mulf %sub3A_282, %sub3A_282 : vector<128x128xf32>
      %mul3A_288 = arith.mulf %sub3A_284, %sub3A_284 : vector<128x128xf32>
      %add3A_289 = arith.addf %mul3A_287, %mul3A_288 : vector<128x128xf32>
      %mul3A_290 = arith.mulf %sub3A_286, %sub3A_286 : vector<128x128xf32>
      %add3A_291 = arith.addf %add3A_289, %mul3A_290 : vector<128x128xf32>
      %min3A_292 = arith.minimumf %scan3A_92, %add3A_291 : vector<128x128xf32>
      %reduce_max3A_293 = vector.shape_cast %min3A_292 : vector<128x128xf32> to vector<1x128x128xf32>
      %reduce_max3A_294 = arith.constant dense<0xFF800000> : vector<1xf32>
      %reduce_max3A_295 = vector.multi_reduction <maximumf>, %reduce_max3A_293, %reduce_max3A_294 [1, 2] : vector<1x128x128xf32> to vector<1xf32>
      %reduce_max3A_296 = vector.shape_cast %reduce_max3A_295 : vector<1xf32> to vector<1x1x1xf32>
      %reduce_max3A_297 = vector.extract %reduce_max3A_296[0, 0, 0] : f32 from vector<1x1x1xf32>
      %eq3A_298 = vector.broadcast %reduce_max3A_297 : f32 to vector<128x128xf32>
      %eq3A_299 = arith.cmpf oeq, %min3A_292, %eq3A_298 : vector<128x128xf32>
      %jit3A_300 = arith.constant 1.000000e+09 : f32
      %broadcast_in_dim3A_301 = vector.broadcast %jit3A_300 : f32 to vector<128x128xf32>
      %select_n3A_302 = arith.select %eq3A_299, %convert_element_type3A, %broadcast_in_dim3A_301 : vector<128x128xi1>, vector<128x128xf32>
      %reduce_min3A_303 = vector.shape_cast %select_n3A_302 : vector<128x128xf32> to vector<1x128x128xf32>
      %reduce_min3A_304 = arith.constant dense<0x7F800000> : vector<1xf32>
      %reduce_min3A_305 = vector.multi_reduction <minimumf>, %reduce_min3A_303, %reduce_min3A_304 [1, 2] : vector<1x128x128xf32> to vector<1xf32>
      %reduce_min3A_306 = vector.shape_cast %reduce_min3A_305 : vector<1xf32> to vector<1x1x1xf32>
      %reduce_min3A_307 = vector.extract %reduce_min3A_306[0, 0, 0] : f32 from vector<1x1x1xf32>
      %eq3A_308 = vector.broadcast %reduce_min3A_307 : f32 to vector<128x128xf32>
      %eq3A_309 = arith.cmpf oeq, %select_n3A_302, %eq3A_308 : vector<128x128xf32>
      %jit3A_310 = arith.constant 0.000000e+00 : f32
      %broadcast_in_dim3A_311 = vector.broadcast %jit3A_310 : f32 to vector<128x128xf32>
      %select_n3A_312 = arith.select %eq3A_309, %get3A_18, %broadcast_in_dim3A_311 : vector<128x128xi1>, vector<128x128xf32>
      %reduce_sum3A_313 = vector.shape_cast %select_n3A_312 : vector<128x128xf32> to vector<1x128x128xf32>
      %reduce_sum3A_314 = arith.constant dense<0.000000e+00> : vector<1xf32>
      %reduce_sum3A_315 = vector.multi_reduction <add>, %reduce_sum3A_313, %reduce_sum3A_314 [1, 2] : vector<1x128x128xf32> to vector<1xf32>
      %reduce_sum3A_316 = vector.shape_cast %reduce_sum3A_315 : vector<1xf32> to vector<1x1x1xf32>
      %reduce_sum3A_317 = vector.extract %reduce_sum3A_316[0, 0, 0] : f32 from vector<1x1x1xf32>
      %reshape3A_318 = vector.broadcast %reduce_sum3A_317 : f32 to vector<1x1xf32>
      %jit3A_319 = arith.constant 0.000000e+00 : f32
      %broadcast_in_dim3A_320 = vector.broadcast %jit3A_319 : f32 to vector<128x128xf32>
      %select_n3A_321 = arith.select %eq3A_309, %get3A_38, %broadcast_in_dim3A_320 : vector<128x128xi1>, vector<128x128xf32>
      %reduce_sum3A_322 = vector.shape_cast %select_n3A_321 : vector<128x128xf32> to vector<1x128x128xf32>
      %reduce_sum3A_323 = arith.constant dense<0.000000e+00> : vector<1xf32>
      %reduce_sum3A_324 = vector.multi_reduction <add>, %reduce_sum3A_322, %reduce_sum3A_323 [1, 2] : vector<1x128x128xf32> to vector<1xf32>
      %reduce_sum3A_325 = vector.shape_cast %reduce_sum3A_324 : vector<1xf32> to vector<1x1x1xf32>
      %reduce_sum3A_326 = vector.extract %reduce_sum3A_325[0, 0, 0] : f32 from vector<1x1x1xf32>
      %reshape3A_327 = vector.broadcast %reduce_sum3A_326 : f32 to vector<1x1xf32>
      %jit3A_328 = arith.constant 0.000000e+00 : f32
      %broadcast_in_dim3A_329 = vector.broadcast %jit3A_328 : f32 to vector<128x128xf32>
      %select_n3A_330 = arith.select %eq3A_309, %get3A_58, %broadcast_in_dim3A_329 : vector<128x128xi1>, vector<128x128xf32>
      %reduce_sum3A_331 = vector.shape_cast %select_n3A_330 : vector<128x128xf32> to vector<1x128x128xf32>
      %reduce_sum3A_332 = arith.constant dense<0.000000e+00> : vector<1xf32>
      %reduce_sum3A_333 = vector.multi_reduction <add>, %reduce_sum3A_331, %reduce_sum3A_332 [1, 2] : vector<1x128x128xf32> to vector<1xf32>
      %reduce_sum3A_334 = vector.shape_cast %reduce_sum3A_333 : vector<1xf32> to vector<1x1x1xf32>
      %reduce_sum3A_335 = vector.extract %reduce_sum3A_334[0, 0, 0] : f32 from vector<1x1x1xf32>
      %reshape3A_336 = vector.broadcast %reduce_sum3A_335 : f32 to vector<1x1xf32>
      scf.yield %min3A, %reshape3A, %reshape3A_138, %reshape3A_147, %min3A_166, %reshape3A_192, %reshape3A_201, %reshape3A_210, %min3A_229, %reshape3A_255, %reshape3A_264, %reshape3A_273, %min3A_292, %reshape3A_318, %reshape3A_327, %reshape3A_336 : vector<128x128xf32>, vector<1x1xf32>, vector<1x1xf32>, vector<1x1xf32>, vector<128x128xf32>, vector<1x1xf32>, vector<1x1xf32>, vector<1x1xf32>, vector<128x128xf32>, vector<1x1xf32>, vector<1x1xf32>, vector<1x1xf32>, vector<128x128xf32>, vector<1x1xf32>, vector<1x1xf32>, vector<1x1xf32>
    }
    %scan3A_78 = arith.constant 1024 : i32
    return
  }
  func.func @transform_0(%arg0: i32) -> (i32, i32, i32) {
    %c0_i32 = arith.constant 0 : i32
    %c0_i32_0 = arith.constant 0 : i32
    %c0_i32_1 = arith.constant 0 : i32
    return %arg0, %c0_i32, %c0_i32_0 : i32, i32, i32
  }
  func.func @transform_1(%arg0: i32) -> (i32, i32, i32) {
    %c0_i32 = arith.constant 0 : i32
    %c0_i32_0 = arith.constant 0 : i32
    %c0_i32_1 = arith.constant 0 : i32
    return %arg0, %c0_i32, %c0_i32_0 : i32, i32, i32
  }
  func.func @transform_2(%arg0: i32) -> (i32, i32, i32) {
    %c0_i32 = arith.constant 0 : i32
    %c0_i32_0 = arith.constant 0 : i32
    %c0_i32_1 = arith.constant 0 : i32
    return %arg0, %c0_i32, %c0_i32_0 : i32, i32, i32
  }
  func.func @transform_3(%arg0: i32) -> (i32, i32, i32) {
    %c0_i32 = arith.constant 0 : i32
    %c0_i32_0 = arith.constant 0 : i32
    %c0_i32_1 = arith.constant 0 : i32
    return %arg0, %c0_i32, %c0_i32_0 : i32, i32, i32
  }
}

module attributes {stable_mosaic.version = 14 : i64} {
  func.func @_bq_body(%arg0: i32, %arg1: i32, %arg2: memref<1x32x3xf32, #tpu.memory_space<vmem>>, %arg3: memref<1x1x16384xf32, #tpu.memory_space<vmem>>, %arg4: memref<1x1x16384xf32, #tpu.memory_space<vmem>>, %arg5: memref<1x1x16384xf32, #tpu.memory_space<vmem>>, %arg6: memref<1024x1024xbf16, #tpu.memory_space<vmem>>, %arg7: memref<1x32x32xi32, #tpu.memory_space<vmem>>) attributes {dimension_semantics = [#tpu.dimension_semantics<parallel>, #tpu.dimension_semantics<arbitrary>], iteration_bounds = array<i64: 4, 32>, scalar_prefetch = 0 : i64, scratch_operands = 0 : i64, tpu.core_type = #tpu.core_type<tc>, window_params = [{transform_indices = @transform_0, window_bounds = array<i64: 1, 32, 3>}, {transform_indices = @transform_1, window_bounds = array<i64: 1, 1, 16384>}, {transform_indices = @transform_2, window_bounds = array<i64: 1, 1, 16384>}, {transform_indices = @transform_3, window_bounds = array<i64: 1, 1, 16384>}, {pipeline_mode = #tpu.pipeline_mode<synchronous>, transform_indices = @transform_4, window_bounds = array<i64: 1024, 1024>}, {transform_indices = @transform_5, window_bounds = array<i64: 1, 32, 32>}]} {
    %get3A = arith.constant 0 : index
    %get3A_0 = arith.constant 0 : index
    %get3A_1 = arith.constant 0 : index
    %get3A_2 = vector.load %arg2[%get3A, %get3A_0, %get3A_1] : memref<1x32x3xf32, #tpu.memory_space<vmem>>, vector<1x32x3xf32>
    %get3A_3 = vector.shape_cast %get3A_2 : vector<1x32x3xf32> to vector<32x3xf32>
    %slice3A = vector.extract_strided_slice %get3A_3 {offsets = [0, 0], sizes = [32, 1], strides = [1, 1]} : vector<32x3xf32> to vector<32x1xf32>
    %slice3A_4 = vector.extract_strided_slice %get3A_3 {offsets = [0, 1], sizes = [32, 1], strides = [1, 1]} : vector<32x3xf32> to vector<32x1xf32>
    %slice3A_5 = vector.extract_strided_slice %get3A_3 {offsets = [0, 2], sizes = [32, 1], strides = [1, 1]} : vector<32x3xf32> to vector<32x1xf32>
    %mul3A = arith.mulf %slice3A, %slice3A : vector<32x1xf32>
    %mul3A_6 = arith.mulf %slice3A_4, %slice3A_4 : vector<32x1xf32>
    %add3A = arith.addf %mul3A, %mul3A_6 : vector<32x1xf32>
    %mul3A_7 = arith.mulf %slice3A_5, %slice3A_5 : vector<32x1xf32>
    %add3A_8 = arith.addf %add3A, %mul3A_7 : vector<32x1xf32>
    %convert_element_type3A = arith.truncf %slice3A : vector<32x1xf32> to vector<32x1xbf16>
    %convert_element_type3A_9 = arith.extf %convert_element_type3A : vector<32x1xbf16> to vector<32x1xf32>
    %convert_element_type3A_10 = arith.truncf %slice3A_4 : vector<32x1xf32> to vector<32x1xbf16>
    %convert_element_type3A_11 = arith.extf %convert_element_type3A_10 : vector<32x1xbf16> to vector<32x1xf32>
    %convert_element_type3A_12 = arith.truncf %slice3A_5 : vector<32x1xf32> to vector<32x1xbf16>
    %convert_element_type3A_13 = arith.extf %convert_element_type3A_12 : vector<32x1xbf16> to vector<32x1xf32>
    %get3A_14 = arith.constant 0 : index
    %get3A_15 = arith.constant 0 : index
    %get3A_16 = vector.load %arg6[%get3A_14, %get3A_15] : memref<1024x1024xbf16, #tpu.memory_space<vmem>>, vector<1024x1024xbf16>
    %iota3A = tpu.iota {dimensions = array<i32: 1>} : vector<32x1024xi32>
    %convert_element_type3A_17 = arith.sitofp %iota3A : vector<32x1024xi32> to vector<32x1024xf32>
    %broadcast_in_dim3A = arith.constant 1.000000e+09 : f32
    %broadcast_in_dim3A_18 = vector.broadcast %broadcast_in_dim3A : f32 to vector<32x32xf32>
    %broadcast_in_dim3A_19 = arith.constant 0.000000e+00 : f32
    %broadcast_in_dim3A_20 = vector.broadcast %broadcast_in_dim3A_19 : f32 to vector<32x1xf32>
    %scan3A = arith.constant 0 : i32
    %scan3A_21 = arith.constant 4 : i32
    %scan3A_22 = arith.addi %scan3A, %scan3A_21 : i32
    %scan3A_23 = arith.constant 1 : i32
    %scan3A_24:2 = scf.for %scan3A_41 = %scan3A to %scan3A_22 step %scan3A_23 iter_args(%scan3A_42 = %broadcast_in_dim3A_18, %scan3A_43 = %broadcast_in_dim3A_20) -> (vector<32x32xf32>, vector<32x1xf32>)  : i32 {
      %mul3A_44 = arith.constant 4 : i32
      %mul3A_45 = arith.muli %mul3A_44, %scan3A_41 : i32
      %add3A_46 = arith.constant 0 : i32
      %add3A_47 = arith.addi %mul3A_45, %add3A_46 : i32
      %mul3A_48 = arith.constant 1024 : i32
      %mul3A_49 = arith.muli %add3A_47, %mul3A_48 : i32
      %get3A_50 = arith.constant 0 : index
      %get3A_51 = arith.constant 0 : index
      %get3A_52 = arith.index_cast %mul3A_49 : i32 to index
      %get3A_53 = vector.load %arg3[%get3A_50, %get3A_51, %get3A_52] : memref<1x1x16384xf32, #tpu.memory_space<vmem>>, vector<1x1x1024xf32>
      %get3A_54 = vector.shape_cast %get3A_53 : vector<1x1x1024xf32> to vector<1x1024xf32>
      %get3A_55 = arith.constant 0 : index
      %get3A_56 = arith.constant 0 : index
      %get3A_57 = arith.index_cast %mul3A_49 : i32 to index
      %get3A_58 = vector.load %arg4[%get3A_55, %get3A_56, %get3A_57] : memref<1x1x16384xf32, #tpu.memory_space<vmem>>, vector<1x1x1024xf32>
      %get3A_59 = vector.shape_cast %get3A_58 : vector<1x1x1024xf32> to vector<1x1024xf32>
      %get3A_60 = arith.constant 0 : index
      %get3A_61 = arith.constant 0 : index
      %get3A_62 = arith.index_cast %mul3A_49 : i32 to index
      %get3A_63 = vector.load %arg5[%get3A_60, %get3A_61, %get3A_62] : memref<1x1x16384xf32, #tpu.memory_space<vmem>>, vector<1x1x1024xf32>
      %get3A_64 = vector.shape_cast %get3A_63 : vector<1x1x1024xf32> to vector<1x1024xf32>
      %mul3A_65 = arith.mulf %get3A_54, %get3A_54 : vector<1x1024xf32>
      %mul3A_66 = arith.mulf %get3A_59, %get3A_59 : vector<1x1024xf32>
      %add3A_67 = arith.addf %mul3A_65, %mul3A_66 : vector<1x1024xf32>
      %mul3A_68 = arith.mulf %get3A_64, %get3A_64 : vector<1x1024xf32>
      %add3A_69 = arith.addf %add3A_67, %mul3A_68 : vector<1x1024xf32>
      %convert_element_type3A_70 = arith.truncf %get3A_54 : vector<1x1024xf32> to vector<1x1024xbf16>
      %convert_element_type3A_71 = arith.extf %convert_element_type3A_70 : vector<1x1024xbf16> to vector<1x1024xf32>
      %convert_element_type3A_72 = arith.truncf %get3A_59 : vector<1x1024xf32> to vector<1x1024xbf16>
      %convert_element_type3A_73 = arith.extf %convert_element_type3A_72 : vector<1x1024xbf16> to vector<1x1024xf32>
      %convert_element_type3A_74 = arith.truncf %get3A_64 : vector<1x1024xf32> to vector<1x1024xbf16>
      %convert_element_type3A_75 = arith.extf %convert_element_type3A_74 : vector<1x1024xbf16> to vector<1x1024xf32>
      %mul3A_76 = vector.broadcast %convert_element_type3A_9 : vector<32x1xf32> to vector<32x1024xf32>
      %mul3A_77 = vector.broadcast %convert_element_type3A_71 : vector<1x1024xf32> to vector<32x1024xf32>
      %mul3A_78 = arith.mulf %mul3A_76, %mul3A_77 : vector<32x1024xf32>
      %mul3A_79 = vector.broadcast %convert_element_type3A_11 : vector<32x1xf32> to vector<32x1024xf32>
      %mul3A_80 = vector.broadcast %convert_element_type3A_73 : vector<1x1024xf32> to vector<32x1024xf32>
      %mul3A_81 = arith.mulf %mul3A_79, %mul3A_80 : vector<32x1024xf32>
      %add3A_82 = arith.addf %mul3A_78, %mul3A_81 : vector<32x1024xf32>
      %mul3A_83 = vector.broadcast %convert_element_type3A_13 : vector<32x1xf32> to vector<32x1024xf32>
      %mul3A_84 = vector.broadcast %convert_element_type3A_75 : vector<1x1024xf32> to vector<32x1024xf32>
      %mul3A_85 = arith.mulf %mul3A_83, %mul3A_84 : vector<32x1024xf32>
      %add3A_86 = arith.addf %add3A_82, %mul3A_85 : vector<32x1024xf32>
      %add3A_87 = vector.broadcast %add3A_8 : vector<32x1xf32> to vector<32x1024xf32>
      %add3A_88 = vector.broadcast %add3A_69 : vector<1x1024xf32> to vector<32x1024xf32>
      %add3A_89 = arith.addf %add3A_87, %add3A_88 : vector<32x1024xf32>
      %mul3A_90 = arith.constant 2.000000e+00 : f32
      %mul3A_91 = vector.broadcast %mul3A_90 : f32 to vector<32x1024xf32>
      %mul3A_92 = arith.mulf %mul3A_91, %add3A_86 : vector<32x1024xf32>
      %sub3A = arith.subf %add3A_89, %mul3A_92 : vector<32x1024xf32>
      %le3A = arith.constant 0.00999999977 : f32
      %le3A_93 = vector.broadcast %le3A : f32 to vector<32x1024xf32>
      %le3A_94 = arith.cmpf ole, %sub3A, %le3A_93 : vector<32x1024xf32>
      %convert_element_type3A_95 = arith.extui %le3A_94 : vector<32x1024xi1> to vector<32x1024xi32>
      %convert_element_type3A_96 = arith.sitofp %convert_element_type3A_95 : vector<32x1024xi32> to vector<32x1024xf32>
      %convert_element_type3A_97 = arith.truncf %convert_element_type3A_96 : vector<32x1024xf32> to vector<32x1024xbf16>
      %dot_general3A = arith.constant dense<0.000000e+00> : vector<32x1024xf32>
      %dot_general3A_98 = tpu.matmul %convert_element_type3A_97, %get3A_16, %dot_general3A {dimension_numbers = #tpu.dot_dimension_numbers<[1], [0], [0], [1], [0, 0, 1, 1], [], []>, transpose_lhs_hint = false} : vector<32x1024xbf16>, vector<1024x1024xbf16>, vector<32x1024xf32> -> vector<32x1024xf32>
      %add3A_99 = vector.broadcast %scan3A_43 : vector<32x1xf32> to vector<32x1024xf32>
      %add3A_100 = arith.addf %dot_general3A_98, %add3A_99 : vector<32x1024xf32>
      %mul3A_101 = arith.constant 1024 : i32
      %mul3A_102 = arith.muli %add3A_47, %mul3A_101 : i32
      %convert_element_type3A_103 = arith.sitofp %mul3A_102 : i32 to f32
      %add3A_104 = vector.broadcast %convert_element_type3A_103 : f32 to vector<32x1024xf32>
      %add3A_105 = arith.addf %convert_element_type3A_17, %add3A_104 : vector<32x1024xf32>
      %ge3A_106 = arith.constant 1.000000e+00 : f32
      %ge3A_107 = vector.broadcast %ge3A_106 : f32 to vector<32x1024xf32>
      %ge3A_108 = arith.cmpf oge, %add3A_100, %ge3A_107 : vector<32x1024xf32>
      %jit3A = arith.constant 1.000000e+09 : f32
      %broadcast_in_dim3A_109 = vector.broadcast %jit3A : f32 to vector<32x1024xf32>
      %select_n3A_110 = arith.select %ge3A_108, %add3A_105, %broadcast_in_dim3A_109 : vector<32x1024xi1>, vector<32x1024xf32>
      %reduce_min3A = arith.constant dense<0x7F800000> : vector<32xf32>
      %reduce_min3A_111 = vector.multi_reduction <minimumf>, %select_n3A_110, %reduce_min3A [1] : vector<32x1024xf32> to vector<32xf32>
      %broadcast_in_dim3A_112 = vector.shape_cast %reduce_min3A_111 : vector<32xf32> to vector<32x1xf32>
      %ge3A_113 = arith.constant 2.000000e+00 : f32
      %ge3A_114 = vector.broadcast %ge3A_113 : f32 to vector<32x1024xf32>
      %ge3A_115 = arith.cmpf oge, %add3A_100, %ge3A_114 : vector<32x1024xf32>
      %jit3A_116 = arith.constant 1.000000e+09 : f32
      %broadcast_in_dim3A_117 = vector.broadcast %jit3A_116 : f32 to vector<32x1024xf32>
      %select_n3A_118 = arith.select %ge3A_115, %add3A_105, %broadcast_in_dim3A_117 : vector<32x1024xi1>, vector<32x1024xf32>
      %reduce_min3A_119 = arith.constant dense<0x7F800000> : vector<32xf32>
      %reduce_min3A_120 = vector.multi_reduction <minimumf>, %select_n3A_118, %reduce_min3A_119 [1] : vector<32x1024xf32> to vector<32xf32>
      %broadcast_in_dim3A_121 = vector.shape_cast %reduce_min3A_120 : vector<32xf32> to vector<32x1xf32>
      %ge3A_122 = arith.constant 3.000000e+00 : f32
      %ge3A_123 = vector.broadcast %ge3A_122 : f32 to vector<32x1024xf32>
      %ge3A_124 = arith.cmpf oge, %add3A_100, %ge3A_123 : vector<32x1024xf32>
      %jit3A_125 = arith.constant 1.000000e+09 : f32
      %broadcast_in_dim3A_126 = vector.broadcast %jit3A_125 : f32 to vector<32x1024xf32>
      %select_n3A_127 = arith.select %ge3A_124, %add3A_105, %broadcast_in_dim3A_126 : vector<32x1024xi1>, vector<32x1024xf32>
      %reduce_min3A_128 = arith.constant dense<0x7F800000> : vector<32xf32>
      %reduce_min3A_129 = vector.multi_reduction <minimumf>, %select_n3A_127, %reduce_min3A_128 [1] : vector<32x1024xf32> to vector<32xf32>
      %broadcast_in_dim3A_130 = vector.shape_cast %reduce_min3A_129 : vector<32xf32> to vector<32x1xf32>
      %ge3A_131 = arith.constant 4.000000e+00 : f32
      %ge3A_132 = vector.broadcast %ge3A_131 : f32 to vector<32x1024xf32>
      %ge3A_133 = arith.cmpf oge, %add3A_100, %ge3A_132 : vector<32x1024xf32>
      %jit3A_134 = arith.constant 1.000000e+09 : f32
      %broadcast_in_dim3A_135 = vector.broadcast %jit3A_134 : f32 to vector<32x1024xf32>
      %select_n3A_136 = arith.select %ge3A_133, %add3A_105, %broadcast_in_dim3A_135 : vector<32x1024xi1>, vector<32x1024xf32>
      %reduce_min3A_137 = arith.constant dense<0x7F800000> : vector<32xf32>
      %reduce_min3A_138 = vector.multi_reduction <minimumf>, %select_n3A_136, %reduce_min3A_137 [1] : vector<32x1024xf32> to vector<32xf32>
      %broadcast_in_dim3A_139 = vector.shape_cast %reduce_min3A_138 : vector<32xf32> to vector<32x1xf32>
      %ge3A_140 = arith.constant 5.000000e+00 : f32
      %ge3A_141 = vector.broadcast %ge3A_140 : f32 to vector<32x1024xf32>
      %ge3A_142 = arith.cmpf oge, %add3A_100, %ge3A_141 : vector<32x1024xf32>
      %jit3A_143 = arith.constant 1.000000e+09 : f32
      %broadcast_in_dim3A_144 = vector.broadcast %jit3A_143 : f32 to vector<32x1024xf32>
      %select_n3A_145 = arith.select %ge3A_142, %add3A_105, %broadcast_in_dim3A_144 : vector<32x1024xi1>, vector<32x1024xf32>
      %reduce_min3A_146 = arith.constant dense<0x7F800000> : vector<32xf32>
      %reduce_min3A_147 = vector.multi_reduction <minimumf>, %select_n3A_145, %reduce_min3A_146 [1] : vector<32x1024xf32> to vector<32xf32>
      %broadcast_in_dim3A_148 = vector.shape_cast %reduce_min3A_147 : vector<32xf32> to vector<32x1xf32>
      %ge3A_149 = arith.constant 6.000000e+00 : f32
      %ge3A_150 = vector.broadcast %ge3A_149 : f32 to vector<32x1024xf32>
      %ge3A_151 = arith.cmpf oge, %add3A_100, %ge3A_150 : vector<32x1024xf32>
      %jit3A_152 = arith.constant 1.000000e+09 : f32
      %broadcast_in_dim3A_153 = vector.broadcast %jit3A_152 : f32 to vector<32x1024xf32>
      %select_n3A_154 = arith.select %ge3A_151, %add3A_105, %broadcast_in_dim3A_153 : vector<32x1024xi1>, vector<32x1024xf32>
      %reduce_min3A_155 = arith.constant dense<0x7F800000> : vector<32xf32>
      %reduce_min3A_156 = vector.multi_reduction <minimumf>, %select_n3A_154, %reduce_min3A_155 [1] : vector<32x1024xf32> to vector<32xf32>
      %broadcast_in_dim3A_157 = vector.shape_cast %reduce_min3A_156 : vector<32xf32> to vector<32x1xf32>
      %ge3A_158 = arith.constant 7.000000e+00 : f32
      %ge3A_159 = vector.broadcast %ge3A_158 : f32 to vector<32x1024xf32>
      %ge3A_160 = arith.cmpf oge, %add3A_100, %ge3A_159 : vector<32x1024xf32>
      %jit3A_161 = arith.constant 1.000000e+09 : f32
      %broadcast_in_dim3A_162 = vector.broadcast %jit3A_161 : f32 to vector<32x1024xf32>
      %select_n3A_163 = arith.select %ge3A_160, %add3A_105, %broadcast_in_dim3A_162 : vector<32x1024xi1>, vector<32x1024xf32>
      %reduce_min3A_164 = arith.constant dense<0x7F800000> : vector<32xf32>
      %reduce_min3A_165 = vector.multi_reduction <minimumf>, %select_n3A_163, %reduce_min3A_164 [1] : vector<32x1024xf32> to vector<32xf32>
      %broadcast_in_dim3A_166 = vector.shape_cast %reduce_min3A_165 : vector<32xf32> to vector<32x1xf32>
      %ge3A_167 = arith.constant 8.000000e+00 : f32
      %ge3A_168 = vector.broadcast %ge3A_167 : f32 to vector<32x1024xf32>
      %ge3A_169 = arith.cmpf oge, %add3A_100, %ge3A_168 : vector<32x1024xf32>
      %jit3A_170 = arith.constant 1.000000e+09 : f32
      %broadcast_in_dim3A_171 = vector.broadcast %jit3A_170 : f32 to vector<32x1024xf32>
      %select_n3A_172 = arith.select %ge3A_169, %add3A_105, %broadcast_in_dim3A_171 : vector<32x1024xi1>, vector<32x1024xf32>
      %reduce_min3A_173 = arith.constant dense<0x7F800000> : vector<32xf32>
      %reduce_min3A_174 = vector.multi_reduction <minimumf>, %select_n3A_172, %reduce_min3A_173 [1] : vector<32x1024xf32> to vector<32xf32>
      %broadcast_in_dim3A_175 = vector.shape_cast %reduce_min3A_174 : vector<32xf32> to vector<32x1xf32>
      %ge3A_176 = arith.constant 9.000000e+00 : f32
      %ge3A_177 = vector.broadcast %ge3A_176 : f32 to vector<32x1024xf32>
      %ge3A_178 = arith.cmpf oge, %add3A_100, %ge3A_177 : vector<32x1024xf32>
      %jit3A_179 = arith.constant 1.000000e+09 : f32
      %broadcast_in_dim3A_180 = vector.broadcast %jit3A_179 : f32 to vector<32x1024xf32>
      %select_n3A_181 = arith.select %ge3A_178, %add3A_105, %broadcast_in_dim3A_180 : vector<32x1024xi1>, vector<32x1024xf32>
      %reduce_min3A_182 = arith.constant dense<0x7F800000> : vector<32xf32>
      %reduce_min3A_183 = vector.multi_reduction <minimumf>, %select_n3A_181, %reduce_min3A_182 [1] : vector<32x1024xf32> to vector<32xf32>
      %broadcast_in_dim3A_184 = vector.shape_cast %reduce_min3A_183 : vector<32xf32> to vector<32x1xf32>
      %ge3A_185 = arith.constant 1.000000e+01 : f32
      %ge3A_186 = vector.broadcast %ge3A_185 : f32 to vector<32x1024xf32>
      %ge3A_187 = arith.cmpf oge, %add3A_100, %ge3A_186 : vector<32x1024xf32>
      %jit3A_188 = arith.constant 1.000000e+09 : f32
      %broadcast_in_dim3A_189 = vector.broadcast %jit3A_188 : f32 to vector<32x1024xf32>
      %select_n3A_190 = arith.select %ge3A_187, %add3A_105, %broadcast_in_dim3A_189 : vector<32x1024xi1>, vector<32x1024xf32>
      %reduce_min3A_191 = arith.constant dense<0x7F800000> : vector<32xf32>
      %reduce_min3A_192 = vector.multi_reduction <minimumf>, %select_n3A_190, %reduce_min3A_191 [1] : vector<32x1024xf32> to vector<32xf32>
      %broadcast_in_dim3A_193 = vector.shape_cast %reduce_min3A_192 : vector<32xf32> to vector<32x1xf32>
      %ge3A_194 = arith.constant 1.100000e+01 : f32
      %ge3A_195 = vector.broadcast %ge3A_194 : f32 to vector<32x1024xf32>
      %ge3A_196 = arith.cmpf oge, %add3A_100, %ge3A_195 : vector<32x1024xf32>
      %jit3A_197 = arith.constant 1.000000e+09 : f32
      %broadcast_in_dim3A_198 = vector.broadcast %jit3A_197 : f32 to vector<32x1024xf32>
      %select_n3A_199 = arith.select %ge3A_196, %add3A_105, %broadcast_in_dim3A_198 : vector<32x1024xi1>, vector<32x1024xf32>
      %reduce_min3A_200 = arith.constant dense<0x7F800000> : vector<32xf32>
      %reduce_min3A_201 = vector.multi_reduction <minimumf>, %select_n3A_199, %reduce_min3A_200 [1] : vector<32x1024xf32> to vector<32xf32>
      %broadcast_in_dim3A_202 = vector.shape_cast %reduce_min3A_201 : vector<32xf32> to vector<32x1xf32>
      %ge3A_203 = arith.constant 1.200000e+01 : f32
      %ge3A_204 = vector.broadcast %ge3A_203 : f32 to vector<32x1024xf32>
      %ge3A_205 = arith.cmpf oge, %add3A_100, %ge3A_204 : vector<32x1024xf32>
      %jit3A_206 = arith.constant 1.000000e+09 : f32
      %broadcast_in_dim3A_207 = vector.broadcast %jit3A_206 : f32 to vector<32x1024xf32>
      %select_n3A_208 = arith.select %ge3A_205, %add3A_105, %broadcast_in_dim3A_207 : vector<32x1024xi1>, vector<32x1024xf32>
      %reduce_min3A_209 = arith.constant dense<0x7F800000> : vector<32xf32>
      %reduce_min3A_210 = vector.multi_reduction <minimumf>, %select_n3A_208, %reduce_min3A_209 [1] : vector<32x1024xf32> to vector<32xf32>
      %broadcast_in_dim3A_211 = vector.shape_cast %reduce_min3A_210 : vector<32xf32> to vector<32x1xf32>
      %ge3A_212 = arith.constant 1.300000e+01 : f32
      %ge3A_213 = vector.broadcast %ge3A_212 : f32 to vector<32x1024xf32>
      %ge3A_214 = arith.cmpf oge, %add3A_100, %ge3A_213 : vector<32x1024xf32>
      %jit3A_215 = arith.constant 1.000000e+09 : f32
      %broadcast_in_dim3A_216 = vector.broadcast %jit3A_215 : f32 to vector<32x1024xf32>
      %select_n3A_217 = arith.select %ge3A_214, %add3A_105, %broadcast_in_dim3A_216 : vector<32x1024xi1>, vector<32x1024xf32>
      %reduce_min3A_218 = arith.constant dense<0x7F800000> : vector<32xf32>
      %reduce_min3A_219 = vector.multi_reduction <minimumf>, %select_n3A_217, %reduce_min3A_218 [1] : vector<32x1024xf32> to vector<32xf32>
      %broadcast_in_dim3A_220 = vector.shape_cast %reduce_min3A_219 : vector<32xf32> to vector<32x1xf32>
      %ge3A_221 = arith.constant 1.400000e+01 : f32
      %ge3A_222 = vector.broadcast %ge3A_221 : f32 to vector<32x1024xf32>
      %ge3A_223 = arith.cmpf oge, %add3A_100, %ge3A_222 : vector<32x1024xf32>
      %jit3A_224 = arith.constant 1.000000e+09 : f32
      %broadcast_in_dim3A_225 = vector.broadcast %jit3A_224 : f32 to vector<32x1024xf32>
      %select_n3A_226 = arith.select %ge3A_223, %add3A_105, %broadcast_in_dim3A_225 : vector<32x1024xi1>, vector<32x1024xf32>
      %reduce_min3A_227 = arith.constant dense<0x7F800000> : vector<32xf32>
      %reduce_min3A_228 = vector.multi_reduction <minimumf>, %select_n3A_226, %reduce_min3A_227 [1] : vector<32x1024xf32> to vector<32xf32>
      %broadcast_in_dim3A_229 = vector.shape_cast %reduce_min3A_228 : vector<32xf32> to vector<32x1xf32>
      %ge3A_230 = arith.constant 1.500000e+01 : f32
      %ge3A_231 = vector.broadcast %ge3A_230 : f32 to vector<32x1024xf32>
      %ge3A_232 = arith.cmpf oge, %add3A_100, %ge3A_231 : vector<32x1024xf32>
      %jit3A_233 = arith.constant 1.000000e+09 : f32
      %broadcast_in_dim3A_234 = vector.broadcast %jit3A_233 : f32 to vector<32x1024xf32>
      %select_n3A_235 = arith.select %ge3A_232, %add3A_105, %broadcast_in_dim3A_234 : vector<32x1024xi1>, vector<32x1024xf32>
      %reduce_min3A_236 = arith.constant dense<0x7F800000> : vector<32xf32>
      %reduce_min3A_237 = vector.multi_reduction <minimumf>, %select_n3A_235, %reduce_min3A_236 [1] : vector<32x1024xf32> to vector<32xf32>
      %broadcast_in_dim3A_238 = vector.shape_cast %reduce_min3A_237 : vector<32xf32> to vector<32x1xf32>
      %ge3A_239 = arith.constant 1.600000e+01 : f32
      %ge3A_240 = vector.broadcast %ge3A_239 : f32 to vector<32x1024xf32>
      %ge3A_241 = arith.cmpf oge, %add3A_100, %ge3A_240 : vector<32x1024xf32>
      %jit3A_242 = arith.constant 1.000000e+09 : f32
      %broadcast_in_dim3A_243 = vector.broadcast %jit3A_242 : f32 to vector<32x1024xf32>
      %select_n3A_244 = arith.select %ge3A_241, %add3A_105, %broadcast_in_dim3A_243 : vector<32x1024xi1>, vector<32x1024xf32>
      %reduce_min3A_245 = arith.constant dense<0x7F800000> : vector<32xf32>
      %reduce_min3A_246 = vector.multi_reduction <minimumf>, %select_n3A_244, %reduce_min3A_245 [1] : vector<32x1024xf32> to vector<32xf32>
      %broadcast_in_dim3A_247 = vector.shape_cast %reduce_min3A_246 : vector<32xf32> to vector<32x1xf32>
      %ge3A_248 = arith.constant 1.700000e+01 : f32
      %ge3A_249 = vector.broadcast %ge3A_248 : f32 to vector<32x1024xf32>
      %ge3A_250 = arith.cmpf oge, %add3A_100, %ge3A_249 : vector<32x1024xf32>
      %jit3A_251 = arith.constant 1.000000e+09 : f32
      %broadcast_in_dim3A_252 = vector.broadcast %jit3A_251 : f32 to vector<32x1024xf32>
      %select_n3A_253 = arith.select %ge3A_250, %add3A_105, %broadcast_in_dim3A_252 : vector<32x1024xi1>, vector<32x1024xf32>
      %reduce_min3A_254 = arith.constant dense<0x7F800000> : vector<32xf32>
      %reduce_min3A_255 = vector.multi_reduction <minimumf>, %select_n3A_253, %reduce_min3A_254 [1] : vector<32x1024xf32> to vector<32xf32>
      %broadcast_in_dim3A_256 = vector.shape_cast %reduce_min3A_255 : vector<32xf32> to vector<32x1xf32>
      %ge3A_257 = arith.constant 1.800000e+01 : f32
      %ge3A_258 = vector.broadcast %ge3A_257 : f32 to vector<32x1024xf32>
      %ge3A_259 = arith.cmpf oge, %add3A_100, %ge3A_258 : vector<32x1024xf32>
      %jit3A_260 = arith.constant 1.000000e+09 : f32
      %broadcast_in_dim3A_261 = vector.broadcast %jit3A_260 : f32 to vector<32x1024xf32>
      %select_n3A_262 = arith.select %ge3A_259, %add3A_105, %broadcast_in_dim3A_261 : vector<32x1024xi1>, vector<32x1024xf32>
      %reduce_min3A_263 = arith.constant dense<0x7F800000> : vector<32xf32>
      %reduce_min3A_264 = vector.multi_reduction <minimumf>, %select_n3A_262, %reduce_min3A_263 [1] : vector<32x1024xf32> to vector<32xf32>
      %broadcast_in_dim3A_265 = vector.shape_cast %reduce_min3A_264 : vector<32xf32> to vector<32x1xf32>
      %ge3A_266 = arith.constant 1.900000e+01 : f32
      %ge3A_267 = vector.broadcast %ge3A_266 : f32 to vector<32x1024xf32>
      %ge3A_268 = arith.cmpf oge, %add3A_100, %ge3A_267 : vector<32x1024xf32>
      %jit3A_269 = arith.constant 1.000000e+09 : f32
      %broadcast_in_dim3A_270 = vector.broadcast %jit3A_269 : f32 to vector<32x1024xf32>
      %select_n3A_271 = arith.select %ge3A_268, %add3A_105, %broadcast_in_dim3A_270 : vector<32x1024xi1>, vector<32x1024xf32>
      %reduce_min3A_272 = arith.constant dense<0x7F800000> : vector<32xf32>
      %reduce_min3A_273 = vector.multi_reduction <minimumf>, %select_n3A_271, %reduce_min3A_272 [1] : vector<32x1024xf32> to vector<32xf32>
      %broadcast_in_dim3A_274 = vector.shape_cast %reduce_min3A_273 : vector<32xf32> to vector<32x1xf32>
      %ge3A_275 = arith.constant 2.000000e+01 : f32
      %ge3A_276 = vector.broadcast %ge3A_275 : f32 to vector<32x1024xf32>
      %ge3A_277 = arith.cmpf oge, %add3A_100, %ge3A_276 : vector<32x1024xf32>
      %jit3A_278 = arith.constant 1.000000e+09 : f32
      %broadcast_in_dim3A_279 = vector.broadcast %jit3A_278 : f32 to vector<32x1024xf32>
      %select_n3A_280 = arith.select %ge3A_277, %add3A_105, %broadcast_in_dim3A_279 : vector<32x1024xi1>, vector<32x1024xf32>
      %reduce_min3A_281 = arith.constant dense<0x7F800000> : vector<32xf32>
      %reduce_min3A_282 = vector.multi_reduction <minimumf>, %select_n3A_280, %reduce_min3A_281 [1] : vector<32x1024xf32> to vector<32xf32>
      %broadcast_in_dim3A_283 = vector.shape_cast %reduce_min3A_282 : vector<32xf32> to vector<32x1xf32>
      %ge3A_284 = arith.constant 2.100000e+01 : f32
      %ge3A_285 = vector.broadcast %ge3A_284 : f32 to vector<32x1024xf32>
      %ge3A_286 = arith.cmpf oge, %add3A_100, %ge3A_285 : vector<32x1024xf32>
      %jit3A_287 = arith.constant 1.000000e+09 : f32
      %broadcast_in_dim3A_288 = vector.broadcast %jit3A_287 : f32 to vector<32x1024xf32>
      %select_n3A_289 = arith.select %ge3A_286, %add3A_105, %broadcast_in_dim3A_288 : vector<32x1024xi1>, vector<32x1024xf32>
      %reduce_min3A_290 = arith.constant dense<0x7F800000> : vector<32xf32>
      %reduce_min3A_291 = vector.multi_reduction <minimumf>, %select_n3A_289, %reduce_min3A_290 [1] : vector<32x1024xf32> to vector<32xf32>
      %broadcast_in_dim3A_292 = vector.shape_cast %reduce_min3A_291 : vector<32xf32> to vector<32x1xf32>
      %ge3A_293 = arith.constant 2.200000e+01 : f32
      %ge3A_294 = vector.broadcast %ge3A_293 : f32 to vector<32x1024xf32>
      %ge3A_295 = arith.cmpf oge, %add3A_100, %ge3A_294 : vector<32x1024xf32>
      %jit3A_296 = arith.constant 1.000000e+09 : f32
      %broadcast_in_dim3A_297 = vector.broadcast %jit3A_296 : f32 to vector<32x1024xf32>
      %select_n3A_298 = arith.select %ge3A_295, %add3A_105, %broadcast_in_dim3A_297 : vector<32x1024xi1>, vector<32x1024xf32>
      %reduce_min3A_299 = arith.constant dense<0x7F800000> : vector<32xf32>
      %reduce_min3A_300 = vector.multi_reduction <minimumf>, %select_n3A_298, %reduce_min3A_299 [1] : vector<32x1024xf32> to vector<32xf32>
      %broadcast_in_dim3A_301 = vector.shape_cast %reduce_min3A_300 : vector<32xf32> to vector<32x1xf32>
      %ge3A_302 = arith.constant 2.300000e+01 : f32
      %ge3A_303 = vector.broadcast %ge3A_302 : f32 to vector<32x1024xf32>
      %ge3A_304 = arith.cmpf oge, %add3A_100, %ge3A_303 : vector<32x1024xf32>
      %jit3A_305 = arith.constant 1.000000e+09 : f32
      %broadcast_in_dim3A_306 = vector.broadcast %jit3A_305 : f32 to vector<32x1024xf32>
      %select_n3A_307 = arith.select %ge3A_304, %add3A_105, %broadcast_in_dim3A_306 : vector<32x1024xi1>, vector<32x1024xf32>
      %reduce_min3A_308 = arith.constant dense<0x7F800000> : vector<32xf32>
      %reduce_min3A_309 = vector.multi_reduction <minimumf>, %select_n3A_307, %reduce_min3A_308 [1] : vector<32x1024xf32> to vector<32xf32>
      %broadcast_in_dim3A_310 = vector.shape_cast %reduce_min3A_309 : vector<32xf32> to vector<32x1xf32>
      %ge3A_311 = arith.constant 2.400000e+01 : f32
      %ge3A_312 = vector.broadcast %ge3A_311 : f32 to vector<32x1024xf32>
      %ge3A_313 = arith.cmpf oge, %add3A_100, %ge3A_312 : vector<32x1024xf32>
      %jit3A_314 = arith.constant 1.000000e+09 : f32
      %broadcast_in_dim3A_315 = vector.broadcast %jit3A_314 : f32 to vector<32x1024xf32>
      %select_n3A_316 = arith.select %ge3A_313, %add3A_105, %broadcast_in_dim3A_315 : vector<32x1024xi1>, vector<32x1024xf32>
      %reduce_min3A_317 = arith.constant dense<0x7F800000> : vector<32xf32>
      %reduce_min3A_318 = vector.multi_reduction <minimumf>, %select_n3A_316, %reduce_min3A_317 [1] : vector<32x1024xf32> to vector<32xf32>
      %broadcast_in_dim3A_319 = vector.shape_cast %reduce_min3A_318 : vector<32xf32> to vector<32x1xf32>
      %ge3A_320 = arith.constant 2.500000e+01 : f32
      %ge3A_321 = vector.broadcast %ge3A_320 : f32 to vector<32x1024xf32>
      %ge3A_322 = arith.cmpf oge, %add3A_100, %ge3A_321 : vector<32x1024xf32>
      %jit3A_323 = arith.constant 1.000000e+09 : f32
      %broadcast_in_dim3A_324 = vector.broadcast %jit3A_323 : f32 to vector<32x1024xf32>
      %select_n3A_325 = arith.select %ge3A_322, %add3A_105, %broadcast_in_dim3A_324 : vector<32x1024xi1>, vector<32x1024xf32>
      %reduce_min3A_326 = arith.constant dense<0x7F800000> : vector<32xf32>
      %reduce_min3A_327 = vector.multi_reduction <minimumf>, %select_n3A_325, %reduce_min3A_326 [1] : vector<32x1024xf32> to vector<32xf32>
      %broadcast_in_dim3A_328 = vector.shape_cast %reduce_min3A_327 : vector<32xf32> to vector<32x1xf32>
      %ge3A_329 = arith.constant 2.600000e+01 : f32
      %ge3A_330 = vector.broadcast %ge3A_329 : f32 to vector<32x1024xf32>
      %ge3A_331 = arith.cmpf oge, %add3A_100, %ge3A_330 : vector<32x1024xf32>
      %jit3A_332 = arith.constant 1.000000e+09 : f32
      %broadcast_in_dim3A_333 = vector.broadcast %jit3A_332 : f32 to vector<32x1024xf32>
      %select_n3A_334 = arith.select %ge3A_331, %add3A_105, %broadcast_in_dim3A_333 : vector<32x1024xi1>, vector<32x1024xf32>
      %reduce_min3A_335 = arith.constant dense<0x7F800000> : vector<32xf32>
      %reduce_min3A_336 = vector.multi_reduction <minimumf>, %select_n3A_334, %reduce_min3A_335 [1] : vector<32x1024xf32> to vector<32xf32>
      %broadcast_in_dim3A_337 = vector.shape_cast %reduce_min3A_336 : vector<32xf32> to vector<32x1xf32>
      %ge3A_338 = arith.constant 2.700000e+01 : f32
      %ge3A_339 = vector.broadcast %ge3A_338 : f32 to vector<32x1024xf32>
      %ge3A_340 = arith.cmpf oge, %add3A_100, %ge3A_339 : vector<32x1024xf32>
      %jit3A_341 = arith.constant 1.000000e+09 : f32
      %broadcast_in_dim3A_342 = vector.broadcast %jit3A_341 : f32 to vector<32x1024xf32>
      %select_n3A_343 = arith.select %ge3A_340, %add3A_105, %broadcast_in_dim3A_342 : vector<32x1024xi1>, vector<32x1024xf32>
      %reduce_min3A_344 = arith.constant dense<0x7F800000> : vector<32xf32>
      %reduce_min3A_345 = vector.multi_reduction <minimumf>, %select_n3A_343, %reduce_min3A_344 [1] : vector<32x1024xf32> to vector<32xf32>
      %broadcast_in_dim3A_346 = vector.shape_cast %reduce_min3A_345 : vector<32xf32> to vector<32x1xf32>
      %ge3A_347 = arith.constant 2.800000e+01 : f32
      %ge3A_348 = vector.broadcast %ge3A_347 : f32 to vector<32x1024xf32>
      %ge3A_349 = arith.cmpf oge, %add3A_100, %ge3A_348 : vector<32x1024xf32>
      %jit3A_350 = arith.constant 1.000000e+09 : f32
      %broadcast_in_dim3A_351 = vector.broadcast %jit3A_350 : f32 to vector<32x1024xf32>
      %select_n3A_352 = arith.select %ge3A_349, %add3A_105, %broadcast_in_dim3A_351 : vector<32x1024xi1>, vector<32x1024xf32>
      %reduce_min3A_353 = arith.constant dense<0x7F800000> : vector<32xf32>
      %reduce_min3A_354 = vector.multi_reduction <minimumf>, %select_n3A_352, %reduce_min3A_353 [1] : vector<32x1024xf32> to vector<32xf32>
      %broadcast_in_dim3A_355 = vector.shape_cast %reduce_min3A_354 : vector<32xf32> to vector<32x1xf32>
      %ge3A_356 = arith.constant 2.900000e+01 : f32
      %ge3A_357 = vector.broadcast %ge3A_356 : f32 to vector<32x1024xf32>
      %ge3A_358 = arith.cmpf oge, %add3A_100, %ge3A_357 : vector<32x1024xf32>
      %jit3A_359 = arith.constant 1.000000e+09 : f32
      %broadcast_in_dim3A_360 = vector.broadcast %jit3A_359 : f32 to vector<32x1024xf32>
      %select_n3A_361 = arith.select %ge3A_358, %add3A_105, %broadcast_in_dim3A_360 : vector<32x1024xi1>, vector<32x1024xf32>
      %reduce_min3A_362 = arith.constant dense<0x7F800000> : vector<32xf32>
      %reduce_min3A_363 = vector.multi_reduction <minimumf>, %select_n3A_361, %reduce_min3A_362 [1] : vector<32x1024xf32> to vector<32xf32>
      %broadcast_in_dim3A_364 = vector.shape_cast %reduce_min3A_363 : vector<32xf32> to vector<32x1xf32>
      %ge3A_365 = arith.constant 3.000000e+01 : f32
      %ge3A_366 = vector.broadcast %ge3A_365 : f32 to vector<32x1024xf32>
      %ge3A_367 = arith.cmpf oge, %add3A_100, %ge3A_366 : vector<32x1024xf32>
      %jit3A_368 = arith.constant 1.000000e+09 : f32
      %broadcast_in_dim3A_369 = vector.broadcast %jit3A_368 : f32 to vector<32x1024xf32>
      %select_n3A_370 = arith.select %ge3A_367, %add3A_105, %broadcast_in_dim3A_369 : vector<32x1024xi1>, vector<32x1024xf32>
      %reduce_min3A_371 = arith.constant dense<0x7F800000> : vector<32xf32>
      %reduce_min3A_372 = vector.multi_reduction <minimumf>, %select_n3A_370, %reduce_min3A_371 [1] : vector<32x1024xf32> to vector<32xf32>
      %broadcast_in_dim3A_373 = vector.shape_cast %reduce_min3A_372 : vector<32xf32> to vector<32x1xf32>
      %ge3A_374 = arith.constant 3.100000e+01 : f32
      %ge3A_375 = vector.broadcast %ge3A_374 : f32 to vector<32x1024xf32>
      %ge3A_376 = arith.cmpf oge, %add3A_100, %ge3A_375 : vector<32x1024xf32>
      %jit3A_377 = arith.constant 1.000000e+09 : f32
      %broadcast_in_dim3A_378 = vector.broadcast %jit3A_377 : f32 to vector<32x1024xf32>
      %select_n3A_379 = arith.select %ge3A_376, %add3A_105, %broadcast_in_dim3A_378 : vector<32x1024xi1>, vector<32x1024xf32>
      %reduce_min3A_380 = arith.constant dense<0x7F800000> : vector<32xf32>
      %reduce_min3A_381 = vector.multi_reduction <minimumf>, %select_n3A_379, %reduce_min3A_380 [1] : vector<32x1024xf32> to vector<32xf32>
      %broadcast_in_dim3A_382 = vector.shape_cast %reduce_min3A_381 : vector<32xf32> to vector<32x1xf32>
      %ge3A_383 = arith.constant 3.200000e+01 : f32
      %ge3A_384 = vector.broadcast %ge3A_383 : f32 to vector<32x1024xf32>
      %ge3A_385 = arith.cmpf oge, %add3A_100, %ge3A_384 : vector<32x1024xf32>
      %jit3A_386 = arith.constant 1.000000e+09 : f32
      %broadcast_in_dim3A_387 = vector.broadcast %jit3A_386 : f32 to vector<32x1024xf32>
      %select_n3A_388 = arith.select %ge3A_385, %add3A_105, %broadcast_in_dim3A_387 : vector<32x1024xi1>, vector<32x1024xf32>
      %reduce_min3A_389 = arith.constant dense<0x7F800000> : vector<32xf32>
      %reduce_min3A_390 = vector.multi_reduction <minimumf>, %select_n3A_388, %reduce_min3A_389 [1] : vector<32x1024xf32> to vector<32xf32>
      %broadcast_in_dim3A_391 = vector.shape_cast %reduce_min3A_390 : vector<32xf32> to vector<32x1xf32>
      %concatenate3A = tpu.concatenate %broadcast_in_dim3A_112, %broadcast_in_dim3A_121, %broadcast_in_dim3A_130, %broadcast_in_dim3A_139, %broadcast_in_dim3A_148, %broadcast_in_dim3A_157, %broadcast_in_dim3A_166, %broadcast_in_dim3A_175, %broadcast_in_dim3A_184, %broadcast_in_dim3A_193, %broadcast_in_dim3A_202, %broadcast_in_dim3A_211, %broadcast_in_dim3A_220, %broadcast_in_dim3A_229, %broadcast_in_dim3A_238, %broadcast_in_dim3A_247, %broadcast_in_dim3A_256, %broadcast_in_dim3A_265, %broadcast_in_dim3A_274, %broadcast_in_dim3A_283, %broadcast_in_dim3A_292, %broadcast_in_dim3A_301, %broadcast_in_dim3A_310, %broadcast_in_dim3A_319, %broadcast_in_dim3A_328, %broadcast_in_dim3A_337, %broadcast_in_dim3A_346, %broadcast_in_dim3A_355, %broadcast_in_dim3A_364, %broadcast_in_dim3A_373, %broadcast_in_dim3A_382, %broadcast_in_dim3A_391 in 1 : vector<32x1xf32>, vector<32x1xf32>, vector<32x1xf32>, vector<32x1xf32>, vector<32x1xf32>, vector<32x1xf32>, vector<32x1xf32>, vector<32x1xf32>, vector<32x1xf32>, vector<32x1xf32>, vector<32x1xf32>, vector<32x1xf32>, vector<32x1xf32>, vector<32x1xf32>, vector<32x1xf32>, vector<32x1xf32>, vector<32x1xf32>, vector<32x1xf32>, vector<32x1xf32>, vector<32x1xf32>, vector<32x1xf32>, vector<32x1xf32>, vector<32x1xf32>, vector<32x1xf32>, vector<32x1xf32>, vector<32x1xf32>, vector<32x1xf32>, vector<32x1xf32>, vector<32x1xf32>, vector<32x1xf32>, vector<32x1xf32>, vector<32x1xf32> -> vector<32x32xf32>
      %min3A = arith.minimumf %scan3A_42, %concatenate3A : vector<32x32xf32>
      %slice3A_392 = vector.extract_strided_slice %add3A_100 {offsets = [0, 1023], sizes = [32, 1], strides = [1, 1]} : vector<32x1024xf32> to vector<32x1xf32>
      %mul3A_393 = arith.constant 4 : i32
      %mul3A_394 = arith.muli %mul3A_393, %scan3A_41 : i32
      %add3A_395 = arith.constant 1 : i32
      %add3A_396 = arith.addi %mul3A_394, %add3A_395 : i32
      %mul3A_397 = arith.constant 1024 : i32
      %mul3A_398 = arith.muli %add3A_396, %mul3A_397 : i32
      %get3A_399 = arith.constant 0 : index
      %get3A_400 = arith.constant 0 : index
      %get3A_401 = arith.index_cast %mul3A_398 : i32 to index
      %get3A_402 = vector.load %arg3[%get3A_399, %get3A_400, %get3A_401] : memref<1x1x16384xf32, #tpu.memory_space<vmem>>, vector<1x1x1024xf32>
      %get3A_403 = vector.shape_cast %get3A_402 : vector<1x1x1024xf32> to vector<1x1024xf32>
      %get3A_404 = arith.constant 0 : index
      %get3A_405 = arith.constant 0 : index
      %get3A_406 = arith.index_cast %mul3A_398 : i32 to index
      %get3A_407 = vector.load %arg4[%get3A_404, %get3A_405, %get3A_406] : memref<1x1x16384xf32, #tpu.memory_space<vmem>>, vector<1x1x1024xf32>
      %get3A_408 = vector.shape_cast %get3A_407 : vector<1x1x1024xf32> to vector<1x1024xf32>
      %get3A_409 = arith.constant 0 : index
      %get3A_410 = arith.constant 0 : index
      %get3A_411 = arith.index_cast %mul3A_398 : i32 to index
      %get3A_412 = vector.load %arg5[%get3A_409, %get3A_410, %get3A_411] : memref<1x1x16384xf32, #tpu.memory_space<vmem>>, vector<1x1x1024xf32>
      %get3A_413 = vector.shape_cast %get3A_412 : vector<1x1x1024xf32> to vector<1x1024xf32>
      %mul3A_414 = arith.mulf %get3A_403, %get3A_403 : vector<1x1024xf32>
      %mul3A_415 = arith.mulf %get3A_408, %get3A_408 : vector<1x1024xf32>
      %add3A_416 = arith.addf %mul3A_414, %mul3A_415 : vector<1x1024xf32>
      %mul3A_417 = arith.mulf %get3A_413, %get3A_413 : vector<1x1024xf32>
      %add3A_418 = arith.addf %add3A_416, %mul3A_417 : vector<1x1024xf32>
      %convert_element_type3A_419 = arith.truncf %get3A_403 : vector<1x1024xf32> to vector<1x1024xbf16>
      %convert_element_type3A_420 = arith.extf %convert_element_type3A_419 : vector<1x1024xbf16> to vector<1x1024xf32>
      %convert_element_type3A_421 = arith.truncf %get3A_408 : vector<1x1024xf32> to vector<1x1024xbf16>
      %convert_element_type3A_422 = arith.extf %convert_element_type3A_421 : vector<1x1024xbf16> to vector<1x1024xf32>
      %convert_element_type3A_423 = arith.truncf %get3A_413 : vector<1x1024xf32> to vector<1x1024xbf16>
      %convert_element_type3A_424 = arith.extf %convert_element_type3A_423 : vector<1x1024xbf16> to vector<1x1024xf32>
      %mul3A_425 = vector.broadcast %convert_element_type3A_9 : vector<32x1xf32> to vector<32x1024xf32>
      %mul3A_426 = vector.broadcast %convert_element_type3A_420 : vector<1x1024xf32> to vector<32x1024xf32>
      %mul3A_427 = arith.mulf %mul3A_425, %mul3A_426 : vector<32x1024xf32>
      %mul3A_428 = vector.broadcast %convert_element_type3A_11 : vector<32x1xf32> to vector<32x1024xf32>
      %mul3A_429 = vector.broadcast %convert_element_type3A_422 : vector<1x1024xf32> to vector<32x1024xf32>
      %mul3A_430 = arith.mulf %mul3A_428, %mul3A_429 : vector<32x1024xf32>
      %add3A_431 = arith.addf %mul3A_427, %mul3A_430 : vector<32x1024xf32>
      %mul3A_432 = vector.broadcast %convert_element_type3A_13 : vector<32x1xf32> to vector<32x1024xf32>
      %mul3A_433 = vector.broadcast %convert_element_type3A_424 : vector<1x1024xf32> to vector<32x1024xf32>
      %mul3A_434 = arith.mulf %mul3A_432, %mul3A_433 : vector<32x1024xf32>
      %add3A_435 = arith.addf %add3A_431, %mul3A_434 : vector<32x1024xf32>
      %add3A_436 = vector.broadcast %add3A_8 : vector<32x1xf32> to vector<32x1024xf32>
      %add3A_437 = vector.broadcast %add3A_418 : vector<1x1024xf32> to vector<32x1024xf32>
      %add3A_438 = arith.addf %add3A_436, %add3A_437 : vector<32x1024xf32>
      %mul3A_439 = arith.constant 2.000000e+00 : f32
      %mul3A_440 = vector.broadcast %mul3A_439 : f32 to vector<32x1024xf32>
      %mul3A_441 = arith.mulf %mul3A_440, %add3A_435 : vector<32x1024xf32>
      %sub3A_442 = arith.subf %add3A_438, %mul3A_441 : vector<32x1024xf32>
      %le3A_443 = arith.constant 0.00999999977 : f32
      %le3A_444 = vector.broadcast %le3A_443 : f32 to vector<32x1024xf32>
      %le3A_445 = arith.cmpf ole, %sub3A_442, %le3A_444 : vector<32x1024xf32>
      %convert_element_type3A_446 = arith.extui %le3A_445 : vector<32x1024xi1> to vector<32x1024xi32>
      %convert_element_type3A_447 = arith.sitofp %convert_element_type3A_446 : vector<32x1024xi32> to vector<32x1024xf32>
      %convert_element_type3A_448 = arith.truncf %convert_element_type3A_447 : vector<32x1024xf32> to vector<32x1024xbf16>
      %dot_general3A_449 = arith.constant dense<0.000000e+00> : vector<32x1024xf32>
      %dot_general3A_450 = tpu.matmul %convert_element_type3A_448, %get3A_16, %dot_general3A_449 {dimension_numbers = #tpu.dot_dimension_numbers<[1], [0], [0], [1], [0, 0, 1, 1], [], []>, transpose_lhs_hint = false} : vector<32x1024xbf16>, vector<1024x1024xbf16>, vector<32x1024xf32> -> vector<32x1024xf32>
      %add3A_451 = vector.broadcast %slice3A_392 : vector<32x1xf32> to vector<32x1024xf32>
      %add3A_452 = arith.addf %dot_general3A_450, %add3A_451 : vector<32x1024xf32>
      %mul3A_453 = arith.constant 1024 : i32
      %mul3A_454 = arith.muli %add3A_396, %mul3A_453 : i32
      %convert_element_type3A_455 = arith.sitofp %mul3A_454 : i32 to f32
      %add3A_456 = vector.broadcast %convert_element_type3A_455 : f32 to vector<32x1024xf32>
      %add3A_457 = arith.addf %convert_element_type3A_17, %add3A_456 : vector<32x1024xf32>
      %ge3A_458 = arith.constant 1.000000e+00 : f32
      %ge3A_459 = vector.broadcast %ge3A_458 : f32 to vector<32x1024xf32>
      %ge3A_460 = arith.cmpf oge, %add3A_452, %ge3A_459 : vector<32x1024xf32>
      %jit3A_461 = arith.constant 1.000000e+09 : f32
      %broadcast_in_dim3A_462 = vector.broadcast %jit3A_461 : f32 to vector<32x1024xf32>
      %select_n3A_463 = arith.select %ge3A_460, %add3A_457, %broadcast_in_dim3A_462 : vector<32x1024xi1>, vector<32x1024xf32>
      %reduce_min3A_464 = arith.constant dense<0x7F800000> : vector<32xf32>
      %reduce_min3A_465 = vector.multi_reduction <minimumf>, %select_n3A_463, %reduce_min3A_464 [1] : vector<32x1024xf32> to vector<32xf32>
      %broadcast_in_dim3A_466 = vector.shape_cast %reduce_min3A_465 : vector<32xf32> to vector<32x1xf32>
      %ge3A_467 = arith.constant 2.000000e+00 : f32
      %ge3A_468 = vector.broadcast %ge3A_467 : f32 to vector<32x1024xf32>
      %ge3A_469 = arith.cmpf oge, %add3A_452, %ge3A_468 : vector<32x1024xf32>
      %jit3A_470 = arith.constant 1.000000e+09 : f32
      %broadcast_in_dim3A_471 = vector.broadcast %jit3A_470 : f32 to vector<32x1024xf32>
      %select_n3A_472 = arith.select %ge3A_469, %add3A_457, %broadcast_in_dim3A_471 : vector<32x1024xi1>, vector<32x1024xf32>
      %reduce_min3A_473 = arith.constant dense<0x7F800000> : vector<32xf32>
      %reduce_min3A_474 = vector.multi_reduction <minimumf>, %select_n3A_472, %reduce_min3A_473 [1] : vector<32x1024xf32> to vector<32xf32>
      %broadcast_in_dim3A_475 = vector.shape_cast %reduce_min3A_474 : vector<32xf32> to vector<32x1xf32>
      %ge3A_476 = arith.constant 3.000000e+00 : f32
      %ge3A_477 = vector.broadcast %ge3A_476 : f32 to vector<32x1024xf32>
      %ge3A_478 = arith.cmpf oge, %add3A_452, %ge3A_477 : vector<32x1024xf32>
      %jit3A_479 = arith.constant 1.000000e+09 : f32
      %broadcast_in_dim3A_480 = vector.broadcast %jit3A_479 : f32 to vector<32x1024xf32>
      %select_n3A_481 = arith.select %ge3A_478, %add3A_457, %broadcast_in_dim3A_480 : vector<32x1024xi1>, vector<32x1024xf32>
      %reduce_min3A_482 = arith.constant dense<0x7F800000> : vector<32xf32>
      %reduce_min3A_483 = vector.multi_reduction <minimumf>, %select_n3A_481, %reduce_min3A_482 [1] : vector<32x1024xf32> to vector<32xf32>
      %broadcast_in_dim3A_484 = vector.shape_cast %reduce_min3A_483 : vector<32xf32> to vector<32x1xf32>
      %ge3A_485 = arith.constant 4.000000e+00 : f32
      %ge3A_486 = vector.broadcast %ge3A_485 : f32 to vector<32x1024xf32>
      %ge3A_487 = arith.cmpf oge, %add3A_452, %ge3A_486 : vector<32x1024xf32>
      %jit3A_488 = arith.constant 1.000000e+09 : f32
      %broadcast_in_dim3A_489 = vector.broadcast %jit3A_488 : f32 to vector<32x1024xf32>
      %select_n3A_490 = arith.select %ge3A_487, %add3A_457, %broadcast_in_dim3A_489 : vector<32x1024xi1>, vector<32x1024xf32>
      %reduce_min3A_491 = arith.constant dense<0x7F800000> : vector<32xf32>
      %reduce_min3A_492 = vector.multi_reduction <minimumf>, %select_n3A_490, %reduce_min3A_491 [1] : vector<32x1024xf32> to vector<32xf32>
      %broadcast_in_dim3A_493 = vector.shape_cast %reduce_min3A_492 : vector<32xf32> to vector<32x1xf32>
      %ge3A_494 = arith.constant 5.000000e+00 : f32
      %ge3A_495 = vector.broadcast %ge3A_494 : f32 to vector<32x1024xf32>
      %ge3A_496 = arith.cmpf oge, %add3A_452, %ge3A_495 : vector<32x1024xf32>
      %jit3A_497 = arith.constant 1.000000e+09 : f32
      %broadcast_in_dim3A_498 = vector.broadcast %jit3A_497 : f32 to vector<32x1024xf32>
      %select_n3A_499 = arith.select %ge3A_496, %add3A_457, %broadcast_in_dim3A_498 : vector<32x1024xi1>, vector<32x1024xf32>
      %reduce_min3A_500 = arith.constant dense<0x7F800000> : vector<32xf32>
      %reduce_min3A_501 = vector.multi_reduction <minimumf>, %select_n3A_499, %reduce_min3A_500 [1] : vector<32x1024xf32> to vector<32xf32>
      %broadcast_in_dim3A_502 = vector.shape_cast %reduce_min3A_501 : vector<32xf32> to vector<32x1xf32>
      %ge3A_503 = arith.constant 6.000000e+00 : f32
      %ge3A_504 = vector.broadcast %ge3A_503 : f32 to vector<32x1024xf32>
      %ge3A_505 = arith.cmpf oge, %add3A_452, %ge3A_504 : vector<32x1024xf32>
      %jit3A_506 = arith.constant 1.000000e+09 : f32
      %broadcast_in_dim3A_507 = vector.broadcast %jit3A_506 : f32 to vector<32x1024xf32>
      %select_n3A_508 = arith.select %ge3A_505, %add3A_457, %broadcast_in_dim3A_507 : vector<32x1024xi1>, vector<32x1024xf32>
      %reduce_min3A_509 = arith.constant dense<0x7F800000> : vector<32xf32>
      %reduce_min3A_510 = vector.multi_reduction <minimumf>, %select_n3A_508, %reduce_min3A_509 [1] : vector<32x1024xf32> to vector<32xf32>
      %broadcast_in_dim3A_511 = vector.shape_cast %reduce_min3A_510 : vector<32xf32> to vector<32x1xf32>
      %ge3A_512 = arith.constant 7.000000e+00 : f32
      %ge3A_513 = vector.broadcast %ge3A_512 : f32 to vector<32x1024xf32>
      %ge3A_514 = arith.cmpf oge, %add3A_452, %ge3A_513 : vector<32x1024xf32>
      %jit3A_515 = arith.constant 1.000000e+09 : f32
      %broadcast_in_dim3A_516 = vector.broadcast %jit3A_515 : f32 to vector<32x1024xf32>
      %select_n3A_517 = arith.select %ge3A_514, %add3A_457, %broadcast_in_dim3A_516 : vector<32x1024xi1>, vector<32x1024xf32>
      %reduce_min3A_518 = arith.constant dense<0x7F800000> : vector<32xf32>
      %reduce_min3A_519 = vector.multi_reduction <minimumf>, %select_n3A_517, %reduce_min3A_518 [1] : vector<32x1024xf32> to vector<32xf32>
      %broadcast_in_dim3A_520 = vector.shape_cast %reduce_min3A_519 : vector<32xf32> to vector<32x1xf32>
      %ge3A_521 = arith.constant 8.000000e+00 : f32
      %ge3A_522 = vector.broadcast %ge3A_521 : f32 to vector<32x1024xf32>
      %ge3A_523 = arith.cmpf oge, %add3A_452, %ge3A_522 : vector<32x1024xf32>
      %jit3A_524 = arith.constant 1.000000e+09 : f32
      %broadcast_in_dim3A_525 = vector.broadcast %jit3A_524 : f32 to vector<32x1024xf32>
      %select_n3A_526 = arith.select %ge3A_523, %add3A_457, %broadcast_in_dim3A_525 : vector<32x1024xi1>, vector<32x1024xf32>
      %reduce_min3A_527 = arith.constant dense<0x7F800000> : vector<32xf32>
      %reduce_min3A_528 = vector.multi_reduction <minimumf>, %select_n3A_526, %reduce_min3A_527 [1] : vector<32x1024xf32> to vector<32xf32>
      %broadcast_in_dim3A_529 = vector.shape_cast %reduce_min3A_528 : vector<32xf32> to vector<32x1xf32>
      %ge3A_530 = arith.constant 9.000000e+00 : f32
      %ge3A_531 = vector.broadcast %ge3A_530 : f32 to vector<32x1024xf32>
      %ge3A_532 = arith.cmpf oge, %add3A_452, %ge3A_531 : vector<32x1024xf32>
      %jit3A_533 = arith.constant 1.000000e+09 : f32
      %broadcast_in_dim3A_534 = vector.broadcast %jit3A_533 : f32 to vector<32x1024xf32>
      %select_n3A_535 = arith.select %ge3A_532, %add3A_457, %broadcast_in_dim3A_534 : vector<32x1024xi1>, vector<32x1024xf32>
      %reduce_min3A_536 = arith.constant dense<0x7F800000> : vector<32xf32>
      %reduce_min3A_537 = vector.multi_reduction <minimumf>, %select_n3A_535, %reduce_min3A_536 [1] : vector<32x1024xf32> to vector<32xf32>
      %broadcast_in_dim3A_538 = vector.shape_cast %reduce_min3A_537 : vector<32xf32> to vector<32x1xf32>
      %ge3A_539 = arith.constant 1.000000e+01 : f32
      %ge3A_540 = vector.broadcast %ge3A_539 : f32 to vector<32x1024xf32>
      %ge3A_541 = arith.cmpf oge, %add3A_452, %ge3A_540 : vector<32x1024xf32>
      %jit3A_542 = arith.constant 1.000000e+09 : f32
      %broadcast_in_dim3A_543 = vector.broadcast %jit3A_542 : f32 to vector<32x1024xf32>
      %select_n3A_544 = arith.select %ge3A_541, %add3A_457, %broadcast_in_dim3A_543 : vector<32x1024xi1>, vector<32x1024xf32>
      %reduce_min3A_545 = arith.constant dense<0x7F800000> : vector<32xf32>
      %reduce_min3A_546 = vector.multi_reduction <minimumf>, %select_n3A_544, %reduce_min3A_545 [1] : vector<32x1024xf32> to vector<32xf32>
      %broadcast_in_dim3A_547 = vector.shape_cast %reduce_min3A_546 : vector<32xf32> to vector<32x1xf32>
      %ge3A_548 = arith.constant 1.100000e+01 : f32
      %ge3A_549 = vector.broadcast %ge3A_548 : f32 to vector<32x1024xf32>
      %ge3A_550 = arith.cmpf oge, %add3A_452, %ge3A_549 : vector<32x1024xf32>
      %jit3A_551 = arith.constant 1.000000e+09 : f32
      %broadcast_in_dim3A_552 = vector.broadcast %jit3A_551 : f32 to vector<32x1024xf32>
      %select_n3A_553 = arith.select %ge3A_550, %add3A_457, %broadcast_in_dim3A_552 : vector<32x1024xi1>, vector<32x1024xf32>
      %reduce_min3A_554 = arith.constant dense<0x7F800000> : vector<32xf32>
      %reduce_min3A_555 = vector.multi_reduction <minimumf>, %select_n3A_553, %reduce_min3A_554 [1] : vector<32x1024xf32> to vector<32xf32>
      %broadcast_in_dim3A_556 = vector.shape_cast %reduce_min3A_555 : vector<32xf32> to vector<32x1xf32>
      %ge3A_557 = arith.constant 1.200000e+01 : f32
      %ge3A_558 = vector.broadcast %ge3A_557 : f32 to vector<32x1024xf32>
      %ge3A_559 = arith.cmpf oge, %add3A_452, %ge3A_558 : vector<32x1024xf32>
      %jit3A_560 = arith.constant 1.000000e+09 : f32
      %broadcast_in_dim3A_561 = vector.broadcast %jit3A_560 : f32 to vector<32x1024xf32>
      %select_n3A_562 = arith.select %ge3A_559, %add3A_457, %broadcast_in_dim3A_561 : vector<32x1024xi1>, vector<32x1024xf32>
      %reduce_min3A_563 = arith.constant dense<0x7F800000> : vector<32xf32>
      %reduce_min3A_564 = vector.multi_reduction <minimumf>, %select_n3A_562, %reduce_min3A_563 [1] : vector<32x1024xf32> to vector<32xf32>
      %broadcast_in_dim3A_565 = vector.shape_cast %reduce_min3A_564 : vector<32xf32> to vector<32x1xf32>
      %ge3A_566 = arith.constant 1.300000e+01 : f32
      %ge3A_567 = vector.broadcast %ge3A_566 : f32 to vector<32x1024xf32>
      %ge3A_568 = arith.cmpf oge, %add3A_452, %ge3A_567 : vector<32x1024xf32>
      %jit3A_569 = arith.constant 1.000000e+09 : f32
      %broadcast_in_dim3A_570 = vector.broadcast %jit3A_569 : f32 to vector<32x1024xf32>
      %select_n3A_571 = arith.select %ge3A_568, %add3A_457, %broadcast_in_dim3A_570 : vector<32x1024xi1>, vector<32x1024xf32>
      %reduce_min3A_572 = arith.constant dense<0x7F800000> : vector<32xf32>
      %reduce_min3A_573 = vector.multi_reduction <minimumf>, %select_n3A_571, %reduce_min3A_572 [1] : vector<32x1024xf32> to vector<32xf32>
      %broadcast_in_dim3A_574 = vector.shape_cast %reduce_min3A_573 : vector<32xf32> to vector<32x1xf32>
      %ge3A_575 = arith.constant 1.400000e+01 : f32
      %ge3A_576 = vector.broadcast %ge3A_575 : f32 to vector<32x1024xf32>
      %ge3A_577 = arith.cmpf oge, %add3A_452, %ge3A_576 : vector<32x1024xf32>
      %jit3A_578 = arith.constant 1.000000e+09 : f32
      %broadcast_in_dim3A_579 = vector.broadcast %jit3A_578 : f32 to vector<32x1024xf32>
      %select_n3A_580 = arith.select %ge3A_577, %add3A_457, %broadcast_in_dim3A_579 : vector<32x1024xi1>, vector<32x1024xf32>
      %reduce_min3A_581 = arith.constant dense<0x7F800000> : vector<32xf32>
      %reduce_min3A_582 = vector.multi_reduction <minimumf>, %select_n3A_580, %reduce_min3A_581 [1] : vector<32x1024xf32> to vector<32xf32>
      %broadcast_in_dim3A_583 = vector.shape_cast %reduce_min3A_582 : vector<32xf32> to vector<32x1xf32>
      %ge3A_584 = arith.constant 1.500000e+01 : f32
      %ge3A_585 = vector.broadcast %ge3A_584 : f32 to vector<32x1024xf32>
      %ge3A_586 = arith.cmpf oge, %add3A_452, %ge3A_585 : vector<32x1024xf32>
      %jit3A_587 = arith.constant 1.000000e+09 : f32
      %broadcast_in_dim3A_588 = vector.broadcast %jit3A_587 : f32 to vector<32x1024xf32>
      %select_n3A_589 = arith.select %ge3A_586, %add3A_457, %broadcast_in_dim3A_588 : vector<32x1024xi1>, vector<32x1024xf32>
      %reduce_min3A_590 = arith.constant dense<0x7F800000> : vector<32xf32>
      %reduce_min3A_591 = vector.multi_reduction <minimumf>, %select_n3A_589, %reduce_min3A_590 [1] : vector<32x1024xf32> to vector<32xf32>
      %broadcast_in_dim3A_592 = vector.shape_cast %reduce_min3A_591 : vector<32xf32> to vector<32x1xf32>
      %ge3A_593 = arith.constant 1.600000e+01 : f32
      %ge3A_594 = vector.broadcast %ge3A_593 : f32 to vector<32x1024xf32>
      %ge3A_595 = arith.cmpf oge, %add3A_452, %ge3A_594 : vector<32x1024xf32>
      %jit3A_596 = arith.constant 1.000000e+09 : f32
      %broadcast_in_dim3A_597 = vector.broadcast %jit3A_596 : f32 to vector<32x1024xf32>
      %select_n3A_598 = arith.select %ge3A_595, %add3A_457, %broadcast_in_dim3A_597 : vector<32x1024xi1>, vector<32x1024xf32>
      %reduce_min3A_599 = arith.constant dense<0x7F800000> : vector<32xf32>
      %reduce_min3A_600 = vector.multi_reduction <minimumf>, %select_n3A_598, %reduce_min3A_599 [1] : vector<32x1024xf32> to vector<32xf32>
      %broadcast_in_dim3A_601 = vector.shape_cast %reduce_min3A_600 : vector<32xf32> to vector<32x1xf32>
      %ge3A_602 = arith.constant 1.700000e+01 : f32
      %ge3A_603 = vector.broadcast %ge3A_602 : f32 to vector<32x1024xf32>
      %ge3A_604 = arith.cmpf oge, %add3A_452, %ge3A_603 : vector<32x1024xf32>
      %jit3A_605 = arith.constant 1.000000e+09 : f32
      %broadcast_in_dim3A_606 = vector.broadcast %jit3A_605 : f32 to vector<32x1024xf32>
      %select_n3A_607 = arith.select %ge3A_604, %add3A_457, %broadcast_in_dim3A_606 : vector<32x1024xi1>, vector<32x1024xf32>
      %reduce_min3A_608 = arith.constant dense<0x7F800000> : vector<32xf32>
      %reduce_min3A_609 = vector.multi_reduction <minimumf>, %select_n3A_607, %reduce_min3A_608 [1] : vector<32x1024xf32> to vector<32xf32>
      %broadcast_in_dim3A_610 = vector.shape_cast %reduce_min3A_609 : vector<32xf32> to vector<32x1xf32>
      %ge3A_611 = arith.constant 1.800000e+01 : f32
      %ge3A_612 = vector.broadcast %ge3A_611 : f32 to vector<32x1024xf32>
      %ge3A_613 = arith.cmpf oge, %add3A_452, %ge3A_612 : vector<32x1024xf32>
      %jit3A_614 = arith.constant 1.000000e+09 : f32
      %broadcast_in_dim3A_615 = vector.broadcast %jit3A_614 : f32 to vector<32x1024xf32>
      %select_n3A_616 = arith.select %ge3A_613, %add3A_457, %broadcast_in_dim3A_615 : vector<32x1024xi1>, vector<32x1024xf32>
      %reduce_min3A_617 = arith.constant dense<0x7F800000> : vector<32xf32>
      %reduce_min3A_618 = vector.multi_reduction <minimumf>, %select_n3A_616, %reduce_min3A_617 [1] : vector<32x1024xf32> to vector<32xf32>
      %broadcast_in_dim3A_619 = vector.shape_cast %reduce_min3A_618 : vector<32xf32> to vector<32x1xf32>
      %ge3A_620 = arith.constant 1.900000e+01 : f32
      %ge3A_621 = vector.broadcast %ge3A_620 : f32 to vector<32x1024xf32>
      %ge3A_622 = arith.cmpf oge, %add3A_452, %ge3A_621 : vector<32x1024xf32>
      %jit3A_623 = arith.constant 1.000000e+09 : f32
      %broadcast_in_dim3A_624 = vector.broadcast %jit3A_623 : f32 to vector<32x1024xf32>
      %select_n3A_625 = arith.select %ge3A_622, %add3A_457, %broadcast_in_dim3A_624 : vector<32x1024xi1>, vector<32x1024xf32>
      %reduce_min3A_626 = arith.constant dense<0x7F800000> : vector<32xf32>
      %reduce_min3A_627 = vector.multi_reduction <minimumf>, %select_n3A_625, %reduce_min3A_626 [1] : vector<32x1024xf32> to vector<32xf32>
      %broadcast_in_dim3A_628 = vector.shape_cast %reduce_min3A_627 : vector<32xf32> to vector<32x1xf32>
      %ge3A_629 = arith.constant 2.000000e+01 : f32
      %ge3A_630 = vector.broadcast %ge3A_629 : f32 to vector<32x1024xf32>
      %ge3A_631 = arith.cmpf oge, %add3A_452, %ge3A_630 : vector<32x1024xf32>
      %jit3A_632 = arith.constant 1.000000e+09 : f32
      %broadcast_in_dim3A_633 = vector.broadcast %jit3A_632 : f32 to vector<32x1024xf32>
      %select_n3A_634 = arith.select %ge3A_631, %add3A_457, %broadcast_in_dim3A_633 : vector<32x1024xi1>, vector<32x1024xf32>
      %reduce_min3A_635 = arith.constant dense<0x7F800000> : vector<32xf32>
      %reduce_min3A_636 = vector.multi_reduction <minimumf>, %select_n3A_634, %reduce_min3A_635 [1] : vector<32x1024xf32> to vector<32xf32>
      %broadcast_in_dim3A_637 = vector.shape_cast %reduce_min3A_636 : vector<32xf32> to vector<32x1xf32>
      %ge3A_638 = arith.constant 2.100000e+01 : f32
      %ge3A_639 = vector.broadcast %ge3A_638 : f32 to vector<32x1024xf32>
      %ge3A_640 = arith.cmpf oge, %add3A_452, %ge3A_639 : vector<32x1024xf32>
      %jit3A_641 = arith.constant 1.000000e+09 : f32
      %broadcast_in_dim3A_642 = vector.broadcast %jit3A_641 : f32 to vector<32x1024xf32>
      %select_n3A_643 = arith.select %ge3A_640, %add3A_457, %broadcast_in_dim3A_642 : vector<32x1024xi1>, vector<32x1024xf32>
      %reduce_min3A_644 = arith.constant dense<0x7F800000> : vector<32xf32>
      %reduce_min3A_645 = vector.multi_reduction <minimumf>, %select_n3A_643, %reduce_min3A_644 [1] : vector<32x1024xf32> to vector<32xf32>
      %broadcast_in_dim3A_646 = vector.shape_cast %reduce_min3A_645 : vector<32xf32> to vector<32x1xf32>
      %ge3A_647 = arith.constant 2.200000e+01 : f32
      %ge3A_648 = vector.broadcast %ge3A_647 : f32 to vector<32x1024xf32>
      %ge3A_649 = arith.cmpf oge, %add3A_452, %ge3A_648 : vector<32x1024xf32>
      %jit3A_650 = arith.constant 1.000000e+09 : f32
      %broadcast_in_dim3A_651 = vector.broadcast %jit3A_650 : f32 to vector<32x1024xf32>
      %select_n3A_652 = arith.select %ge3A_649, %add3A_457, %broadcast_in_dim3A_651 : vector<32x1024xi1>, vector<32x1024xf32>
      %reduce_min3A_653 = arith.constant dense<0x7F800000> : vector<32xf32>
      %reduce_min3A_654 = vector.multi_reduction <minimumf>, %select_n3A_652, %reduce_min3A_653 [1] : vector<32x1024xf32> to vector<32xf32>
      %broadcast_in_dim3A_655 = vector.shape_cast %reduce_min3A_654 : vector<32xf32> to vector<32x1xf32>
      %ge3A_656 = arith.constant 2.300000e+01 : f32
      %ge3A_657 = vector.broadcast %ge3A_656 : f32 to vector<32x1024xf32>
      %ge3A_658 = arith.cmpf oge, %add3A_452, %ge3A_657 : vector<32x1024xf32>
      %jit3A_659 = arith.constant 1.000000e+09 : f32
      %broadcast_in_dim3A_660 = vector.broadcast %jit3A_659 : f32 to vector<32x1024xf32>
      %select_n3A_661 = arith.select %ge3A_658, %add3A_457, %broadcast_in_dim3A_660 : vector<32x1024xi1>, vector<32x1024xf32>
      %reduce_min3A_662 = arith.constant dense<0x7F800000> : vector<32xf32>
      %reduce_min3A_663 = vector.multi_reduction <minimumf>, %select_n3A_661, %reduce_min3A_662 [1] : vector<32x1024xf32> to vector<32xf32>
      %broadcast_in_dim3A_664 = vector.shape_cast %reduce_min3A_663 : vector<32xf32> to vector<32x1xf32>
      %ge3A_665 = arith.constant 2.400000e+01 : f32
      %ge3A_666 = vector.broadcast %ge3A_665 : f32 to vector<32x1024xf32>
      %ge3A_667 = arith.cmpf oge, %add3A_452, %ge3A_666 : vector<32x1024xf32>
      %jit3A_668 = arith.constant 1.000000e+09 : f32
      %broadcast_in_dim3A_669 = vector.broadcast %jit3A_668 : f32 to vector<32x1024xf32>
      %select_n3A_670 = arith.select %ge3A_667, %add3A_457, %broadcast_in_dim3A_669 : vector<32x1024xi1>, vector<32x1024xf32>
      %reduce_min3A_671 = arith.constant dense<0x7F800000> : vector<32xf32>
      %reduce_min3A_672 = vector.multi_reduction <minimumf>, %select_n3A_670, %reduce_min3A_671 [1] : vector<32x1024xf32> to vector<32xf32>
      %broadcast_in_dim3A_673 = vector.shape_cast %reduce_min3A_672 : vector<32xf32> to vector<32x1xf32>
      %ge3A_674 = arith.constant 2.500000e+01 : f32
      %ge3A_675 = vector.broadcast %ge3A_674 : f32 to vector<32x1024xf32>
      %ge3A_676 = arith.cmpf oge, %add3A_452, %ge3A_675 : vector<32x1024xf32>
      %jit3A_677 = arith.constant 1.000000e+09 : f32
      %broadcast_in_dim3A_678 = vector.broadcast %jit3A_677 : f32 to vector<32x1024xf32>
      %select_n3A_679 = arith.select %ge3A_676, %add3A_457, %broadcast_in_dim3A_678 : vector<32x1024xi1>, vector<32x1024xf32>
      %reduce_min3A_680 = arith.constant dense<0x7F800000> : vector<32xf32>
      %reduce_min3A_681 = vector.multi_reduction <minimumf>, %select_n3A_679, %reduce_min3A_680 [1] : vector<32x1024xf32> to vector<32xf32>
      %broadcast_in_dim3A_682 = vector.shape_cast %reduce_min3A_681 : vector<32xf32> to vector<32x1xf32>
      %ge3A_683 = arith.constant 2.600000e+01 : f32
      %ge3A_684 = vector.broadcast %ge3A_683 : f32 to vector<32x1024xf32>
      %ge3A_685 = arith.cmpf oge, %add3A_452, %ge3A_684 : vector<32x1024xf32>
      %jit3A_686 = arith.constant 1.000000e+09 : f32
      %broadcast_in_dim3A_687 = vector.broadcast %jit3A_686 : f32 to vector<32x1024xf32>
      %select_n3A_688 = arith.select %ge3A_685, %add3A_457, %broadcast_in_dim3A_687 : vector<32x1024xi1>, vector<32x1024xf32>
      %reduce_min3A_689 = arith.constant dense<0x7F800000> : vector<32xf32>
      %reduce_min3A_690 = vector.multi_reduction <minimumf>, %select_n3A_688, %reduce_min3A_689 [1] : vector<32x1024xf32> to vector<32xf32>
      %broadcast_in_dim3A_691 = vector.shape_cast %reduce_min3A_690 : vector<32xf32> to vector<32x1xf32>
      %ge3A_692 = arith.constant 2.700000e+01 : f32
      %ge3A_693 = vector.broadcast %ge3A_692 : f32 to vector<32x1024xf32>
      %ge3A_694 = arith.cmpf oge, %add3A_452, %ge3A_693 : vector<32x1024xf32>
      %jit3A_695 = arith.constant 1.000000e+09 : f32
      %broadcast_in_dim3A_696 = vector.broadcast %jit3A_695 : f32 to vector<32x1024xf32>
      %select_n3A_697 = arith.select %ge3A_694, %add3A_457, %broadcast_in_dim3A_696 : vector<32x1024xi1>, vector<32x1024xf32>
      %reduce_min3A_698 = arith.constant dense<0x7F800000> : vector<32xf32>
      %reduce_min3A_699 = vector.multi_reduction <minimumf>, %select_n3A_697, %reduce_min3A_698 [1] : vector<32x1024xf32> to vector<32xf32>
      %broadcast_in_dim3A_700 = vector.shape_cast %reduce_min3A_699 : vector<32xf32> to vector<32x1xf32>
      %ge3A_701 = arith.constant 2.800000e+01 : f32
      %ge3A_702 = vector.broadcast %ge3A_701 : f32 to vector<32x1024xf32>
      %ge3A_703 = arith.cmpf oge, %add3A_452, %ge3A_702 : vector<32x1024xf32>
      %jit3A_704 = arith.constant 1.000000e+09 : f32
      %broadcast_in_dim3A_705 = vector.broadcast %jit3A_704 : f32 to vector<32x1024xf32>
      %select_n3A_706 = arith.select %ge3A_703, %add3A_457, %broadcast_in_dim3A_705 : vector<32x1024xi1>, vector<32x1024xf32>
      %reduce_min3A_707 = arith.constant dense<0x7F800000> : vector<32xf32>
      %reduce_min3A_708 = vector.multi_reduction <minimumf>, %select_n3A_706, %reduce_min3A_707 [1] : vector<32x1024xf32> to vector<32xf32>
      %broadcast_in_dim3A_709 = vector.shape_cast %reduce_min3A_708 : vector<32xf32> to vector<32x1xf32>
      %ge3A_710 = arith.constant 2.900000e+01 : f32
      %ge3A_711 = vector.broadcast %ge3A_710 : f32 to vector<32x1024xf32>
      %ge3A_712 = arith.cmpf oge, %add3A_452, %ge3A_711 : vector<32x1024xf32>
      %jit3A_713 = arith.constant 1.000000e+09 : f32
      %broadcast_in_dim3A_714 = vector.broadcast %jit3A_713 : f32 to vector<32x1024xf32>
      %select_n3A_715 = arith.select %ge3A_712, %add3A_457, %broadcast_in_dim3A_714 : vector<32x1024xi1>, vector<32x1024xf32>
      %reduce_min3A_716 = arith.constant dense<0x7F800000> : vector<32xf32>
      %reduce_min3A_717 = vector.multi_reduction <minimumf>, %select_n3A_715, %reduce_min3A_716 [1] : vector<32x1024xf32> to vector<32xf32>
      %broadcast_in_dim3A_718 = vector.shape_cast %reduce_min3A_717 : vector<32xf32> to vector<32x1xf32>
      %ge3A_719 = arith.constant 3.000000e+01 : f32
      %ge3A_720 = vector.broadcast %ge3A_719 : f32 to vector<32x1024xf32>
      %ge3A_721 = arith.cmpf oge, %add3A_452, %ge3A_720 : vector<32x1024xf32>
      %jit3A_722 = arith.constant 1.000000e+09 : f32
      %broadcast_in_dim3A_723 = vector.broadcast %jit3A_722 : f32 to vector<32x1024xf32>
      %select_n3A_724 = arith.select %ge3A_721, %add3A_457, %broadcast_in_dim3A_723 : vector<32x1024xi1>, vector<32x1024xf32>
      %reduce_min3A_725 = arith.constant dense<0x7F800000> : vector<32xf32>
      %reduce_min3A_726 = vector.multi_reduction <minimumf>, %select_n3A_724, %reduce_min3A_725 [1] : vector<32x1024xf32> to vector<32xf32>
      %broadcast_in_dim3A_727 = vector.shape_cast %reduce_min3A_726 : vector<32xf32> to vector<32x1xf32>
      %ge3A_728 = arith.constant 3.100000e+01 : f32
      %ge3A_729 = vector.broadcast %ge3A_728 : f32 to vector<32x1024xf32>
      %ge3A_730 = arith.cmpf oge, %add3A_452, %ge3A_729 : vector<32x1024xf32>
      %jit3A_731 = arith.constant 1.000000e+09 : f32
      %broadcast_in_dim3A_732 = vector.broadcast %jit3A_731 : f32 to vector<32x1024xf32>
      %select_n3A_733 = arith.select %ge3A_730, %add3A_457, %broadcast_in_dim3A_732 : vector<32x1024xi1>, vector<32x1024xf32>
      %reduce_min3A_734 = arith.constant dense<0x7F800000> : vector<32xf32>
      %reduce_min3A_735 = vector.multi_reduction <minimumf>, %select_n3A_733, %reduce_min3A_734 [1] : vector<32x1024xf32> to vector<32xf32>
      %broadcast_in_dim3A_736 = vector.shape_cast %reduce_min3A_735 : vector<32xf32> to vector<32x1xf32>
      %ge3A_737 = arith.constant 3.200000e+01 : f32
      %ge3A_738 = vector.broadcast %ge3A_737 : f32 to vector<32x1024xf32>
      %ge3A_739 = arith.cmpf oge, %add3A_452, %ge3A_738 : vector<32x1024xf32>
      %jit3A_740 = arith.constant 1.000000e+09 : f32
      %broadcast_in_dim3A_741 = vector.broadcast %jit3A_740 : f32 to vector<32x1024xf32>
      %select_n3A_742 = arith.select %ge3A_739, %add3A_457, %broadcast_in_dim3A_741 : vector<32x1024xi1>, vector<32x1024xf32>
      %reduce_min3A_743 = arith.constant dense<0x7F800000> : vector<32xf32>
      %reduce_min3A_744 = vector.multi_reduction <minimumf>, %select_n3A_742, %reduce_min3A_743 [1] : vector<32x1024xf32> to vector<32xf32>
      %broadcast_in_dim3A_745 = vector.shape_cast %reduce_min3A_744 : vector<32xf32> to vector<32x1xf32>
      %concatenate3A_746 = tpu.concatenate %broadcast_in_dim3A_466, %broadcast_in_dim3A_475, %broadcast_in_dim3A_484, %broadcast_in_dim3A_493, %broadcast_in_dim3A_502, %broadcast_in_dim3A_511, %broadcast_in_dim3A_520, %broadcast_in_dim3A_529, %broadcast_in_dim3A_538, %broadcast_in_dim3A_547, %broadcast_in_dim3A_556, %broadcast_in_dim3A_565, %broadcast_in_dim3A_574, %broadcast_in_dim3A_583, %broadcast_in_dim3A_592, %broadcast_in_dim3A_601, %broadcast_in_dim3A_610, %broadcast_in_dim3A_619, %broadcast_in_dim3A_628, %broadcast_in_dim3A_637, %broadcast_in_dim3A_646, %broadcast_in_dim3A_655, %broadcast_in_dim3A_664, %broadcast_in_dim3A_673, %broadcast_in_dim3A_682, %broadcast_in_dim3A_691, %broadcast_in_dim3A_700, %broadcast_in_dim3A_709, %broadcast_in_dim3A_718, %broadcast_in_dim3A_727, %broadcast_in_dim3A_736, %broadcast_in_dim3A_745 in 1 : vector<32x1xf32>, vector<32x1xf32>, vector<32x1xf32>, vector<32x1xf32>, vector<32x1xf32>, vector<32x1xf32>, vector<32x1xf32>, vector<32x1xf32>, vector<32x1xf32>, vector<32x1xf32>, vector<32x1xf32>, vector<32x1xf32>, vector<32x1xf32>, vector<32x1xf32>, vector<32x1xf32>, vector<32x1xf32>, vector<32x1xf32>, vector<32x1xf32>, vector<32x1xf32>, vector<32x1xf32>, vector<32x1xf32>, vector<32x1xf32>, vector<32x1xf32>, vector<32x1xf32>, vector<32x1xf32>, vector<32x1xf32>, vector<32x1xf32>, vector<32x1xf32>, vector<32x1xf32>, vector<32x1xf32>, vector<32x1xf32>, vector<32x1xf32> -> vector<32x32xf32>
      %min3A_747 = arith.minimumf %min3A, %concatenate3A_746 : vector<32x32xf32>
      %slice3A_748 = vector.extract_strided_slice %add3A_452 {offsets = [0, 1023], sizes = [32, 1], strides = [1, 1]} : vector<32x1024xf32> to vector<32x1xf32>
      %mul3A_749 = arith.constant 4 : i32
      %mul3A_750 = arith.muli %mul3A_749, %scan3A_41 : i32
      %add3A_751 = arith.constant 2 : i32
      %add3A_752 = arith.addi %mul3A_750, %add3A_751 : i32
      %mul3A_753 = arith.constant 1024 : i32
      %mul3A_754 = arith.muli %add3A_752, %mul3A_753 : i32
      %get3A_755 = arith.constant 0 : index
      %get3A_756 = arith.constant 0 : index
      %get3A_757 = arith.index_cast %mul3A_754 : i32 to index
      %get3A_758 = vector.load %arg3[%get3A_755, %get3A_756, %get3A_757] : memref<1x1x16384xf32, #tpu.memory_space<vmem>>, vector<1x1x1024xf32>
      %get3A_759 = vector.shape_cast %get3A_758 : vector<1x1x1024xf32> to vector<1x1024xf32>
      %get3A_760 = arith.constant 0 : index
      %get3A_761 = arith.constant 0 : index
      %get3A_762 = arith.index_cast %mul3A_754 : i32 to index
      %get3A_763 = vector.load %arg4[%get3A_760, %get3A_761, %get3A_762] : memref<1x1x16384xf32, #tpu.memory_space<vmem>>, vector<1x1x1024xf32>
      %get3A_764 = vector.shape_cast %get3A_763 : vector<1x1x1024xf32> to vector<1x1024xf32>
      %get3A_765 = arith.constant 0 : index
      %get3A_766 = arith.constant 0 : index
      %get3A_767 = arith.index_cast %mul3A_754 : i32 to index
      %get3A_768 = vector.load %arg5[%get3A_765, %get3A_766, %get3A_767] : memref<1x1x16384xf32, #tpu.memory_space<vmem>>, vector<1x1x1024xf32>
      %get3A_769 = vector.shape_cast %get3A_768 : vector<1x1x1024xf32> to vector<1x1024xf32>
      %mul3A_770 = arith.mulf %get3A_759, %get3A_759 : vector<1x1024xf32>
      %mul3A_771 = arith.mulf %get3A_764, %get3A_764 : vector<1x1024xf32>
      %add3A_772 = arith.addf %mul3A_770, %mul3A_771 : vector<1x1024xf32>
      %mul3A_773 = arith.mulf %get3A_769, %get3A_769 : vector<1x1024xf32>
      %add3A_774 = arith.addf %add3A_772, %mul3A_773 : vector<1x1024xf32>
      %convert_element_type3A_775 = arith.truncf %get3A_759 : vector<1x1024xf32> to vector<1x1024xbf16>
      %convert_element_type3A_776 = arith.extf %convert_element_type3A_775 : vector<1x1024xbf16> to vector<1x1024xf32>
      %convert_element_type3A_777 = arith.truncf %get3A_764 : vector<1x1024xf32> to vector<1x1024xbf16>
      %convert_element_type3A_778 = arith.extf %convert_element_type3A_777 : vector<1x1024xbf16> to vector<1x1024xf32>
      %convert_element_type3A_779 = arith.truncf %get3A_769 : vector<1x1024xf32> to vector<1x1024xbf16>
      %convert_element_type3A_780 = arith.extf %convert_element_type3A_779 : vector<1x1024xbf16> to vector<1x1024xf32>
      %mul3A_781 = vector.broadcast %convert_element_type3A_9 : vector<32x1xf32> to vector<32x1024xf32>
      %mul3A_782 = vector.broadcast %convert_element_type3A_776 : vector<1x1024xf32> to vector<32x1024xf32>
      %mul3A_783 = arith.mulf %mul3A_781, %mul3A_782 : vector<32x1024xf32>
      %mul3A_784 = vector.broadcast %convert_element_type3A_11 : vector<32x1xf32> to vector<32x1024xf32>
      %mul3A_785 = vector.broadcast %convert_element_type3A_778 : vector<1x1024xf32> to vector<32x1024xf32>
      %mul3A_786 = arith.mulf %mul3A_784, %mul3A_785 : vector<32x1024xf32>
      %add3A_787 = arith.addf %mul3A_783, %mul3A_786 : vector<32x1024xf32>
      %mul3A_788 = vector.broadcast %convert_element_type3A_13 : vector<32x1xf32> to vector<32x1024xf32>
      %mul3A_789 = vector.broadcast %convert_element_type3A_780 : vector<1x1024xf32> to vector<32x1024xf32>
      %mul3A_790 = arith.mulf %mul3A_788, %mul3A_789 : vector<32x1024xf32>
      %add3A_791 = arith.addf %add3A_787, %mul3A_790 : vector<32x1024xf32>
      %add3A_792 = vector.broadcast %add3A_8 : vector<32x1xf32> to vector<32x1024xf32>
      %add3A_793 = vector.broadcast %add3A_774 : vector<1x1024xf32> to vector<32x1024xf32>
      %add3A_794 = arith.addf %add3A_792, %add3A_793 : vector<32x1024xf32>
      %mul3A_795 = arith.constant 2.000000e+00 : f32
      %mul3A_796 = vector.broadcast %mul3A_795 : f32 to vector<32x1024xf32>
      %mul3A_797 = arith.mulf %mul3A_796, %add3A_791 : vector<32x1024xf32>
      %sub3A_798 = arith.subf %add3A_794, %mul3A_797 : vector<32x1024xf32>
      %le3A_799 = arith.constant 0.00999999977 : f32
      %le3A_800 = vector.broadcast %le3A_799 : f32 to vector<32x1024xf32>
      %le3A_801 = arith.cmpf ole, %sub3A_798, %le3A_800 : vector<32x1024xf32>
      %convert_element_type3A_802 = arith.extui %le3A_801 : vector<32x1024xi1> to vector<32x1024xi32>
      %convert_element_type3A_803 = arith.sitofp %convert_element_type3A_802 : vector<32x1024xi32> to vector<32x1024xf32>
      %convert_element_type3A_804 = arith.truncf %convert_element_type3A_803 : vector<32x1024xf32> to vector<32x1024xbf16>
      %dot_general3A_805 = arith.constant dense<0.000000e+00> : vector<32x1024xf32>
      %dot_general3A_806 = tpu.matmul %convert_element_type3A_804, %get3A_16, %dot_general3A_805 {dimension_numbers = #tpu.dot_dimension_numbers<[1], [0], [0], [1], [0, 0, 1, 1], [], []>, transpose_lhs_hint = false} : vector<32x1024xbf16>, vector<1024x1024xbf16>, vector<32x1024xf32> -> vector<32x1024xf32>
      %add3A_807 = vector.broadcast %slice3A_748 : vector<32x1xf32> to vector<32x1024xf32>
      %add3A_808 = arith.addf %dot_general3A_806, %add3A_807 : vector<32x1024xf32>
      %mul3A_809 = arith.constant 1024 : i32
      %mul3A_810 = arith.muli %add3A_752, %mul3A_809 : i32
      %convert_element_type3A_811 = arith.sitofp %mul3A_810 : i32 to f32
      %add3A_812 = vector.broadcast %convert_element_type3A_811 : f32 to vector<32x1024xf32>
      %add3A_813 = arith.addf %convert_element_type3A_17, %add3A_812 : vector<32x1024xf32>
      %ge3A_814 = arith.constant 1.000000e+00 : f32
      %ge3A_815 = vector.broadcast %ge3A_814 : f32 to vector<32x1024xf32>
      %ge3A_816 = arith.cmpf oge, %add3A_808, %ge3A_815 : vector<32x1024xf32>
      %jit3A_817 = arith.constant 1.000000e+09 : f32
      %broadcast_in_dim3A_818 = vector.broadcast %jit3A_817 : f32 to vector<32x1024xf32>
      %select_n3A_819 = arith.select %ge3A_816, %add3A_813, %broadcast_in_dim3A_818 : vector<32x1024xi1>, vector<32x1024xf32>
      %reduce_min3A_820 = arith.constant dense<0x7F800000> : vector<32xf32>
      %reduce_min3A_821 = vector.multi_reduction <minimumf>, %select_n3A_819, %reduce_min3A_820 [1] : vector<32x1024xf32> to vector<32xf32>
      %broadcast_in_dim3A_822 = vector.shape_cast %reduce_min3A_821 : vector<32xf32> to vector<32x1xf32>
      %ge3A_823 = arith.constant 2.000000e+00 : f32
      %ge3A_824 = vector.broadcast %ge3A_823 : f32 to vector<32x1024xf32>
      %ge3A_825 = arith.cmpf oge, %add3A_808, %ge3A_824 : vector<32x1024xf32>
      %jit3A_826 = arith.constant 1.000000e+09 : f32
      %broadcast_in_dim3A_827 = vector.broadcast %jit3A_826 : f32 to vector<32x1024xf32>
      %select_n3A_828 = arith.select %ge3A_825, %add3A_813, %broadcast_in_dim3A_827 : vector<32x1024xi1>, vector<32x1024xf32>
      %reduce_min3A_829 = arith.constant dense<0x7F800000> : vector<32xf32>
      %reduce_min3A_830 = vector.multi_reduction <minimumf>, %select_n3A_828, %reduce_min3A_829 [1] : vector<32x1024xf32> to vector<32xf32>
      %broadcast_in_dim3A_831 = vector.shape_cast %reduce_min3A_830 : vector<32xf32> to vector<32x1xf32>
      %ge3A_832 = arith.constant 3.000000e+00 : f32
      %ge3A_833 = vector.broadcast %ge3A_832 : f32 to vector<32x1024xf32>
      %ge3A_834 = arith.cmpf oge, %add3A_808, %ge3A_833 : vector<32x1024xf32>
      %jit3A_835 = arith.constant 1.000000e+09 : f32
      %broadcast_in_dim3A_836 = vector.broadcast %jit3A_835 : f32 to vector<32x1024xf32>
      %select_n3A_837 = arith.select %ge3A_834, %add3A_813, %broadcast_in_dim3A_836 : vector<32x1024xi1>, vector<32x1024xf32>
      %reduce_min3A_838 = arith.constant dense<0x7F800000> : vector<32xf32>
      %reduce_min3A_839 = vector.multi_reduction <minimumf>, %select_n3A_837, %reduce_min3A_838 [1] : vector<32x1024xf32> to vector<32xf32>
      %broadcast_in_dim3A_840 = vector.shape_cast %reduce_min3A_839 : vector<32xf32> to vector<32x1xf32>
      %ge3A_841 = arith.constant 4.000000e+00 : f32
      %ge3A_842 = vector.broadcast %ge3A_841 : f32 to vector<32x1024xf32>
      %ge3A_843 = arith.cmpf oge, %add3A_808, %ge3A_842 : vector<32x1024xf32>
      %jit3A_844 = arith.constant 1.000000e+09 : f32
      %broadcast_in_dim3A_845 = vector.broadcast %jit3A_844 : f32 to vector<32x1024xf32>
      %select_n3A_846 = arith.select %ge3A_843, %add3A_813, %broadcast_in_dim3A_845 : vector<32x1024xi1>, vector<32x1024xf32>
      %reduce_min3A_847 = arith.constant dense<0x7F800000> : vector<32xf32>
      %reduce_min3A_848 = vector.multi_reduction <minimumf>, %select_n3A_846, %reduce_min3A_847 [1] : vector<32x1024xf32> to vector<32xf32>
      %broadcast_in_dim3A_849 = vector.shape_cast %reduce_min3A_848 : vector<32xf32> to vector<32x1xf32>
      %ge3A_850 = arith.constant 5.000000e+00 : f32
      %ge3A_851 = vector.broadcast %ge3A_850 : f32 to vector<32x1024xf32>
      %ge3A_852 = arith.cmpf oge, %add3A_808, %ge3A_851 : vector<32x1024xf32>
      %jit3A_853 = arith.constant 1.000000e+09 : f32
      %broadcast_in_dim3A_854 = vector.broadcast %jit3A_853 : f32 to vector<32x1024xf32>
      %select_n3A_855 = arith.select %ge3A_852, %add3A_813, %broadcast_in_dim3A_854 : vector<32x1024xi1>, vector<32x1024xf32>
      %reduce_min3A_856 = arith.constant dense<0x7F800000> : vector<32xf32>
      %reduce_min3A_857 = vector.multi_reduction <minimumf>, %select_n3A_855, %reduce_min3A_856 [1] : vector<32x1024xf32> to vector<32xf32>
      %broadcast_in_dim3A_858 = vector.shape_cast %reduce_min3A_857 : vector<32xf32> to vector<32x1xf32>
      %ge3A_859 = arith.constant 6.000000e+00 : f32
      %ge3A_860 = vector.broadcast %ge3A_859 : f32 to vector<32x1024xf32>
      %ge3A_861 = arith.cmpf oge, %add3A_808, %ge3A_860 : vector<32x1024xf32>
      %jit3A_862 = arith.constant 1.000000e+09 : f32
      %broadcast_in_dim3A_863 = vector.broadcast %jit3A_862 : f32 to vector<32x1024xf32>
      %select_n3A_864 = arith.select %ge3A_861, %add3A_813, %broadcast_in_dim3A_863 : vector<32x1024xi1>, vector<32x1024xf32>
      %reduce_min3A_865 = arith.constant dense<0x7F800000> : vector<32xf32>
      %reduce_min3A_866 = vector.multi_reduction <minimumf>, %select_n3A_864, %reduce_min3A_865 [1] : vector<32x1024xf32> to vector<32xf32>
      %broadcast_in_dim3A_867 = vector.shape_cast %reduce_min3A_866 : vector<32xf32> to vector<32x1xf32>
      %ge3A_868 = arith.constant 7.000000e+00 : f32
      %ge3A_869 = vector.broadcast %ge3A_868 : f32 to vector<32x1024xf32>
      %ge3A_870 = arith.cmpf oge, %add3A_808, %ge3A_869 : vector<32x1024xf32>
      %jit3A_871 = arith.constant 1.000000e+09 : f32
      %broadcast_in_dim3A_872 = vector.broadcast %jit3A_871 : f32 to vector<32x1024xf32>
      %select_n3A_873 = arith.select %ge3A_870, %add3A_813, %broadcast_in_dim3A_872 : vector<32x1024xi1>, vector<32x1024xf32>
      %reduce_min3A_874 = arith.constant dense<0x7F800000> : vector<32xf32>
      %reduce_min3A_875 = vector.multi_reduction <minimumf>, %select_n3A_873, %reduce_min3A_874 [1] : vector<32x1024xf32> to vector<32xf32>
      %broadcast_in_dim3A_876 = vector.shape_cast %reduce_min3A_875 : vector<32xf32> to vector<32x1xf32>
      %ge3A_877 = arith.constant 8.000000e+00 : f32
      %ge3A_878 = vector.broadcast %ge3A_877 : f32 to vector<32x1024xf32>
      %ge3A_879 = arith.cmpf oge, %add3A_808, %ge3A_878 : vector<32x1024xf32>
      %jit3A_880 = arith.constant 1.000000e+09 : f32
      %broadcast_in_dim3A_881 = vector.broadcast %jit3A_880 : f32 to vector<32x1024xf32>
      %select_n3A_882 = arith.select %ge3A_879, %add3A_813, %broadcast_in_dim3A_881 : vector<32x1024xi1>, vector<32x1024xf32>
      %reduce_min3A_883 = arith.constant dense<0x7F800000> : vector<32xf32>
      %reduce_min3A_884 = vector.multi_reduction <minimumf>, %select_n3A_882, %reduce_min3A_883 [1] : vector<32x1024xf32> to vector<32xf32>
      %broadcast_in_dim3A_885 = vector.shape_cast %reduce_min3A_884 : vector<32xf32> to vector<32x1xf32>
      %ge3A_886 = arith.constant 9.000000e+00 : f32
      %ge3A_887 = vector.broadcast %ge3A_886 : f32 to vector<32x1024xf32>
      %ge3A_888 = arith.cmpf oge, %add3A_808, %ge3A_887 : vector<32x1024xf32>
      %jit3A_889 = arith.constant 1.000000e+09 : f32
      %broadcast_in_dim3A_890 = vector.broadcast %jit3A_889 : f32 to vector<32x1024xf32>
      %select_n3A_891 = arith.select %ge3A_888, %add3A_813, %broadcast_in_dim3A_890 : vector<32x1024xi1>, vector<32x1024xf32>
      %reduce_min3A_892 = arith.constant dense<0x7F800000> : vector<32xf32>
      %reduce_min3A_893 = vector.multi_reduction <minimumf>, %select_n3A_891, %reduce_min3A_892 [1] : vector<32x1024xf32> to vector<32xf32>
      %broadcast_in_dim3A_894 = vector.shape_cast %reduce_min3A_893 : vector<32xf32> to vector<32x1xf32>
      %ge3A_895 = arith.constant 1.000000e+01 : f32
      %ge3A_896 = vector.broadcast %ge3A_895 : f32 to vector<32x1024xf32>
      %ge3A_897 = arith.cmpf oge, %add3A_808, %ge3A_896 : vector<32x1024xf32>
      %jit3A_898 = arith.constant 1.000000e+09 : f32
      %broadcast_in_dim3A_899 = vector.broadcast %jit3A_898 : f32 to vector<32x1024xf32>
      %select_n3A_900 = arith.select %ge3A_897, %add3A_813, %broadcast_in_dim3A_899 : vector<32x1024xi1>, vector<32x1024xf32>
      %reduce_min3A_901 = arith.constant dense<0x7F800000> : vector<32xf32>
      %reduce_min3A_902 = vector.multi_reduction <minimumf>, %select_n3A_900, %reduce_min3A_901 [1] : vector<32x1024xf32> to vector<32xf32>
      %broadcast_in_dim3A_903 = vector.shape_cast %reduce_min3A_902 : vector<32xf32> to vector<32x1xf32>
      %ge3A_904 = arith.constant 1.100000e+01 : f32
      %ge3A_905 = vector.broadcast %ge3A_904 : f32 to vector<32x1024xf32>
      %ge3A_906 = arith.cmpf oge, %add3A_808, %ge3A_905 : vector<32x1024xf32>
      %jit3A_907 = arith.constant 1.000000e+09 : f32
      %broadcast_in_dim3A_908 = vector.broadcast %jit3A_907 : f32 to vector<32x1024xf32>
      %select_n3A_909 = arith.select %ge3A_906, %add3A_813, %broadcast_in_dim3A_908 : vector<32x1024xi1>, vector<32x1024xf32>
      %reduce_min3A_910 = arith.constant dense<0x7F800000> : vector<32xf32>
      %reduce_min3A_911 = vector.multi_reduction <minimumf>, %select_n3A_909, %reduce_min3A_910 [1] : vector<32x1024xf32> to vector<32xf32>
      %broadcast_in_dim3A_912 = vector.shape_cast %reduce_min3A_911 : vector<32xf32> to vector<32x1xf32>
      %ge3A_913 = arith.constant 1.200000e+01 : f32
      %ge3A_914 = vector.broadcast %ge3A_913 : f32 to vector<32x1024xf32>
      %ge3A_915 = arith.cmpf oge, %add3A_808, %ge3A_914 : vector<32x1024xf32>
      %jit3A_916 = arith.constant 1.000000e+09 : f32
      %broadcast_in_dim3A_917 = vector.broadcast %jit3A_916 : f32 to vector<32x1024xf32>
      %select_n3A_918 = arith.select %ge3A_915, %add3A_813, %broadcast_in_dim3A_917 : vector<32x1024xi1>, vector<32x1024xf32>
      %reduce_min3A_919 = arith.constant dense<0x7F800000> : vector<32xf32>
      %reduce_min3A_920 = vector.multi_reduction <minimumf>, %select_n3A_918, %reduce_min3A_919 [1] : vector<32x1024xf32> to vector<32xf32>
      %broadcast_in_dim3A_921 = vector.shape_cast %reduce_min3A_920 : vector<32xf32> to vector<32x1xf32>
      %ge3A_922 = arith.constant 1.300000e+01 : f32
      %ge3A_923 = vector.broadcast %ge3A_922 : f32 to vector<32x1024xf32>
      %ge3A_924 = arith.cmpf oge, %add3A_808, %ge3A_923 : vector<32x1024xf32>
      %jit3A_925 = arith.constant 1.000000e+09 : f32
      %broadcast_in_dim3A_926 = vector.broadcast %jit3A_925 : f32 to vector<32x1024xf32>
      %select_n3A_927 = arith.select %ge3A_924, %add3A_813, %broadcast_in_dim3A_926 : vector<32x1024xi1>, vector<32x1024xf32>
      %reduce_min3A_928 = arith.constant dense<0x7F800000> : vector<32xf32>
      %reduce_min3A_929 = vector.multi_reduction <minimumf>, %select_n3A_927, %reduce_min3A_928 [1] : vector<32x1024xf32> to vector<32xf32>
      %broadcast_in_dim3A_930 = vector.shape_cast %reduce_min3A_929 : vector<32xf32> to vector<32x1xf32>
      %ge3A_931 = arith.constant 1.400000e+01 : f32
      %ge3A_932 = vector.broadcast %ge3A_931 : f32 to vector<32x1024xf32>
      %ge3A_933 = arith.cmpf oge, %add3A_808, %ge3A_932 : vector<32x1024xf32>
      %jit3A_934 = arith.constant 1.000000e+09 : f32
      %broadcast_in_dim3A_935 = vector.broadcast %jit3A_934 : f32 to vector<32x1024xf32>
      %select_n3A_936 = arith.select %ge3A_933, %add3A_813, %broadcast_in_dim3A_935 : vector<32x1024xi1>, vector<32x1024xf32>
      %reduce_min3A_937 = arith.constant dense<0x7F800000> : vector<32xf32>
      %reduce_min3A_938 = vector.multi_reduction <minimumf>, %select_n3A_936, %reduce_min3A_937 [1] : vector<32x1024xf32> to vector<32xf32>
      %broadcast_in_dim3A_939 = vector.shape_cast %reduce_min3A_938 : vector<32xf32> to vector<32x1xf32>
      %ge3A_940 = arith.constant 1.500000e+01 : f32
      %ge3A_941 = vector.broadcast %ge3A_940 : f32 to vector<32x1024xf32>
      %ge3A_942 = arith.cmpf oge, %add3A_808, %ge3A_941 : vector<32x1024xf32>
      %jit3A_943 = arith.constant 1.000000e+09 : f32
      %broadcast_in_dim3A_944 = vector.broadcast %jit3A_943 : f32 to vector<32x1024xf32>
      %select_n3A_945 = arith.select %ge3A_942, %add3A_813, %broadcast_in_dim3A_944 : vector<32x1024xi1>, vector<32x1024xf32>
      %reduce_min3A_946 = arith.constant dense<0x7F800000> : vector<32xf32>
      %reduce_min3A_947 = vector.multi_reduction <minimumf>, %select_n3A_945, %reduce_min3A_946 [1] : vector<32x1024xf32> to vector<32xf32>
      %broadcast_in_dim3A_948 = vector.shape_cast %reduce_min3A_947 : vector<32xf32> to vector<32x1xf32>
      %ge3A_949 = arith.constant 1.600000e+01 : f32
      %ge3A_950 = vector.broadcast %ge3A_949 : f32 to vector<32x1024xf32>
      %ge3A_951 = arith.cmpf oge, %add3A_808, %ge3A_950 : vector<32x1024xf32>
      %jit3A_952 = arith.constant 1.000000e+09 : f32
      %broadcast_in_dim3A_953 = vector.broadcast %jit3A_952 : f32 to vector<32x1024xf32>
      %select_n3A_954 = arith.select %ge3A_951, %add3A_813, %broadcast_in_dim3A_953 : vector<32x1024xi1>, vector<32x1024xf32>
      %reduce_min3A_955 = arith.constant dense<0x7F800000> : vector<32xf32>
      %reduce_min3A_956 = vector.multi_reduction <minimumf>, %select_n3A_954, %reduce_min3A_955 [1] : vector<32x1024xf32> to vector<32xf32>
      %broadcast_in_dim3A_957 = vector.shape_cast %reduce_min3A_956 : vector<32xf32> to vector<32x1xf32>
      %ge3A_958 = arith.constant 1.700000e+01 : f32
      %ge3A_959 = vector.broadcast %ge3A_958 : f32 to vector<32x1024xf32>
      %ge3A_960 = arith.cmpf oge, %add3A_808, %ge3A_959 : vector<32x1024xf32>
      %jit3A_961 = arith.constant 1.000000e+09 : f32
      %broadcast_in_dim3A_962 = vector.broadcast %jit3A_961 : f32 to vector<32x1024xf32>
      %select_n3A_963 = arith.select %ge3A_960, %add3A_813, %broadcast_in_dim3A_962 : vector<32x1024xi1>, vector<32x1024xf32>
      %reduce_min3A_964 = arith.constant dense<0x7F800000> : vector<32xf32>
      %reduce_min3A_965 = vector.multi_reduction <minimumf>, %select_n3A_963, %reduce_min3A_964 [1] : vector<32x1024xf32> to vector<32xf32>
      %broadcast_in_dim3A_966 = vector.shape_cast %reduce_min3A_965 : vector<32xf32> to vector<32x1xf32>
      %ge3A_967 = arith.constant 1.800000e+01 : f32
      %ge3A_968 = vector.broadcast %ge3A_967 : f32 to vector<32x1024xf32>
      %ge3A_969 = arith.cmpf oge, %add3A_808, %ge3A_968 : vector<32x1024xf32>
      %jit3A_970 = arith.constant 1.000000e+09 : f32
      %broadcast_in_dim3A_971 = vector.broadcast %jit3A_970 : f32 to vector<32x1024xf32>
      %select_n3A_972 = arith.select %ge3A_969, %add3A_813, %broadcast_in_dim3A_971 : vector<32x1024xi1>, vector<32x1024xf32>
      %reduce_min3A_973 = arith.constant dense<0x7F800000> : vector<32xf32>
      %reduce_min3A_974 = vector.multi_reduction <minimumf>, %select_n3A_972, %reduce_min3A_973 [1] : vector<32x1024xf32> to vector<32xf32>
      %broadcast_in_dim3A_975 = vector.shape_cast %reduce_min3A_974 : vector<32xf32> to vector<32x1xf32>
      %ge3A_976 = arith.constant 1.900000e+01 : f32
      %ge3A_977 = vector.broadcast %ge3A_976 : f32 to vector<32x1024xf32>
      %ge3A_978 = arith.cmpf oge, %add3A_808, %ge3A_977 : vector<32x1024xf32>
      %jit3A_979 = arith.constant 1.000000e+09 : f32
      %broadcast_in_dim3A_980 = vector.broadcast %jit3A_979 : f32 to vector<32x1024xf32>
      %select_n3A_981 = arith.select %ge3A_978, %add3A_813, %broadcast_in_dim3A_980 : vector<32x1024xi1>, vector<32x1024xf32>
      %reduce_min3A_982 = arith.constant dense<0x7F800000> : vector<32xf32>
      %reduce_min3A_983 = vector.multi_reduction <minimumf>, %select_n3A_981, %reduce_min3A_982 [1] : vector<32x1024xf32> to vector<32xf32>
      %broadcast_in_dim3A_984 = vector.shape_cast %reduce_min3A_983 : vector<32xf32> to vector<32x1xf32>
      %ge3A_985 = arith.constant 2.000000e+01 : f32
      %ge3A_986 = vector.broadcast %ge3A_985 : f32 to vector<32x1024xf32>
      %ge3A_987 = arith.cmpf oge, %add3A_808, %ge3A_986 : vector<32x1024xf32>
      %jit3A_988 = arith.constant 1.000000e+09 : f32
      %broadcast_in_dim3A_989 = vector.broadcast %jit3A_988 : f32 to vector<32x1024xf32>
      %select_n3A_990 = arith.select %ge3A_987, %add3A_813, %broadcast_in_dim3A_989 : vector<32x1024xi1>, vector<32x1024xf32>
      %reduce_min3A_991 = arith.constant dense<0x7F800000> : vector<32xf32>
      %reduce_min3A_992 = vector.multi_reduction <minimumf>, %select_n3A_990, %reduce_min3A_991 [1] : vector<32x1024xf32> to vector<32xf32>
      %broadcast_in_dim3A_993 = vector.shape_cast %reduce_min3A_992 : vector<32xf32> to vector<32x1xf32>
      %ge3A_994 = arith.constant 2.100000e+01 : f32
      %ge3A_995 = vector.broadcast %ge3A_994 : f32 to vector<32x1024xf32>
      %ge3A_996 = arith.cmpf oge, %add3A_808, %ge3A_995 : vector<32x1024xf32>
      %jit3A_997 = arith.constant 1.000000e+09 : f32
      %broadcast_in_dim3A_998 = vector.broadcast %jit3A_997 : f32 to vector<32x1024xf32>
      %select_n3A_999 = arith.select %ge3A_996, %add3A_813, %broadcast_in_dim3A_998 : vector<32x1024xi1>, vector<32x1024xf32>
      %reduce_min3A_1000 = arith.constant dense<0x7F800000> : vector<32xf32>
      %reduce_min3A_1001 = vector.multi_reduction <minimumf>, %select_n3A_999, %reduce_min3A_1000 [1] : vector<32x1024xf32> to vector<32xf32>
      %broadcast_in_dim3A_1002 = vector.shape_cast %reduce_min3A_1001 : vector<32xf32> to vector<32x1xf32>
      %ge3A_1003 = arith.constant 2.200000e+01 : f32
      %ge3A_1004 = vector.broadcast %ge3A_1003 : f32 to vector<32x1024xf32>
      %ge3A_1005 = arith.cmpf oge, %add3A_808, %ge3A_1004 : vector<32x1024xf32>
      %jit3A_1006 = arith.constant 1.000000e+09 : f32
      %broadcast_in_dim3A_1007 = vector.broadcast %jit3A_1006 : f32 to vector<32x1024xf32>
      %select_n3A_1008 = arith.select %ge3A_1005, %add3A_813, %broadcast_in_dim3A_1007 : vector<32x1024xi1>, vector<32x1024xf32>
      %reduce_min3A_1009 = arith.constant dense<0x7F800000> : vector<32xf32>
      %reduce_min3A_1010 = vector.multi_reduction <minimumf>, %select_n3A_1008, %reduce_min3A_1009 [1] : vector<32x1024xf32> to vector<32xf32>
      %broadcast_in_dim3A_1011 = vector.shape_cast %reduce_min3A_1010 : vector<32xf32> to vector<32x1xf32>
      %ge3A_1012 = arith.constant 2.300000e+01 : f32
      %ge3A_1013 = vector.broadcast %ge3A_1012 : f32 to vector<32x1024xf32>
      %ge3A_1014 = arith.cmpf oge, %add3A_808, %ge3A_1013 : vector<32x1024xf32>
      %jit3A_1015 = arith.constant 1.000000e+09 : f32
      %broadcast_in_dim3A_1016 = vector.broadcast %jit3A_1015 : f32 to vector<32x1024xf32>
      %select_n3A_1017 = arith.select %ge3A_1014, %add3A_813, %broadcast_in_dim3A_1016 : vector<32x1024xi1>, vector<32x1024xf32>
      %reduce_min3A_1018 = arith.constant dense<0x7F800000> : vector<32xf32>
      %reduce_min3A_1019 = vector.multi_reduction <minimumf>, %select_n3A_1017, %reduce_min3A_1018 [1] : vector<32x1024xf32> to vector<32xf32>
      %broadcast_in_dim3A_1020 = vector.shape_cast %reduce_min3A_1019 : vector<32xf32> to vector<32x1xf32>
      %ge3A_1021 = arith.constant 2.400000e+01 : f32
      %ge3A_1022 = vector.broadcast %ge3A_1021 : f32 to vector<32x1024xf32>
      %ge3A_1023 = arith.cmpf oge, %add3A_808, %ge3A_1022 : vector<32x1024xf32>
      %jit3A_1024 = arith.constant 1.000000e+09 : f32
      %broadcast_in_dim3A_1025 = vector.broadcast %jit3A_1024 : f32 to vector<32x1024xf32>
      %select_n3A_1026 = arith.select %ge3A_1023, %add3A_813, %broadcast_in_dim3A_1025 : vector<32x1024xi1>, vector<32x1024xf32>
      %reduce_min3A_1027 = arith.constant dense<0x7F800000> : vector<32xf32>
      %reduce_min3A_1028 = vector.multi_reduction <minimumf>, %select_n3A_1026, %reduce_min3A_1027 [1] : vector<32x1024xf32> to vector<32xf32>
      %broadcast_in_dim3A_1029 = vector.shape_cast %reduce_min3A_1028 : vector<32xf32> to vector<32x1xf32>
      %ge3A_1030 = arith.constant 2.500000e+01 : f32
      %ge3A_1031 = vector.broadcast %ge3A_1030 : f32 to vector<32x1024xf32>
      %ge3A_1032 = arith.cmpf oge, %add3A_808, %ge3A_1031 : vector<32x1024xf32>
      %jit3A_1033 = arith.constant 1.000000e+09 : f32
      %broadcast_in_dim3A_1034 = vector.broadcast %jit3A_1033 : f32 to vector<32x1024xf32>
      %select_n3A_1035 = arith.select %ge3A_1032, %add3A_813, %broadcast_in_dim3A_1034 : vector<32x1024xi1>, vector<32x1024xf32>
      %reduce_min3A_1036 = arith.constant dense<0x7F800000> : vector<32xf32>
      %reduce_min3A_1037 = vector.multi_reduction <minimumf>, %select_n3A_1035, %reduce_min3A_1036 [1] : vector<32x1024xf32> to vector<32xf32>
      %broadcast_in_dim3A_1038 = vector.shape_cast %reduce_min3A_1037 : vector<32xf32> to vector<32x1xf32>
      %ge3A_1039 = arith.constant 2.600000e+01 : f32
      %ge3A_1040 = vector.broadcast %ge3A_1039 : f32 to vector<32x1024xf32>
      %ge3A_1041 = arith.cmpf oge, %add3A_808, %ge3A_1040 : vector<32x1024xf32>
      %jit3A_1042 = arith.constant 1.000000e+09 : f32
      %broadcast_in_dim3A_1043 = vector.broadcast %jit3A_1042 : f32 to vector<32x1024xf32>
      %select_n3A_1044 = arith.select %ge3A_1041, %add3A_813, %broadcast_in_dim3A_1043 : vector<32x1024xi1>, vector<32x1024xf32>
      %reduce_min3A_1045 = arith.constant dense<0x7F800000> : vector<32xf32>
      %reduce_min3A_1046 = vector.multi_reduction <minimumf>, %select_n3A_1044, %reduce_min3A_1045 [1] : vector<32x1024xf32> to vector<32xf32>
      %broadcast_in_dim3A_1047 = vector.shape_cast %reduce_min3A_1046 : vector<32xf32> to vector<32x1xf32>
      %ge3A_1048 = arith.constant 2.700000e+01 : f32
      %ge3A_1049 = vector.broadcast %ge3A_1048 : f32 to vector<32x1024xf32>
      %ge3A_1050 = arith.cmpf oge, %add3A_808, %ge3A_1049 : vector<32x1024xf32>
      %jit3A_1051 = arith.constant 1.000000e+09 : f32
      %broadcast_in_dim3A_1052 = vector.broadcast %jit3A_1051 : f32 to vector<32x1024xf32>
      %select_n3A_1053 = arith.select %ge3A_1050, %add3A_813, %broadcast_in_dim3A_1052 : vector<32x1024xi1>, vector<32x1024xf32>
      %reduce_min3A_1054 = arith.constant dense<0x7F800000> : vector<32xf32>
      %reduce_min3A_1055 = vector.multi_reduction <minimumf>, %select_n3A_1053, %reduce_min3A_1054 [1] : vector<32x1024xf32> to vector<32xf32>
      %broadcast_in_dim3A_1056 = vector.shape_cast %reduce_min3A_1055 : vector<32xf32> to vector<32x1xf32>
      %ge3A_1057 = arith.constant 2.800000e+01 : f32
      %ge3A_1058 = vector.broadcast %ge3A_1057 : f32 to vector<32x1024xf32>
      %ge3A_1059 = arith.cmpf oge, %add3A_808, %ge3A_1058 : vector<32x1024xf32>
      %jit3A_1060 = arith.constant 1.000000e+09 : f32
      %broadcast_in_dim3A_1061 = vector.broadcast %jit3A_1060 : f32 to vector<32x1024xf32>
      %select_n3A_1062 = arith.select %ge3A_1059, %add3A_813, %broadcast_in_dim3A_1061 : vector<32x1024xi1>, vector<32x1024xf32>
      %reduce_min3A_1063 = arith.constant dense<0x7F800000> : vector<32xf32>
      %reduce_min3A_1064 = vector.multi_reduction <minimumf>, %select_n3A_1062, %reduce_min3A_1063 [1] : vector<32x1024xf32> to vector<32xf32>
      %broadcast_in_dim3A_1065 = vector.shape_cast %reduce_min3A_1064 : vector<32xf32> to vector<32x1xf32>
      %ge3A_1066 = arith.constant 2.900000e+01 : f32
      %ge3A_1067 = vector.broadcast %ge3A_1066 : f32 to vector<32x1024xf32>
      %ge3A_1068 = arith.cmpf oge, %add3A_808, %ge3A_1067 : vector<32x1024xf32>
      %jit3A_1069 = arith.constant 1.000000e+09 : f32
      %broadcast_in_dim3A_1070 = vector.broadcast %jit3A_1069 : f32 to vector<32x1024xf32>
      %select_n3A_1071 = arith.select %ge3A_1068, %add3A_813, %broadcast_in_dim3A_1070 : vector<32x1024xi1>, vector<32x1024xf32>
      %reduce_min3A_1072 = arith.constant dense<0x7F800000> : vector<32xf32>
      %reduce_min3A_1073 = vector.multi_reduction <minimumf>, %select_n3A_1071, %reduce_min3A_1072 [1] : vector<32x1024xf32> to vector<32xf32>
      %broadcast_in_dim3A_1074 = vector.shape_cast %reduce_min3A_1073 : vector<32xf32> to vector<32x1xf32>
      %ge3A_1075 = arith.constant 3.000000e+01 : f32
      %ge3A_1076 = vector.broadcast %ge3A_1075 : f32 to vector<32x1024xf32>
      %ge3A_1077 = arith.cmpf oge, %add3A_808, %ge3A_1076 : vector<32x1024xf32>
      %jit3A_1078 = arith.constant 1.000000e+09 : f32
      %broadcast_in_dim3A_1079 = vector.broadcast %jit3A_1078 : f32 to vector<32x1024xf32>
      %select_n3A_1080 = arith.select %ge3A_1077, %add3A_813, %broadcast_in_dim3A_1079 : vector<32x1024xi1>, vector<32x1024xf32>
      %reduce_min3A_1081 = arith.constant dense<0x7F800000> : vector<32xf32>
      %reduce_min3A_1082 = vector.multi_reduction <minimumf>, %select_n3A_1080, %reduce_min3A_1081 [1] : vector<32x1024xf32> to vector<32xf32>
      %broadcast_in_dim3A_1083 = vector.shape_cast %reduce_min3A_1082 : vector<32xf32> to vector<32x1xf32>
      %ge3A_1084 = arith.constant 3.100000e+01 : f32
      %ge3A_1085 = vector.broadcast %ge3A_1084 : f32 to vector<32x1024xf32>
      %ge3A_1086 = arith.cmpf oge, %add3A_808, %ge3A_1085 : vector<32x1024xf32>
      %jit3A_1087 = arith.constant 1.000000e+09 : f32
      %broadcast_in_dim3A_1088 = vector.broadcast %jit3A_1087 : f32 to vector<32x1024xf32>
      %select_n3A_1089 = arith.select %ge3A_1086, %add3A_813, %broadcast_in_dim3A_1088 : vector<32x1024xi1>, vector<32x1024xf32>
      %reduce_min3A_1090 = arith.constant dense<0x7F800000> : vector<32xf32>
      %reduce_min3A_1091 = vector.multi_reduction <minimumf>, %select_n3A_1089, %reduce_min3A_1090 [1] : vector<32x1024xf32> to vector<32xf32>
      %broadcast_in_dim3A_1092 = vector.shape_cast %reduce_min3A_1091 : vector<32xf32> to vector<32x1xf32>
      %ge3A_1093 = arith.constant 3.200000e+01 : f32
      %ge3A_1094 = vector.broadcast %ge3A_1093 : f32 to vector<32x1024xf32>
      %ge3A_1095 = arith.cmpf oge, %add3A_808, %ge3A_1094 : vector<32x1024xf32>
      %jit3A_1096 = arith.constant 1.000000e+09 : f32
      %broadcast_in_dim3A_1097 = vector.broadcast %jit3A_1096 : f32 to vector<32x1024xf32>
      %select_n3A_1098 = arith.select %ge3A_1095, %add3A_813, %broadcast_in_dim3A_1097 : vector<32x1024xi1>, vector<32x1024xf32>
      %reduce_min3A_1099 = arith.constant dense<0x7F800000> : vector<32xf32>
      %reduce_min3A_1100 = vector.multi_reduction <minimumf>, %select_n3A_1098, %reduce_min3A_1099 [1] : vector<32x1024xf32> to vector<32xf32>
      %broadcast_in_dim3A_1101 = vector.shape_cast %reduce_min3A_1100 : vector<32xf32> to vector<32x1xf32>
      %concatenate3A_1102 = tpu.concatenate %broadcast_in_dim3A_822, %broadcast_in_dim3A_831, %broadcast_in_dim3A_840, %broadcast_in_dim3A_849, %broadcast_in_dim3A_858, %broadcast_in_dim3A_867, %broadcast_in_dim3A_876, %broadcast_in_dim3A_885, %broadcast_in_dim3A_894, %broadcast_in_dim3A_903, %broadcast_in_dim3A_912, %broadcast_in_dim3A_921, %broadcast_in_dim3A_930, %broadcast_in_dim3A_939, %broadcast_in_dim3A_948, %broadcast_in_dim3A_957, %broadcast_in_dim3A_966, %broadcast_in_dim3A_975, %broadcast_in_dim3A_984, %broadcast_in_dim3A_993, %broadcast_in_dim3A_1002, %broadcast_in_dim3A_1011, %broadcast_in_dim3A_1020, %broadcast_in_dim3A_1029, %broadcast_in_dim3A_1038, %broadcast_in_dim3A_1047, %broadcast_in_dim3A_1056, %broadcast_in_dim3A_1065, %broadcast_in_dim3A_1074, %broadcast_in_dim3A_1083, %broadcast_in_dim3A_1092, %broadcast_in_dim3A_1101 in 1 : vector<32x1xf32>, vector<32x1xf32>, vector<32x1xf32>, vector<32x1xf32>, vector<32x1xf32>, vector<32x1xf32>, vector<32x1xf32>, vector<32x1xf32>, vector<32x1xf32>, vector<32x1xf32>, vector<32x1xf32>, vector<32x1xf32>, vector<32x1xf32>, vector<32x1xf32>, vector<32x1xf32>, vector<32x1xf32>, vector<32x1xf32>, vector<32x1xf32>, vector<32x1xf32>, vector<32x1xf32>, vector<32x1xf32>, vector<32x1xf32>, vector<32x1xf32>, vector<32x1xf32>, vector<32x1xf32>, vector<32x1xf32>, vector<32x1xf32>, vector<32x1xf32>, vector<32x1xf32>, vector<32x1xf32>, vector<32x1xf32>, vector<32x1xf32> -> vector<32x32xf32>
      %min3A_1103 = arith.minimumf %min3A_747, %concatenate3A_1102 : vector<32x32xf32>
      %slice3A_1104 = vector.extract_strided_slice %add3A_808 {offsets = [0, 1023], sizes = [32, 1], strides = [1, 1]} : vector<32x1024xf32> to vector<32x1xf32>
      %mul3A_1105 = arith.constant 4 : i32
      %mul3A_1106 = arith.muli %mul3A_1105, %scan3A_41 : i32
      %add3A_1107 = arith.constant 3 : i32
      %add3A_1108 = arith.addi %mul3A_1106, %add3A_1107 : i32
      %mul3A_1109 = arith.constant 1024 : i32
      %mul3A_1110 = arith.muli %add3A_1108, %mul3A_1109 : i32
      %get3A_1111 = arith.constant 0 : index
      %get3A_1112 = arith.constant 0 : index
      %get3A_1113 = arith.index_cast %mul3A_1110 : i32 to index
      %get3A_1114 = vector.load %arg3[%get3A_1111, %get3A_1112, %get3A_1113] : memref<1x1x16384xf32, #tpu.memory_space<vmem>>, vector<1x1x1024xf32>
      %get3A_1115 = vector.shape_cast %get3A_1114 : vector<1x1x1024xf32> to vector<1x1024xf32>
      %get3A_1116 = arith.constant 0 : index
      %get3A_1117 = arith.constant 0 : index
      %get3A_1118 = arith.index_cast %mul3A_1110 : i32 to index
      %get3A_1119 = vector.load %arg4[%get3A_1116, %get3A_1117, %get3A_1118] : memref<1x1x16384xf32, #tpu.memory_space<vmem>>, vector<1x1x1024xf32>
      %get3A_1120 = vector.shape_cast %get3A_1119 : vector<1x1x1024xf32> to vector<1x1024xf32>
      %get3A_1121 = arith.constant 0 : index
      %get3A_1122 = arith.constant 0 : index
      %get3A_1123 = arith.index_cast %mul3A_1110 : i32 to index
      %get3A_1124 = vector.load %arg5[%get3A_1121, %get3A_1122, %get3A_1123] : memref<1x1x16384xf32, #tpu.memory_space<vmem>>, vector<1x1x1024xf32>
      %get3A_1125 = vector.shape_cast %get3A_1124 : vector<1x1x1024xf32> to vector<1x1024xf32>
      %mul3A_1126 = arith.mulf %get3A_1115, %get3A_1115 : vector<1x1024xf32>
      %mul3A_1127 = arith.mulf %get3A_1120, %get3A_1120 : vector<1x1024xf32>
      %add3A_1128 = arith.addf %mul3A_1126, %mul3A_1127 : vector<1x1024xf32>
      %mul3A_1129 = arith.mulf %get3A_1125, %get3A_1125 : vector<1x1024xf32>
      %add3A_1130 = arith.addf %add3A_1128, %mul3A_1129 : vector<1x1024xf32>
      %convert_element_type3A_1131 = arith.truncf %get3A_1115 : vector<1x1024xf32> to vector<1x1024xbf16>
      %convert_element_type3A_1132 = arith.extf %convert_element_type3A_1131 : vector<1x1024xbf16> to vector<1x1024xf32>
      %convert_element_type3A_1133 = arith.truncf %get3A_1120 : vector<1x1024xf32> to vector<1x1024xbf16>
      %convert_element_type3A_1134 = arith.extf %convert_element_type3A_1133 : vector<1x1024xbf16> to vector<1x1024xf32>
      %convert_element_type3A_1135 = arith.truncf %get3A_1125 : vector<1x1024xf32> to vector<1x1024xbf16>
      %convert_element_type3A_1136 = arith.extf %convert_element_type3A_1135 : vector<1x1024xbf16> to vector<1x1024xf32>
      %mul3A_1137 = vector.broadcast %convert_element_type3A_9 : vector<32x1xf32> to vector<32x1024xf32>
      %mul3A_1138 = vector.broadcast %convert_element_type3A_1132 : vector<1x1024xf32> to vector<32x1024xf32>
      %mul3A_1139 = arith.mulf %mul3A_1137, %mul3A_1138 : vector<32x1024xf32>
      %mul3A_1140 = vector.broadcast %convert_element_type3A_11 : vector<32x1xf32> to vector<32x1024xf32>
      %mul3A_1141 = vector.broadcast %convert_element_type3A_1134 : vector<1x1024xf32> to vector<32x1024xf32>
      %mul3A_1142 = arith.mulf %mul3A_1140, %mul3A_1141 : vector<32x1024xf32>
      %add3A_1143 = arith.addf %mul3A_1139, %mul3A_1142 : vector<32x1024xf32>
      %mul3A_1144 = vector.broadcast %convert_element_type3A_13 : vector<32x1xf32> to vector<32x1024xf32>
      %mul3A_1145 = vector.broadcast %convert_element_type3A_1136 : vector<1x1024xf32> to vector<32x1024xf32>
      %mul3A_1146 = arith.mulf %mul3A_1144, %mul3A_1145 : vector<32x1024xf32>
      %add3A_1147 = arith.addf %add3A_1143, %mul3A_1146 : vector<32x1024xf32>
      %add3A_1148 = vector.broadcast %add3A_8 : vector<32x1xf32> to vector<32x1024xf32>
      %add3A_1149 = vector.broadcast %add3A_1130 : vector<1x1024xf32> to vector<32x1024xf32>
      %add3A_1150 = arith.addf %add3A_1148, %add3A_1149 : vector<32x1024xf32>
      %mul3A_1151 = arith.constant 2.000000e+00 : f32
      %mul3A_1152 = vector.broadcast %mul3A_1151 : f32 to vector<32x1024xf32>
      %mul3A_1153 = arith.mulf %mul3A_1152, %add3A_1147 : vector<32x1024xf32>
      %sub3A_1154 = arith.subf %add3A_1150, %mul3A_1153 : vector<32x1024xf32>
      %le3A_1155 = arith.constant 0.00999999977 : f32
      %le3A_1156 = vector.broadcast %le3A_1155 : f32 to vector<32x1024xf32>
      %le3A_1157 = arith.cmpf ole, %sub3A_1154, %le3A_1156 : vector<32x1024xf32>
      %convert_element_type3A_1158 = arith.extui %le3A_1157 : vector<32x1024xi1> to vector<32x1024xi32>
      %convert_element_type3A_1159 = arith.sitofp %convert_element_type3A_1158 : vector<32x1024xi32> to vector<32x1024xf32>
      %convert_element_type3A_1160 = arith.truncf %convert_element_type3A_1159 : vector<32x1024xf32> to vector<32x1024xbf16>
      %dot_general3A_1161 = arith.constant dense<0.000000e+00> : vector<32x1024xf32>
      %dot_general3A_1162 = tpu.matmul %convert_element_type3A_1160, %get3A_16, %dot_general3A_1161 {dimension_numbers = #tpu.dot_dimension_numbers<[1], [0], [0], [1], [0, 0, 1, 1], [], []>, transpose_lhs_hint = false} : vector<32x1024xbf16>, vector<1024x1024xbf16>, vector<32x1024xf32> -> vector<32x1024xf32>
      %add3A_1163 = vector.broadcast %slice3A_1104 : vector<32x1xf32> to vector<32x1024xf32>
      %add3A_1164 = arith.addf %dot_general3A_1162, %add3A_1163 : vector<32x1024xf32>
      %mul3A_1165 = arith.constant 1024 : i32
      %mul3A_1166 = arith.muli %add3A_1108, %mul3A_1165 : i32
      %convert_element_type3A_1167 = arith.sitofp %mul3A_1166 : i32 to f32
      %add3A_1168 = vector.broadcast %convert_element_type3A_1167 : f32 to vector<32x1024xf32>
      %add3A_1169 = arith.addf %convert_element_type3A_17, %add3A_1168 : vector<32x1024xf32>
      %ge3A_1170 = arith.constant 1.000000e+00 : f32
      %ge3A_1171 = vector.broadcast %ge3A_1170 : f32 to vector<32x1024xf32>
      %ge3A_1172 = arith.cmpf oge, %add3A_1164, %ge3A_1171 : vector<32x1024xf32>
      %jit3A_1173 = arith.constant 1.000000e+09 : f32
      %broadcast_in_dim3A_1174 = vector.broadcast %jit3A_1173 : f32 to vector<32x1024xf32>
      %select_n3A_1175 = arith.select %ge3A_1172, %add3A_1169, %broadcast_in_dim3A_1174 : vector<32x1024xi1>, vector<32x1024xf32>
      %reduce_min3A_1176 = arith.constant dense<0x7F800000> : vector<32xf32>
      %reduce_min3A_1177 = vector.multi_reduction <minimumf>, %select_n3A_1175, %reduce_min3A_1176 [1] : vector<32x1024xf32> to vector<32xf32>
      %broadcast_in_dim3A_1178 = vector.shape_cast %reduce_min3A_1177 : vector<32xf32> to vector<32x1xf32>
      %ge3A_1179 = arith.constant 2.000000e+00 : f32
      %ge3A_1180 = vector.broadcast %ge3A_1179 : f32 to vector<32x1024xf32>
      %ge3A_1181 = arith.cmpf oge, %add3A_1164, %ge3A_1180 : vector<32x1024xf32>
      %jit3A_1182 = arith.constant 1.000000e+09 : f32
      %broadcast_in_dim3A_1183 = vector.broadcast %jit3A_1182 : f32 to vector<32x1024xf32>
      %select_n3A_1184 = arith.select %ge3A_1181, %add3A_1169, %broadcast_in_dim3A_1183 : vector<32x1024xi1>, vector<32x1024xf32>
      %reduce_min3A_1185 = arith.constant dense<0x7F800000> : vector<32xf32>
      %reduce_min3A_1186 = vector.multi_reduction <minimumf>, %select_n3A_1184, %reduce_min3A_1185 [1] : vector<32x1024xf32> to vector<32xf32>
      %broadcast_in_dim3A_1187 = vector.shape_cast %reduce_min3A_1186 : vector<32xf32> to vector<32x1xf32>
      %ge3A_1188 = arith.constant 3.000000e+00 : f32
      %ge3A_1189 = vector.broadcast %ge3A_1188 : f32 to vector<32x1024xf32>
      %ge3A_1190 = arith.cmpf oge, %add3A_1164, %ge3A_1189 : vector<32x1024xf32>
      %jit3A_1191 = arith.constant 1.000000e+09 : f32
      %broadcast_in_dim3A_1192 = vector.broadcast %jit3A_1191 : f32 to vector<32x1024xf32>
      %select_n3A_1193 = arith.select %ge3A_1190, %add3A_1169, %broadcast_in_dim3A_1192 : vector<32x1024xi1>, vector<32x1024xf32>
      %reduce_min3A_1194 = arith.constant dense<0x7F800000> : vector<32xf32>
      %reduce_min3A_1195 = vector.multi_reduction <minimumf>, %select_n3A_1193, %reduce_min3A_1194 [1] : vector<32x1024xf32> to vector<32xf32>
      %broadcast_in_dim3A_1196 = vector.shape_cast %reduce_min3A_1195 : vector<32xf32> to vector<32x1xf32>
      %ge3A_1197 = arith.constant 4.000000e+00 : f32
      %ge3A_1198 = vector.broadcast %ge3A_1197 : f32 to vector<32x1024xf32>
      %ge3A_1199 = arith.cmpf oge, %add3A_1164, %ge3A_1198 : vector<32x1024xf32>
      %jit3A_1200 = arith.constant 1.000000e+09 : f32
      %broadcast_in_dim3A_1201 = vector.broadcast %jit3A_1200 : f32 to vector<32x1024xf32>
      %select_n3A_1202 = arith.select %ge3A_1199, %add3A_1169, %broadcast_in_dim3A_1201 : vector<32x1024xi1>, vector<32x1024xf32>
      %reduce_min3A_1203 = arith.constant dense<0x7F800000> : vector<32xf32>
      %reduce_min3A_1204 = vector.multi_reduction <minimumf>, %select_n3A_1202, %reduce_min3A_1203 [1] : vector<32x1024xf32> to vector<32xf32>
      %broadcast_in_dim3A_1205 = vector.shape_cast %reduce_min3A_1204 : vector<32xf32> to vector<32x1xf32>
      %ge3A_1206 = arith.constant 5.000000e+00 : f32
      %ge3A_1207 = vector.broadcast %ge3A_1206 : f32 to vector<32x1024xf32>
      %ge3A_1208 = arith.cmpf oge, %add3A_1164, %ge3A_1207 : vector<32x1024xf32>
      %jit3A_1209 = arith.constant 1.000000e+09 : f32
      %broadcast_in_dim3A_1210 = vector.broadcast %jit3A_1209 : f32 to vector<32x1024xf32>
      %select_n3A_1211 = arith.select %ge3A_1208, %add3A_1169, %broadcast_in_dim3A_1210 : vector<32x1024xi1>, vector<32x1024xf32>
      %reduce_min3A_1212 = arith.constant dense<0x7F800000> : vector<32xf32>
      %reduce_min3A_1213 = vector.multi_reduction <minimumf>, %select_n3A_1211, %reduce_min3A_1212 [1] : vector<32x1024xf32> to vector<32xf32>
      %broadcast_in_dim3A_1214 = vector.shape_cast %reduce_min3A_1213 : vector<32xf32> to vector<32x1xf32>
      %ge3A_1215 = arith.constant 6.000000e+00 : f32
      %ge3A_1216 = vector.broadcast %ge3A_1215 : f32 to vector<32x1024xf32>
      %ge3A_1217 = arith.cmpf oge, %add3A_1164, %ge3A_1216 : vector<32x1024xf32>
      %jit3A_1218 = arith.constant 1.000000e+09 : f32
      %broadcast_in_dim3A_1219 = vector.broadcast %jit3A_1218 : f32 to vector<32x1024xf32>
      %select_n3A_1220 = arith.select %ge3A_1217, %add3A_1169, %broadcast_in_dim3A_1219 : vector<32x1024xi1>, vector<32x1024xf32>
      %reduce_min3A_1221 = arith.constant dense<0x7F800000> : vector<32xf32>
      %reduce_min3A_1222 = vector.multi_reduction <minimumf>, %select_n3A_1220, %reduce_min3A_1221 [1] : vector<32x1024xf32> to vector<32xf32>
      %broadcast_in_dim3A_1223 = vector.shape_cast %reduce_min3A_1222 : vector<32xf32> to vector<32x1xf32>
      %ge3A_1224 = arith.constant 7.000000e+00 : f32
      %ge3A_1225 = vector.broadcast %ge3A_1224 : f32 to vector<32x1024xf32>
      %ge3A_1226 = arith.cmpf oge, %add3A_1164, %ge3A_1225 : vector<32x1024xf32>
      %jit3A_1227 = arith.constant 1.000000e+09 : f32
      %broadcast_in_dim3A_1228 = vector.broadcast %jit3A_1227 : f32 to vector<32x1024xf32>
      %select_n3A_1229 = arith.select %ge3A_1226, %add3A_1169, %broadcast_in_dim3A_1228 : vector<32x1024xi1>, vector<32x1024xf32>
      %reduce_min3A_1230 = arith.constant dense<0x7F800000> : vector<32xf32>
      %reduce_min3A_1231 = vector.multi_reduction <minimumf>, %select_n3A_1229, %reduce_min3A_1230 [1] : vector<32x1024xf32> to vector<32xf32>
      %broadcast_in_dim3A_1232 = vector.shape_cast %reduce_min3A_1231 : vector<32xf32> to vector<32x1xf32>
      %ge3A_1233 = arith.constant 8.000000e+00 : f32
      %ge3A_1234 = vector.broadcast %ge3A_1233 : f32 to vector<32x1024xf32>
      %ge3A_1235 = arith.cmpf oge, %add3A_1164, %ge3A_1234 : vector<32x1024xf32>
      %jit3A_1236 = arith.constant 1.000000e+09 : f32
      %broadcast_in_dim3A_1237 = vector.broadcast %jit3A_1236 : f32 to vector<32x1024xf32>
      %select_n3A_1238 = arith.select %ge3A_1235, %add3A_1169, %broadcast_in_dim3A_1237 : vector<32x1024xi1>, vector<32x1024xf32>
      %reduce_min3A_1239 = arith.constant dense<0x7F800000> : vector<32xf32>
      %reduce_min3A_1240 = vector.multi_reduction <minimumf>, %select_n3A_1238, %reduce_min3A_1239 [1] : vector<32x1024xf32> to vector<32xf32>
      %broadcast_in_dim3A_1241 = vector.shape_cast %reduce_min3A_1240 : vector<32xf32> to vector<32x1xf32>
      %ge3A_1242 = arith.constant 9.000000e+00 : f32
      %ge3A_1243 = vector.broadcast %ge3A_1242 : f32 to vector<32x1024xf32>
      %ge3A_1244 = arith.cmpf oge, %add3A_1164, %ge3A_1243 : vector<32x1024xf32>
      %jit3A_1245 = arith.constant 1.000000e+09 : f32
      %broadcast_in_dim3A_1246 = vector.broadcast %jit3A_1245 : f32 to vector<32x1024xf32>
      %select_n3A_1247 = arith.select %ge3A_1244, %add3A_1169, %broadcast_in_dim3A_1246 : vector<32x1024xi1>, vector<32x1024xf32>
      %reduce_min3A_1248 = arith.constant dense<0x7F800000> : vector<32xf32>
      %reduce_min3A_1249 = vector.multi_reduction <minimumf>, %select_n3A_1247, %reduce_min3A_1248 [1] : vector<32x1024xf32> to vector<32xf32>
      %broadcast_in_dim3A_1250 = vector.shape_cast %reduce_min3A_1249 : vector<32xf32> to vector<32x1xf32>
      %ge3A_1251 = arith.constant 1.000000e+01 : f32
      %ge3A_1252 = vector.broadcast %ge3A_1251 : f32 to vector<32x1024xf32>
      %ge3A_1253 = arith.cmpf oge, %add3A_1164, %ge3A_1252 : vector<32x1024xf32>
      %jit3A_1254 = arith.constant 1.000000e+09 : f32
      %broadcast_in_dim3A_1255 = vector.broadcast %jit3A_1254 : f32 to vector<32x1024xf32>
      %select_n3A_1256 = arith.select %ge3A_1253, %add3A_1169, %broadcast_in_dim3A_1255 : vector<32x1024xi1>, vector<32x1024xf32>
      %reduce_min3A_1257 = arith.constant dense<0x7F800000> : vector<32xf32>
      %reduce_min3A_1258 = vector.multi_reduction <minimumf>, %select_n3A_1256, %reduce_min3A_1257 [1] : vector<32x1024xf32> to vector<32xf32>
      %broadcast_in_dim3A_1259 = vector.shape_cast %reduce_min3A_1258 : vector<32xf32> to vector<32x1xf32>
      %ge3A_1260 = arith.constant 1.100000e+01 : f32
      %ge3A_1261 = vector.broadcast %ge3A_1260 : f32 to vector<32x1024xf32>
      %ge3A_1262 = arith.cmpf oge, %add3A_1164, %ge3A_1261 : vector<32x1024xf32>
      %jit3A_1263 = arith.constant 1.000000e+09 : f32
      %broadcast_in_dim3A_1264 = vector.broadcast %jit3A_1263 : f32 to vector<32x1024xf32>
      %select_n3A_1265 = arith.select %ge3A_1262, %add3A_1169, %broadcast_in_dim3A_1264 : vector<32x1024xi1>, vector<32x1024xf32>
      %reduce_min3A_1266 = arith.constant dense<0x7F800000> : vector<32xf32>
      %reduce_min3A_1267 = vector.multi_reduction <minimumf>, %select_n3A_1265, %reduce_min3A_1266 [1] : vector<32x1024xf32> to vector<32xf32>
      %broadcast_in_dim3A_1268 = vector.shape_cast %reduce_min3A_1267 : vector<32xf32> to vector<32x1xf32>
      %ge3A_1269 = arith.constant 1.200000e+01 : f32
      %ge3A_1270 = vector.broadcast %ge3A_1269 : f32 to vector<32x1024xf32>
      %ge3A_1271 = arith.cmpf oge, %add3A_1164, %ge3A_1270 : vector<32x1024xf32>
      %jit3A_1272 = arith.constant 1.000000e+09 : f32
      %broadcast_in_dim3A_1273 = vector.broadcast %jit3A_1272 : f32 to vector<32x1024xf32>
      %select_n3A_1274 = arith.select %ge3A_1271, %add3A_1169, %broadcast_in_dim3A_1273 : vector<32x1024xi1>, vector<32x1024xf32>
      %reduce_min3A_1275 = arith.constant dense<0x7F800000> : vector<32xf32>
      %reduce_min3A_1276 = vector.multi_reduction <minimumf>, %select_n3A_1274, %reduce_min3A_1275 [1] : vector<32x1024xf32> to vector<32xf32>
      %broadcast_in_dim3A_1277 = vector.shape_cast %reduce_min3A_1276 : vector<32xf32> to vector<32x1xf32>
      %ge3A_1278 = arith.constant 1.300000e+01 : f32
      %ge3A_1279 = vector.broadcast %ge3A_1278 : f32 to vector<32x1024xf32>
      %ge3A_1280 = arith.cmpf oge, %add3A_1164, %ge3A_1279 : vector<32x1024xf32>
      %jit3A_1281 = arith.constant 1.000000e+09 : f32
      %broadcast_in_dim3A_1282 = vector.broadcast %jit3A_1281 : f32 to vector<32x1024xf32>
      %select_n3A_1283 = arith.select %ge3A_1280, %add3A_1169, %broadcast_in_dim3A_1282 : vector<32x1024xi1>, vector<32x1024xf32>
      %reduce_min3A_1284 = arith.constant dense<0x7F800000> : vector<32xf32>
      %reduce_min3A_1285 = vector.multi_reduction <minimumf>, %select_n3A_1283, %reduce_min3A_1284 [1] : vector<32x1024xf32> to vector<32xf32>
      %broadcast_in_dim3A_1286 = vector.shape_cast %reduce_min3A_1285 : vector<32xf32> to vector<32x1xf32>
      %ge3A_1287 = arith.constant 1.400000e+01 : f32
      %ge3A_1288 = vector.broadcast %ge3A_1287 : f32 to vector<32x1024xf32>
      %ge3A_1289 = arith.cmpf oge, %add3A_1164, %ge3A_1288 : vector<32x1024xf32>
      %jit3A_1290 = arith.constant 1.000000e+09 : f32
      %broadcast_in_dim3A_1291 = vector.broadcast %jit3A_1290 : f32 to vector<32x1024xf32>
      %select_n3A_1292 = arith.select %ge3A_1289, %add3A_1169, %broadcast_in_dim3A_1291 : vector<32x1024xi1>, vector<32x1024xf32>
      %reduce_min3A_1293 = arith.constant dense<0x7F800000> : vector<32xf32>
      %reduce_min3A_1294 = vector.multi_reduction <minimumf>, %select_n3A_1292, %reduce_min3A_1293 [1] : vector<32x1024xf32> to vector<32xf32>
      %broadcast_in_dim3A_1295 = vector.shape_cast %reduce_min3A_1294 : vector<32xf32> to vector<32x1xf32>
      %ge3A_1296 = arith.constant 1.500000e+01 : f32
      %ge3A_1297 = vector.broadcast %ge3A_1296 : f32 to vector<32x1024xf32>
      %ge3A_1298 = arith.cmpf oge, %add3A_1164, %ge3A_1297 : vector<32x1024xf32>
      %jit3A_1299 = arith.constant 1.000000e+09 : f32
      %broadcast_in_dim3A_1300 = vector.broadcast %jit3A_1299 : f32 to vector<32x1024xf32>
      %select_n3A_1301 = arith.select %ge3A_1298, %add3A_1169, %broadcast_in_dim3A_1300 : vector<32x1024xi1>, vector<32x1024xf32>
      %reduce_min3A_1302 = arith.constant dense<0x7F800000> : vector<32xf32>
      %reduce_min3A_1303 = vector.multi_reduction <minimumf>, %select_n3A_1301, %reduce_min3A_1302 [1] : vector<32x1024xf32> to vector<32xf32>
      %broadcast_in_dim3A_1304 = vector.shape_cast %reduce_min3A_1303 : vector<32xf32> to vector<32x1xf32>
      %ge3A_1305 = arith.constant 1.600000e+01 : f32
      %ge3A_1306 = vector.broadcast %ge3A_1305 : f32 to vector<32x1024xf32>
      %ge3A_1307 = arith.cmpf oge, %add3A_1164, %ge3A_1306 : vector<32x1024xf32>
      %jit3A_1308 = arith.constant 1.000000e+09 : f32
      %broadcast_in_dim3A_1309 = vector.broadcast %jit3A_1308 : f32 to vector<32x1024xf32>
      %select_n3A_1310 = arith.select %ge3A_1307, %add3A_1169, %broadcast_in_dim3A_1309 : vector<32x1024xi1>, vector<32x1024xf32>
      %reduce_min3A_1311 = arith.constant dense<0x7F800000> : vector<32xf32>
      %reduce_min3A_1312 = vector.multi_reduction <minimumf>, %select_n3A_1310, %reduce_min3A_1311 [1] : vector<32x1024xf32> to vector<32xf32>
      %broadcast_in_dim3A_1313 = vector.shape_cast %reduce_min3A_1312 : vector<32xf32> to vector<32x1xf32>
      %ge3A_1314 = arith.constant 1.700000e+01 : f32
      %ge3A_1315 = vector.broadcast %ge3A_1314 : f32 to vector<32x1024xf32>
      %ge3A_1316 = arith.cmpf oge, %add3A_1164, %ge3A_1315 : vector<32x1024xf32>
      %jit3A_1317 = arith.constant 1.000000e+09 : f32
      %broadcast_in_dim3A_1318 = vector.broadcast %jit3A_1317 : f32 to vector<32x1024xf32>
      %select_n3A_1319 = arith.select %ge3A_1316, %add3A_1169, %broadcast_in_dim3A_1318 : vector<32x1024xi1>, vector<32x1024xf32>
      %reduce_min3A_1320 = arith.constant dense<0x7F800000> : vector<32xf32>
      %reduce_min3A_1321 = vector.multi_reduction <minimumf>, %select_n3A_1319, %reduce_min3A_1320 [1] : vector<32x1024xf32> to vector<32xf32>
      %broadcast_in_dim3A_1322 = vector.shape_cast %reduce_min3A_1321 : vector<32xf32> to vector<32x1xf32>
      %ge3A_1323 = arith.constant 1.800000e+01 : f32
      %ge3A_1324 = vector.broadcast %ge3A_1323 : f32 to vector<32x1024xf32>
      %ge3A_1325 = arith.cmpf oge, %add3A_1164, %ge3A_1324 : vector<32x1024xf32>
      %jit3A_1326 = arith.constant 1.000000e+09 : f32
      %broadcast_in_dim3A_1327 = vector.broadcast %jit3A_1326 : f32 to vector<32x1024xf32>
      %select_n3A_1328 = arith.select %ge3A_1325, %add3A_1169, %broadcast_in_dim3A_1327 : vector<32x1024xi1>, vector<32x1024xf32>
      %reduce_min3A_1329 = arith.constant dense<0x7F800000> : vector<32xf32>
      %reduce_min3A_1330 = vector.multi_reduction <minimumf>, %select_n3A_1328, %reduce_min3A_1329 [1] : vector<32x1024xf32> to vector<32xf32>
      %broadcast_in_dim3A_1331 = vector.shape_cast %reduce_min3A_1330 : vector<32xf32> to vector<32x1xf32>
      %ge3A_1332 = arith.constant 1.900000e+01 : f32
      %ge3A_1333 = vector.broadcast %ge3A_1332 : f32 to vector<32x1024xf32>
      %ge3A_1334 = arith.cmpf oge, %add3A_1164, %ge3A_1333 : vector<32x1024xf32>
      %jit3A_1335 = arith.constant 1.000000e+09 : f32
      %broadcast_in_dim3A_1336 = vector.broadcast %jit3A_1335 : f32 to vector<32x1024xf32>
      %select_n3A_1337 = arith.select %ge3A_1334, %add3A_1169, %broadcast_in_dim3A_1336 : vector<32x1024xi1>, vector<32x1024xf32>
      %reduce_min3A_1338 = arith.constant dense<0x7F800000> : vector<32xf32>
      %reduce_min3A_1339 = vector.multi_reduction <minimumf>, %select_n3A_1337, %reduce_min3A_1338 [1] : vector<32x1024xf32> to vector<32xf32>
      %broadcast_in_dim3A_1340 = vector.shape_cast %reduce_min3A_1339 : vector<32xf32> to vector<32x1xf32>
      %ge3A_1341 = arith.constant 2.000000e+01 : f32
      %ge3A_1342 = vector.broadcast %ge3A_1341 : f32 to vector<32x1024xf32>
      %ge3A_1343 = arith.cmpf oge, %add3A_1164, %ge3A_1342 : vector<32x1024xf32>
      %jit3A_1344 = arith.constant 1.000000e+09 : f32
      %broadcast_in_dim3A_1345 = vector.broadcast %jit3A_1344 : f32 to vector<32x1024xf32>
      %select_n3A_1346 = arith.select %ge3A_1343, %add3A_1169, %broadcast_in_dim3A_1345 : vector<32x1024xi1>, vector<32x1024xf32>
      %reduce_min3A_1347 = arith.constant dense<0x7F800000> : vector<32xf32>
      %reduce_min3A_1348 = vector.multi_reduction <minimumf>, %select_n3A_1346, %reduce_min3A_1347 [1] : vector<32x1024xf32> to vector<32xf32>
      %broadcast_in_dim3A_1349 = vector.shape_cast %reduce_min3A_1348 : vector<32xf32> to vector<32x1xf32>
      %ge3A_1350 = arith.constant 2.100000e+01 : f32
      %ge3A_1351 = vector.broadcast %ge3A_1350 : f32 to vector<32x1024xf32>
      %ge3A_1352 = arith.cmpf oge, %add3A_1164, %ge3A_1351 : vector<32x1024xf32>
      %jit3A_1353 = arith.constant 1.000000e+09 : f32
      %broadcast_in_dim3A_1354 = vector.broadcast %jit3A_1353 : f32 to vector<32x1024xf32>
      %select_n3A_1355 = arith.select %ge3A_1352, %add3A_1169, %broadcast_in_dim3A_1354 : vector<32x1024xi1>, vector<32x1024xf32>
      %reduce_min3A_1356 = arith.constant dense<0x7F800000> : vector<32xf32>
      %reduce_min3A_1357 = vector.multi_reduction <minimumf>, %select_n3A_1355, %reduce_min3A_1356 [1] : vector<32x1024xf32> to vector<32xf32>
      %broadcast_in_dim3A_1358 = vector.shape_cast %reduce_min3A_1357 : vector<32xf32> to vector<32x1xf32>
      %ge3A_1359 = arith.constant 2.200000e+01 : f32
      %ge3A_1360 = vector.broadcast %ge3A_1359 : f32 to vector<32x1024xf32>
      %ge3A_1361 = arith.cmpf oge, %add3A_1164, %ge3A_1360 : vector<32x1024xf32>
      %jit3A_1362 = arith.constant 1.000000e+09 : f32
      %broadcast_in_dim3A_1363 = vector.broadcast %jit3A_1362 : f32 to vector<32x1024xf32>
      %select_n3A_1364 = arith.select %ge3A_1361, %add3A_1169, %broadcast_in_dim3A_1363 : vector<32x1024xi1>, vector<32x1024xf32>
      %reduce_min3A_1365 = arith.constant dense<0x7F800000> : vector<32xf32>
      %reduce_min3A_1366 = vector.multi_reduction <minimumf>, %select_n3A_1364, %reduce_min3A_1365 [1] : vector<32x1024xf32> to vector<32xf32>
      %broadcast_in_dim3A_1367 = vector.shape_cast %reduce_min3A_1366 : vector<32xf32> to vector<32x1xf32>
      %ge3A_1368 = arith.constant 2.300000e+01 : f32
      %ge3A_1369 = vector.broadcast %ge3A_1368 : f32 to vector<32x1024xf32>
      %ge3A_1370 = arith.cmpf oge, %add3A_1164, %ge3A_1369 : vector<32x1024xf32>
      %jit3A_1371 = arith.constant 1.000000e+09 : f32
      %broadcast_in_dim3A_1372 = vector.broadcast %jit3A_1371 : f32 to vector<32x1024xf32>
      %select_n3A_1373 = arith.select %ge3A_1370, %add3A_1169, %broadcast_in_dim3A_1372 : vector<32x1024xi1>, vector<32x1024xf32>
      %reduce_min3A_1374 = arith.constant dense<0x7F800000> : vector<32xf32>
      %reduce_min3A_1375 = vector.multi_reduction <minimumf>, %select_n3A_1373, %reduce_min3A_1374 [1] : vector<32x1024xf32> to vector<32xf32>
      %broadcast_in_dim3A_1376 = vector.shape_cast %reduce_min3A_1375 : vector<32xf32> to vector<32x1xf32>
      %ge3A_1377 = arith.constant 2.400000e+01 : f32
      %ge3A_1378 = vector.broadcast %ge3A_1377 : f32 to vector<32x1024xf32>
      %ge3A_1379 = arith.cmpf oge, %add3A_1164, %ge3A_1378 : vector<32x1024xf32>
      %jit3A_1380 = arith.constant 1.000000e+09 : f32
      %broadcast_in_dim3A_1381 = vector.broadcast %jit3A_1380 : f32 to vector<32x1024xf32>
      %select_n3A_1382 = arith.select %ge3A_1379, %add3A_1169, %broadcast_in_dim3A_1381 : vector<32x1024xi1>, vector<32x1024xf32>
      %reduce_min3A_1383 = arith.constant dense<0x7F800000> : vector<32xf32>
      %reduce_min3A_1384 = vector.multi_reduction <minimumf>, %select_n3A_1382, %reduce_min3A_1383 [1] : vector<32x1024xf32> to vector<32xf32>
      %broadcast_in_dim3A_1385 = vector.shape_cast %reduce_min3A_1384 : vector<32xf32> to vector<32x1xf32>
      %ge3A_1386 = arith.constant 2.500000e+01 : f32
      %ge3A_1387 = vector.broadcast %ge3A_1386 : f32 to vector<32x1024xf32>
      %ge3A_1388 = arith.cmpf oge, %add3A_1164, %ge3A_1387 : vector<32x1024xf32>
      %jit3A_1389 = arith.constant 1.000000e+09 : f32
      %broadcast_in_dim3A_1390 = vector.broadcast %jit3A_1389 : f32 to vector<32x1024xf32>
      %select_n3A_1391 = arith.select %ge3A_1388, %add3A_1169, %broadcast_in_dim3A_1390 : vector<32x1024xi1>, vector<32x1024xf32>
      %reduce_min3A_1392 = arith.constant dense<0x7F800000> : vector<32xf32>
      %reduce_min3A_1393 = vector.multi_reduction <minimumf>, %select_n3A_1391, %reduce_min3A_1392 [1] : vector<32x1024xf32> to vector<32xf32>
      %broadcast_in_dim3A_1394 = vector.shape_cast %reduce_min3A_1393 : vector<32xf32> to vector<32x1xf32>
      %ge3A_1395 = arith.constant 2.600000e+01 : f32
      %ge3A_1396 = vector.broadcast %ge3A_1395 : f32 to vector<32x1024xf32>
      %ge3A_1397 = arith.cmpf oge, %add3A_1164, %ge3A_1396 : vector<32x1024xf32>
      %jit3A_1398 = arith.constant 1.000000e+09 : f32
      %broadcast_in_dim3A_1399 = vector.broadcast %jit3A_1398 : f32 to vector<32x1024xf32>
      %select_n3A_1400 = arith.select %ge3A_1397, %add3A_1169, %broadcast_in_dim3A_1399 : vector<32x1024xi1>, vector<32x1024xf32>
      %reduce_min3A_1401 = arith.constant dense<0x7F800000> : vector<32xf32>
      %reduce_min3A_1402 = vector.multi_reduction <minimumf>, %select_n3A_1400, %reduce_min3A_1401 [1] : vector<32x1024xf32> to vector<32xf32>
      %broadcast_in_dim3A_1403 = vector.shape_cast %reduce_min3A_1402 : vector<32xf32> to vector<32x1xf32>
      %ge3A_1404 = arith.constant 2.700000e+01 : f32
      %ge3A_1405 = vector.broadcast %ge3A_1404 : f32 to vector<32x1024xf32>
      %ge3A_1406 = arith.cmpf oge, %add3A_1164, %ge3A_1405 : vector<32x1024xf32>
      %jit3A_1407 = arith.constant 1.000000e+09 : f32
      %broadcast_in_dim3A_1408 = vector.broadcast %jit3A_1407 : f32 to vector<32x1024xf32>
      %select_n3A_1409 = arith.select %ge3A_1406, %add3A_1169, %broadcast_in_dim3A_1408 : vector<32x1024xi1>, vector<32x1024xf32>
      %reduce_min3A_1410 = arith.constant dense<0x7F800000> : vector<32xf32>
      %reduce_min3A_1411 = vector.multi_reduction <minimumf>, %select_n3A_1409, %reduce_min3A_1410 [1] : vector<32x1024xf32> to vector<32xf32>
      %broadcast_in_dim3A_1412 = vector.shape_cast %reduce_min3A_1411 : vector<32xf32> to vector<32x1xf32>
      %ge3A_1413 = arith.constant 2.800000e+01 : f32
      %ge3A_1414 = vector.broadcast %ge3A_1413 : f32 to vector<32x1024xf32>
      %ge3A_1415 = arith.cmpf oge, %add3A_1164, %ge3A_1414 : vector<32x1024xf32>
      %jit3A_1416 = arith.constant 1.000000e+09 : f32
      %broadcast_in_dim3A_1417 = vector.broadcast %jit3A_1416 : f32 to vector<32x1024xf32>
      %select_n3A_1418 = arith.select %ge3A_1415, %add3A_1169, %broadcast_in_dim3A_1417 : vector<32x1024xi1>, vector<32x1024xf32>
      %reduce_min3A_1419 = arith.constant dense<0x7F800000> : vector<32xf32>
      %reduce_min3A_1420 = vector.multi_reduction <minimumf>, %select_n3A_1418, %reduce_min3A_1419 [1] : vector<32x1024xf32> to vector<32xf32>
      %broadcast_in_dim3A_1421 = vector.shape_cast %reduce_min3A_1420 : vector<32xf32> to vector<32x1xf32>
      %ge3A_1422 = arith.constant 2.900000e+01 : f32
      %ge3A_1423 = vector.broadcast %ge3A_1422 : f32 to vector<32x1024xf32>
      %ge3A_1424 = arith.cmpf oge, %add3A_1164, %ge3A_1423 : vector<32x1024xf32>
      %jit3A_1425 = arith.constant 1.000000e+09 : f32
      %broadcast_in_dim3A_1426 = vector.broadcast %jit3A_1425 : f32 to vector<32x1024xf32>
      %select_n3A_1427 = arith.select %ge3A_1424, %add3A_1169, %broadcast_in_dim3A_1426 : vector<32x1024xi1>, vector<32x1024xf32>
      %reduce_min3A_1428 = arith.constant dense<0x7F800000> : vector<32xf32>
      %reduce_min3A_1429 = vector.multi_reduction <minimumf>, %select_n3A_1427, %reduce_min3A_1428 [1] : vector<32x1024xf32> to vector<32xf32>
      %broadcast_in_dim3A_1430 = vector.shape_cast %reduce_min3A_1429 : vector<32xf32> to vector<32x1xf32>
      %ge3A_1431 = arith.constant 3.000000e+01 : f32
      %ge3A_1432 = vector.broadcast %ge3A_1431 : f32 to vector<32x1024xf32>
      %ge3A_1433 = arith.cmpf oge, %add3A_1164, %ge3A_1432 : vector<32x1024xf32>
      %jit3A_1434 = arith.constant 1.000000e+09 : f32
      %broadcast_in_dim3A_1435 = vector.broadcast %jit3A_1434 : f32 to vector<32x1024xf32>
      %select_n3A_1436 = arith.select %ge3A_1433, %add3A_1169, %broadcast_in_dim3A_1435 : vector<32x1024xi1>, vector<32x1024xf32>
      %reduce_min3A_1437 = arith.constant dense<0x7F800000> : vector<32xf32>
      %reduce_min3A_1438 = vector.multi_reduction <minimumf>, %select_n3A_1436, %reduce_min3A_1437 [1] : vector<32x1024xf32> to vector<32xf32>
      %broadcast_in_dim3A_1439 = vector.shape_cast %reduce_min3A_1438 : vector<32xf32> to vector<32x1xf32>
      %ge3A_1440 = arith.constant 3.100000e+01 : f32
      %ge3A_1441 = vector.broadcast %ge3A_1440 : f32 to vector<32x1024xf32>
      %ge3A_1442 = arith.cmpf oge, %add3A_1164, %ge3A_1441 : vector<32x1024xf32>
      %jit3A_1443 = arith.constant 1.000000e+09 : f32
      %broadcast_in_dim3A_1444 = vector.broadcast %jit3A_1443 : f32 to vector<32x1024xf32>
      %select_n3A_1445 = arith.select %ge3A_1442, %add3A_1169, %broadcast_in_dim3A_1444 : vector<32x1024xi1>, vector<32x1024xf32>
      %reduce_min3A_1446 = arith.constant dense<0x7F800000> : vector<32xf32>
      %reduce_min3A_1447 = vector.multi_reduction <minimumf>, %select_n3A_1445, %reduce_min3A_1446 [1] : vector<32x1024xf32> to vector<32xf32>
      %broadcast_in_dim3A_1448 = vector.shape_cast %reduce_min3A_1447 : vector<32xf32> to vector<32x1xf32>
      %ge3A_1449 = arith.constant 3.200000e+01 : f32
      %ge3A_1450 = vector.broadcast %ge3A_1449 : f32 to vector<32x1024xf32>
      %ge3A_1451 = arith.cmpf oge, %add3A_1164, %ge3A_1450 : vector<32x1024xf32>
      %jit3A_1452 = arith.constant 1.000000e+09 : f32
      %broadcast_in_dim3A_1453 = vector.broadcast %jit3A_1452 : f32 to vector<32x1024xf32>
      %select_n3A_1454 = arith.select %ge3A_1451, %add3A_1169, %broadcast_in_dim3A_1453 : vector<32x1024xi1>, vector<32x1024xf32>
      %reduce_min3A_1455 = arith.constant dense<0x7F800000> : vector<32xf32>
      %reduce_min3A_1456 = vector.multi_reduction <minimumf>, %select_n3A_1454, %reduce_min3A_1455 [1] : vector<32x1024xf32> to vector<32xf32>
      %broadcast_in_dim3A_1457 = vector.shape_cast %reduce_min3A_1456 : vector<32xf32> to vector<32x1xf32>
      %concatenate3A_1458 = tpu.concatenate %broadcast_in_dim3A_1178, %broadcast_in_dim3A_1187, %broadcast_in_dim3A_1196, %broadcast_in_dim3A_1205, %broadcast_in_dim3A_1214, %broadcast_in_dim3A_1223, %broadcast_in_dim3A_1232, %broadcast_in_dim3A_1241, %broadcast_in_dim3A_1250, %broadcast_in_dim3A_1259, %broadcast_in_dim3A_1268, %broadcast_in_dim3A_1277, %broadcast_in_dim3A_1286, %broadcast_in_dim3A_1295, %broadcast_in_dim3A_1304, %broadcast_in_dim3A_1313, %broadcast_in_dim3A_1322, %broadcast_in_dim3A_1331, %broadcast_in_dim3A_1340, %broadcast_in_dim3A_1349, %broadcast_in_dim3A_1358, %broadcast_in_dim3A_1367, %broadcast_in_dim3A_1376, %broadcast_in_dim3A_1385, %broadcast_in_dim3A_1394, %broadcast_in_dim3A_1403, %broadcast_in_dim3A_1412, %broadcast_in_dim3A_1421, %broadcast_in_dim3A_1430, %broadcast_in_dim3A_1439, %broadcast_in_dim3A_1448, %broadcast_in_dim3A_1457 in 1 : vector<32x1xf32>, vector<32x1xf32>, vector<32x1xf32>, vector<32x1xf32>, vector<32x1xf32>, vector<32x1xf32>, vector<32x1xf32>, vector<32x1xf32>, vector<32x1xf32>, vector<32x1xf32>, vector<32x1xf32>, vector<32x1xf32>, vector<32x1xf32>, vector<32x1xf32>, vector<32x1xf32>, vector<32x1xf32>, vector<32x1xf32>, vector<32x1xf32>, vector<32x1xf32>, vector<32x1xf32>, vector<32x1xf32>, vector<32x1xf32>, vector<32x1xf32>, vector<32x1xf32>, vector<32x1xf32>, vector<32x1xf32>, vector<32x1xf32>, vector<32x1xf32>, vector<32x1xf32>, vector<32x1xf32>, vector<32x1xf32>, vector<32x1xf32> -> vector<32x32xf32>
      %min3A_1459 = arith.minimumf %min3A_1103, %concatenate3A_1458 : vector<32x32xf32>
      %slice3A_1460 = vector.extract_strided_slice %add3A_1164 {offsets = [0, 1023], sizes = [32, 1], strides = [1, 1]} : vector<32x1024xf32> to vector<32x1xf32>
      scf.yield %min3A_1459, %slice3A_1460 : vector<32x32xf32>, vector<32x1xf32>
    }
    %scan3A_25 = arith.constant 4 : i32
    %slice3A_26 = vector.extract_strided_slice %scan3A_24#0 {offsets = [0, 0], sizes = [32, 1], strides = [1, 1]} : vector<32x32xf32> to vector<32x1xf32>
    %ge3A = arith.constant 1.000000e+09 : f32
    %ge3A_27 = vector.broadcast %ge3A : f32 to vector<32x32xf32>
    %ge3A_28 = arith.cmpf oge, %scan3A_24#0, %ge3A_27 : vector<32x32xf32>
    %broadcast_in_dim3A_29 = vector.shape_cast %slice3A_26 : vector<32x1xf32> to vector<32x1xf32>
    %broadcast_in_dim3A_30 = vector.broadcast %broadcast_in_dim3A_29 : vector<32x1xf32> to vector<32x32xf32>
    %select_n3A = arith.select %ge3A_28, %broadcast_in_dim3A_30, %scan3A_24#0 : vector<32x32xi1>, vector<32x32xf32>
    %convert_element_type3A_31 = arith.fptosi %select_n3A : vector<32x32xf32> to vector<32x32xi32>
    %mul3A_32 = arith.constant 16384 : i32
    %mul3A_33 = arith.muli %arg0, %mul3A_32 : i32
    %add3A_34 = vector.broadcast %mul3A_33 : i32 to vector<32x32xi32>
    %add3A_35 = arith.addi %convert_element_type3A_31, %add3A_34 : vector<32x32xi32>
    %swap3A = arith.constant 0 : index
    %swap3A_36 = arith.constant 0 : index
    %swap3A_37 = arith.constant 0 : index
    %swap3A_38 = vector.load %arg7[%swap3A, %swap3A_36, %swap3A_37] : memref<1x32x32xi32, #tpu.memory_space<vmem>>, vector<1x32x32xi32>
    %swap3A_39 = vector.shape_cast %swap3A_38 : vector<1x32x32xi32> to vector<32x32xi32>
    %swap3A_40 = vector.shape_cast %add3A_35 : vector<32x32xi32> to vector<1x32x32xi32>
    tpu.vector_store %arg7[%swap3A, %swap3A_36, %swap3A_37], %swap3A_40 {strides = array<i32>} : memref<1x32x32xi32, #tpu.memory_space<vmem>>, vector<1x32x32xi32>,
    return
  }
  func.func @transform_0(%arg0: i32, %arg1: i32) -> (i32, i32, i32) {
    %c0_i32 = arith.constant 0 : i32
    %c0_i32_0 = arith.constant 0 : i32
    return %arg0, %arg1, %c0_i32 : i32, i32, i32
  }
  func.func @transform_1(%arg0: i32, %arg1: i32) -> (i32, i32, i32) {
    %c0_i32 = arith.constant 0 : i32
    %c0_i32_0 = arith.constant 0 : i32
    %c0_i32_1 = arith.constant 0 : i32
    return %arg0, %c0_i32, %c0_i32_0 : i32, i32, i32
  }
  func.func @transform_2(%arg0: i32, %arg1: i32) -> (i32, i32, i32) {
    %c0_i32 = arith.constant 0 : i32
    %c0_i32_0 = arith.constant 0 : i32
    %c0_i32_1 = arith.constant 0 : i32
    return %arg0, %c0_i32, %c0_i32_0 : i32, i32, i32
  }
  func.func @transform_3(%arg0: i32, %arg1: i32) -> (i32, i32, i32) {
    %c0_i32 = arith.constant 0 : i32
    %c0_i32_0 = arith.constant 0 : i32
    %c0_i32_1 = arith.constant 0 : i32
    return %arg0, %c0_i32, %c0_i32_0 : i32, i32, i32
  }
  func.func @transform_4(%arg0: i32, %arg1: i32) -> (i32, i32) {
    %c0_i32 = arith.constant 0 : i32
    %c0_i32_0 = arith.constant 0 : i32
    %c0_i32_1 = arith.constant 0 : i32
    return %c0_i32, %c0_i32_0 : i32, i32
  }
  func.func @transform_5(%arg0: i32, %arg1: i32) -> (i32, i32, i32) {
    %c0_i32 = arith.constant 0 : i32
    %c0_i32_0 = arith.constant 0 : i32
    return %arg0, %arg1, %c0_i32 : i32, i32, i32
  }
}

module attributes {stable_mosaic.version = 14 : i64} {
  func.func @_mlp_body(%arg0: i32, %arg1: i32, %arg2: memref<8192x48xf32, #tpu.memory_space<vmem>>, %arg3: memref<1x256x3xf32, #tpu.memory_space<vmem>>, %arg4: memref<48x64xf32, #tpu.memory_space<vmem>>, %arg5: memref<1x64xf32, #tpu.memory_space<vmem>>, %arg6: memref<64x64xf32, #tpu.memory_space<vmem>>, %arg7: memref<1x64xf32, #tpu.memory_space<vmem>>, %arg8: memref<64x128xf32, #tpu.memory_space<vmem>>, %arg9: memref<1x128xf32, #tpu.memory_space<vmem>>, %arg10: memref<1x128x256xf32, #tpu.memory_space<vmem>>) attributes {dimension_semantics = [#tpu.dimension_semantics<parallel>, #tpu.dimension_semantics<arbitrary>], iteration_bounds = array<i64: 4, 4>, scalar_prefetch = 0 : i64, scratch_operands = 0 : i64, tpu.core_type = #tpu.core_type<tc>, window_params = [{transform_indices = @transform_0, window_bounds = array<i64: 8192, 48>}, {transform_indices = @transform_1, window_bounds = array<i64: 1, 256, 3>}, {pipeline_mode = #tpu.pipeline_mode<synchronous>, transform_indices = @transform_2, window_bounds = array<i64: 48, 64>}, {pipeline_mode = #tpu.pipeline_mode<synchronous>, transform_indices = @transform_3, window_bounds = array<i64: 1, 64>}, {pipeline_mode = #tpu.pipeline_mode<synchronous>, transform_indices = @transform_4, window_bounds = array<i64: 64, 64>}, {pipeline_mode = #tpu.pipeline_mode<synchronous>, transform_indices = @transform_5, window_bounds = array<i64: 1, 64>}, {pipeline_mode = #tpu.pipeline_mode<synchronous>, transform_indices = @transform_6, window_bounds = array<i64: 64, 128>}, {pipeline_mode = #tpu.pipeline_mode<synchronous>, transform_indices = @transform_7, window_bounds = array<i64: 1, 128>}, {transform_indices = @transform_8, window_bounds = array<i64: 1, 128, 256>}]} {
    %get3A = arith.constant 0 : index
    %get3A_0 = arith.constant 0 : index
    %get3A_1 = vector.load %arg2[%get3A, %get3A_0] : memref<8192x48xf32, #tpu.memory_space<vmem>>, vector<8192x48xf32>
    %get3A_2 = arith.constant 0 : index
    %get3A_3 = arith.constant 0 : index
    %get3A_4 = arith.constant 0 : index
    %get3A_5 = vector.load %arg3[%get3A_2, %get3A_3, %get3A_4] : memref<1x256x3xf32, #tpu.memory_space<vmem>>, vector<1x256x3xf32>
    %get3A_6 = vector.shape_cast %get3A_5 : vector<1x256x3xf32> to vector<256x3xf32>
    %reshape3A = vector.shape_cast %get3A_6 : vector<256x3xf32> to vector<256x1x3xf32>
    %broadcast_in_dim3A = vector.shape_cast %reshape3A : vector<256x1x3xf32> to vector<256x1x3xf32>
    %broadcast_in_dim3A_7 = vector.broadcast %broadcast_in_dim3A : vector<256x1x3xf32> to vector<256x32x3xf32>
    %reshape3A_8 = vector.shape_cast %broadcast_in_dim3A_7 : vector<256x32x3xf32> to vector<8192x3xf32>
    %broadcast_in_dim3A_9 = arith.constant 0.000000e+00 : f32
    %broadcast_in_dim3A_10 = vector.broadcast %broadcast_in_dim3A_9 : f32 to vector<8192x45xf32>
    %concatenate3A = tpu.concatenate %reshape3A_8, %broadcast_in_dim3A_10 in 1 : vector<8192x3xf32>, vector<8192x45xf32> -> vector<8192x48xf32>
    %sub3A = arith.subf %get3A_1, %concatenate3A : vector<8192x48xf32>
    %get3A_11 = arith.constant 0 : index
    %get3A_12 = arith.constant 0 : index
    %get3A_13 = vector.load %arg4[%get3A_11, %get3A_12] : memref<48x64xf32, #tpu.memory_space<vmem>>, vector<48x64xf32>
    %get3A_14 = arith.constant 0 : index
    %get3A_15 = arith.constant 0 : index
    %get3A_16 = vector.load %arg5[%get3A_14, %get3A_15] : memref<1x64xf32, #tpu.memory_space<vmem>>, vector<1x64xf32>
    %dot_general3A = arith.constant dense<0.000000e+00> : vector<8192x64xf32>
    %dot_general3A_17 = tpu.matmul %sub3A, %get3A_13, %dot_general3A {dimension_numbers = #tpu.dot_dimension_numbers<[1], [0], [0], [1], [0, 0, 1, 1], [], []>, transpose_lhs_hint = false} : vector<8192x48xf32>, vector<48x64xf32>, vector<8192x64xf32> -> vector<8192x64xf32>
    %add3A = vector.broadcast %get3A_16 : vector<1x64xf32> to vector<8192x64xf32>
    %add3A_18 = arith.addf %dot_general3A_17, %add3A : vector<8192x64xf32>
    %max3A = arith.constant 0.000000e+00 : f32
    %max3A_19 = vector.broadcast %max3A : f32 to vector<8192x64xf32>
    %max3A_20 = arith.maximumf %add3A_18, %max3A_19 : vector<8192x64xf32>
    %get3A_21 = arith.constant 0 : index
    %get3A_22 = arith.constant 0 : index
    %get3A_23 = vector.load %arg6[%get3A_21, %get3A_22] : memref<64x64xf32, #tpu.memory_space<vmem>>, vector<64x64xf32>
    %get3A_24 = arith.constant 0 : index
    %get3A_25 = arith.constant 0 : index
    %get3A_26 = vector.load %arg7[%get3A_24, %get3A_25] : memref<1x64xf32, #tpu.memory_space<vmem>>, vector<1x64xf32>
    %dot_general3A_27 = arith.constant dense<0.000000e+00> : vector<8192x64xf32>
    %dot_general3A_28 = tpu.matmul %max3A_20, %get3A_23, %dot_general3A_27 {dimension_numbers = #tpu.dot_dimension_numbers<[1], [0], [0], [1], [0, 0, 1, 1], [], []>, transpose_lhs_hint = false} : vector<8192x64xf32>, vector<64x64xf32>, vector<8192x64xf32> -> vector<8192x64xf32>
    %add3A_29 = vector.broadcast %get3A_26 : vector<1x64xf32> to vector<8192x64xf32>
    %add3A_30 = arith.addf %dot_general3A_28, %add3A_29 : vector<8192x64xf32>
    %max3A_31 = arith.constant 0.000000e+00 : f32
    %max3A_32 = vector.broadcast %max3A_31 : f32 to vector<8192x64xf32>
    %max3A_33 = arith.maximumf %add3A_30, %max3A_32 : vector<8192x64xf32>
    %get3A_34 = arith.constant 0 : index
    %get3A_35 = arith.constant 0 : index
    %get3A_36 = vector.load %arg8[%get3A_34, %get3A_35] : memref<64x128xf32, #tpu.memory_space<vmem>>, vector<64x128xf32>
    %get3A_37 = arith.constant 0 : index
    %get3A_38 = arith.constant 0 : index
    %get3A_39 = vector.load %arg9[%get3A_37, %get3A_38] : memref<1x128xf32, #tpu.memory_space<vmem>>, vector<1x128xf32>
    %dot_general3A_40 = arith.constant dense<0.000000e+00> : vector<8192x128xf32>
    %dot_general3A_41 = tpu.matmul %max3A_33, %get3A_36, %dot_general3A_40 {dimension_numbers = #tpu.dot_dimension_numbers<[1], [0], [0], [1], [0, 0, 1, 1], [], []>, transpose_lhs_hint = false} : vector<8192x64xf32>, vector<64x128xf32>, vector<8192x128xf32> -> vector<8192x128xf32>
    %add3A_42 = vector.broadcast %get3A_39 : vector<1x128xf32> to vector<8192x128xf32>
    %add3A_43 = arith.addf %dot_general3A_41, %add3A_42 : vector<8192x128xf32>
    %max3A_44 = arith.constant 0.000000e+00 : f32
    %max3A_45 = vector.broadcast %max3A_44 : f32 to vector<8192x128xf32>
    %max3A_46 = arith.maximumf %add3A_43, %max3A_45 : vector<8192x128xf32>
    %reshape3A_47 = vector.shape_cast %max3A_46 : vector<8192x128xf32> to vector<256x32x128xf32>
    %reduce_max3A = arith.constant dense<0xFF800000> : vector<256x128xf32>
    %reduce_max3A_48 = vector.multi_reduction <maximumf>, %reshape3A_47, %reduce_max3A [1] : vector<256x32x128xf32> to vector<256x128xf32>
    %transpose3A = tpu.transpose %reduce_max3A_48, [1, 0] : vector<256x128xf32> -> vector<128x256xf32>
    %swap3A = arith.constant 0 : index
    %swap3A_49 = arith.constant 0 : index
    %swap3A_50 = arith.constant 0 : index
    %swap3A_51 = vector.load %arg10[%swap3A, %swap3A_49, %swap3A_50] : memref<1x128x256xf32, #tpu.memory_space<vmem>>, vector<1x128x256xf32>
    %swap3A_52 = vector.shape_cast %swap3A_51 : vector<1x128x256xf32> to vector<128x256xf32>
    %swap3A_53 = vector.shape_cast %transpose3A : vector<128x256xf32> to vector<1x128x256xf32>
    tpu.vector_store %arg10[%swap3A, %swap3A_49, %swap3A_50], %swap3A_53 {strides = array<i32>} : memref<1x128x256xf32, #tpu.memory_space<vmem>>, vector<1x128x256xf32>,
    return
  }
  func.func @transform_0(%arg0: i32, %arg1: i32) -> (i32, i32) {
    %mul3A = arith.constant 4 : i32
    %mul3A_0 = arith.muli %arg0, %mul3A : i32
    %add3A = arith.addi %mul3A_0, %arg1 : i32
    %c0_i32 = arith.constant 0 : i32
    %c0_i32_1 = arith.constant 0 : i32
    return %add3A, %c0_i32 : i32, i32
  }
  func.func @transform_1(%arg0: i32, %arg1: i32) -> (i32, i32, i32) {
    %c0_i32 = arith.constant 0 : i32
    %c0_i32_0 = arith.constant 0 : i32
    return %arg0, %arg1, %c0_i32 : i32, i32, i32
  }
  func.func @transform_2(%arg0: i32, %arg1: i32) -> (i32, i32) {
    %c0_i32 = arith.constant 0 : i32
    %c0_i32_0 = arith.constant 0 : i32
    %c0_i32_1 = arith.constant 0 : i32
    return %c0_i32, %c0_i32_0 : i32, i32
  }
  func.func @transform_3(%arg0: i32, %arg1: i32) -> (i32, i32) {
    %c0_i32 = arith.constant 0 : i32
    %c0_i32_0 = arith.constant 0 : i32
    %c0_i32_1 = arith.constant 0 : i32
    return %c0_i32, %c0_i32_0 : i32, i32
  }
  func.func @transform_4(%arg0: i32, %arg1: i32) -> (i32, i32) {
    %c0_i32 = arith.constant 0 : i32
    %c0_i32_0 = arith.constant 0 : i32
    %c0_i32_1 = arith.constant 0 : i32
    return %c0_i32, %c0_i32_0 : i32, i32
  }
  func.func @transform_5(%arg0: i32, %arg1: i32) -> (i32, i32) {
    %c0_i32 = arith.constant 0 : i32
    %c0_i32_0 = arith.constant 0 : i32
    %c0_i32_1 = arith.constant 0 : i32
    return %c0_i32, %c0_i32_0 : i32, i32
  }
  func.func @transform_6(%arg0: i32, %arg1: i32) -> (i32, i32) {
    %c0_i32 = arith.constant 0 : i32
    %c0_i32_0 = arith.constant 0 : i32
    %c0_i32_1 = arith.constant 0 : i32
    return %c0_i32, %c0_i32_0 : i32, i32
  }
  func.func @transform_7(%arg0: i32, %arg1: i32) -> (i32, i32) {
    %c0_i32 = arith.constant 0 : i32
    %c0_i32_0 = arith.constant 0 : i32
    %c0_i32_1 = arith.constant 0 : i32
    return %c0_i32, %c0_i32_0 : i32, i32
  }
  func.func @transform_8(%arg0: i32, %arg1: i32) -> (i32, i32, i32) {
    %c0_i32 = arith.constant 0 : i32
    %c0_i32_0 = arith.constant 0 : i32
    return %arg0, %c0_i32, %arg1 : i32, i32, i32
  }
}

</mosaic_0001>

<sc_bundles>
// kernel: kernel.6.cloned.1.call-start
scs
__scs_entry_jumppad:
0x0: {  	(pc) =	sbr.rel $0x88, $3  }
0x1: {  	(tag) =	ssettag $0x0;
	lr =	simm.s32 $0x1  }
0x2: {  	[smem:$0x3F99] =	sst lr;
	_ =	strace $0xD0000000  }
0x3: {  	_ = 	snop  }
0x4: {  	_ = 	snop  }
0x5: {  	_ = 	snop  }
0x6: {  	_ = 	snop  }
0x7: {  	_ = 	snop  }
__scs_overlays_trampoline_lowered:
0x8: {  	[smem:$0x3FA8] =	sst s0  }
0x9: {  	[smem:$0x3FA9] =	sst s1  }
0xa: {  	[smem:$0x3FAA] =	sst s2  }
0xb: {  	[smem:$0x3FAB] =	sst s3  }
0xc: {  	[smem:$0x3FAC] =	sst s4  }
0xd: {  	[smem:$0x3FAD] =	sst s5  }
0xe: {  	[smem:$0x3FAE] =	sst s6  }
0xf: {  	[smem:$0x3FAF] =	sst s7  }
0x10: {  	[smem:$0x3FB0] =	sst s8  }
0x11: {  	[smem:$0x3FB1] =	sst s9;
	s0 =	simm.s32 @!p0 $0x0  }
0x12: {  	s1 =	sld [smem:$0x3F97];
	s0 =	simm.s32 @p0 $0x1  }
0x13: {  	[smem:$0x3FB2] =	sst s0;
	s0 =	simm.s32 @!p1 $0x0  }
0x14: {  	s2 =	sld [smem:$0x3F96];
	s0 =	simm.s32 @p1 $0x1  }
0x15: {  	[smem:$0x3FB3] =	sst s0;
	s0 =	simm.s32 @!p2 $0x0  }
0x16: {  	s3 =	sld [smem:$0x3FDB];
	s0 =	simm.s32 @p2 $0x1  }
0x17: {  	s4 =	simm.s32 $0x1BF5;
	[smem:$0x3FB5] =	sst s0  }
0x18: {  	s0 =	sld [smem:$0x3F98];
	_ =	swait.ge [sflag:s4], $0x0  }
0x19: {  	s7 =	sld [smem:$0x3F99]  }
0x1a: {  	s8 =	sadd.s32 $0xFFFFE003, lr  }
0x1b: {  	s9 =	sadd.s32 $0xFFFFFEF7, lr;
	s5 =	simm.s32 $0xFFFFFFFF;
	p2 =	slt.u32 s8, $0xFFFFF086  }
0x1c: {  	p1 =	slt.u32 s9, $0xF7A;
	s5 =	simm.s32 @!p2 $0x0  }
0x1d: {  	s5 =	simm.s32 @p1 $0x1;
	p0 =	seq.s32 s7, s2  }
0x1e: {  	s7 =	smul.u32 @!p0 $0xF7A, s2;
	p2 =	seq.s32 @!p0 s5, $0x0  }
0x1f: {  	s9 =	smul.u32 $0xF7A, s1;
	s8 =	simm.s32 @!p0 $0x1BF5;
	p2 =	por !p2, p0  }
0x20: {  	[sflag:s8] =	ssyncset.s32 @!p0 $0xFFFFF086;
	s6 =	sadd.s32 @!p0 s3, s7;
	s7 =	simm.s32 @!p0 $0x108  }
0x21: {  	s3 =	sadd.s32 s3, s9;
	s6 =	sadd.s32 @!p0 $0x88, s6;
	s7 =	simm.s32 @p2 $0x1082  }
0x22: {  	[simem:s7], [sflag:s8] =	dma.local @!p0 [hbm:s6], $0xF7A  }
0x23: {  	s9 =	sor.u32 $0xD0000000, s2;
	s6 =	simm.s32 $0x108;
	_ =	swait.ge @!p0 [sflag:s8], $0x0  }
0x24: {  	s3 =	sadd.s32 $0x88, s3;
	s6 =	simm.s32 @!p1 $0x1082;
	[sflag:s4] =	ssyncset.s32 $0xFFFFF086  }
0x25: {  	[simem:s6], [sflag:s4] =	dma.local [hbm:s3], $0xF7A  }
0x26: {  	[smem:$0x3F99] =	sst s1;
	(tag) =	ssettag s2;
	_ =	strace s9  }
0x27: {  	s1 =	sld [smem:$0x3FA9]  }
0x28: {  	s2 =	sld [smem:$0x3FAA]  }
0x29: {  	s4 =	sld [smem:$0x3FAC]  }
0x2a: {  	p0 =	seq.s32 s5, $0x0;
	s5 =	sld [smem:$0x3FAD]  }
0x2b: {  	s6 =	sld [smem:$0x3FAE]  }
0x2c: {  	s7 =	sld [smem:$0x3FAF]  }
0x2d: {  	s3 =	simm.s32 $0x108;
	s8 =	sld [smem:$0x3FB0]  }
0x2e: {  	s3 =	simm.s32 @!p0 $0x1082;
	s9 =	sld [smem:$0x3FB1]  }
0x2f: {  	lr =	sadd.s32 s0, s3;
	s0 =	sld [smem:$0x3FA8]  }
0x30: {  	s3 =	sld [smem:$0x3FAB]  }
0x31: {  	[smem:$0x3FB4] =	sst s10  }
0x32: {  	s10 =	sld [smem:$0x3FB2];
	_ =	sdelay $0x3  }
0x33: {  	p0 =	seq.s32 s10, $0x1;
	s10 =	sld [smem:$0x3FB4];
	_ =	sdelay $0x3  }
0x34: {  	[smem:$0x3FB4] =	sst s10  }
0x35: {  	s10 =	sld [smem:$0x3FB3];
	_ =	sdelay $0x3  }
0x36: {  	p1 =	seq.s32 s10, $0x1;
	s10 =	sld [smem:$0x3FB4];
	_ =	sdelay $0x3  }
0x37: {  	[smem:$0x3FB4] =	sst s10  }
0x38: {  	s10 =	sld [smem:$0x3FB5]  }
0x39: {  	_ = 	snop;
	(pc) =	sbr.ind lr, $3  }
0x3a: {  	_ = 	snop  }
0x3b: {  	_ = 	snop  }
0x3c: {  	p2 =	seq.s32 s10, $0x1;
	s10 =	sld [smem:$0x3FB4]  }
0x3d: {  	_ =	shalt  }
0x3e: {  	_ =	shalt  }
0x3f: {  	_ =	shalt  }
0x40: {  	_ =	shalt  }
0x41: {  	_ =	shalt  }
0x42: {  	_ =	shalt  }
0x43: {  	_ =	shalt  }
0x44: {  	_ =	shalt  }
0x45: {  	_ =	shalt  }
0x46: {  	_ =	shalt  }
0x47: {  	_ =	shalt  }
0x48: {  	_ =	shalt  }
0x49: {  	_ =	shalt  }
0x4a: {  	_ =	shalt  }
0x4b: {  	_ =	shalt  }
0x4c: {  	_ =	shalt  }
0x4d: {  	_ =	shalt  }
0x4e: {  	_ =	shalt  }
0x4f: {  	_ =	shalt  }
0x50: {  	_ =	shalt  }
0x51: {  	_ =	shalt  }
0x52: {  	_ =	shalt  }
0x53: {  	_ =	shalt  }
0x54: {  	_ =	shalt  }
0x55: {  	_ =	shalt  }
0x56: {  	_ =	shalt  }
0x57: {  	_ =	shalt  }
0x58: {  	_ =	shalt  }
0x59: {  	_ =	shalt  }
0x5a: {  	_ =	shalt  }
0x5b: {  	_ =	shalt  }
0x5c: {  	_ =	shalt  }
0x5d: {  	_ =	shalt  }
0x5e: {  	_ =	shalt  }
0x5f: {  	_ =	shalt  }
0x60: {  	_ =	shalt  }
0x61: {  	_ =	shalt  }
0x62: {  	_ =	shalt  }
0x63: {  	_ =	shalt  }
0x64: {  	_ =	shalt  }
0x65: {  	_ =	shalt  }
0x66: {  	_ =	shalt  }
0x67: {  	_ =	shalt  }
0x68: {  	_ =	shalt  }
0x69: {  	_ =	shalt  }
0x6a: {  	_ =	shalt  }
0x6b: {  	_ =	shalt  }
0x6c: {  	_ =	shalt  }
0x6d: {  	_ =	shalt  }
0x6e: {  	_ =	shalt  }
0x6f: {  	_ =	shalt  }
0x70: {  	_ =	shalt  }
0x71: {  	_ =	shalt  }
0x72: {  	_ =	shalt  }
0x73: {  	_ =	shalt  }
0x74: {  	_ =	shalt  }
0x75: {  	_ =	shalt  }
0x76: {  	_ =	shalt  }
0x77: {  	_ =	shalt  }
0x78: {  	_ =	shalt  }
0x79: {  	_ =	shalt  }
0x7a: {  	_ =	shalt  }
0x7b: {  	_ =	shalt  }
0x7c: {  	_ =	shalt  }
0x7d: {  	_ =	shalt  }
0x7e: {  	_ =	shalt  }
0x7f: {  	_ =	shalt  }
0x80: {  	_ =	shalt  }
0x81: {  	_ =	shalt  }
0x82: {  	_ =	shalt  }
0x83: {  	_ =	shalt  }
0x84: {  	_ =	shalt  }
0x85: {  	_ =	shalt  }
0x86: {  	_ =	shalt  }
0x87: {  	_ =	shalt  }
.Lfunc_end0:
.L_simem_size_0:
called_computation_lowered:
.L_overlay_start_0:
0x88: {  	s2 =	sld [smem:$0x3FD9]  }
0x89: {  	s3 =	sld [smem:$0x3FFE];
	_ =	sdelay $0x1  }
0x8a: {  	s1 =	srdreg.scid  }
0x8b: {  	s0 =	sand.u32 $0x1, s1  }
0x8c: {  	s14 =	sshll.u32 s0, $0xA;
	s2 =	sadd.s32 s3, s2  }
0x8d: {  	s2 =	sadd.s32 s2, s14  }
0x8e: {  	[smem:$0x3FC0] =	sst s2  }
0x8f: {  	_ = 	snop  }
0x90: {  	s2 =	sld [smem:$0x3FD0];
	_ =	sdelay $0x2  }
0x91: {  	s15 =	simm.s32 $0xA;
	s4 =	simm.s32 $0x10  }
0x92: {  	[smem:s4], [sflag:s15] =	dma.local [hbm:s2], $0x1  }
0x93: {  	_ =	swait.eq [sflag:s15], $0x1  }
0x94: {  	[sflag:s15] =	ssyncset.done $0x0  }
0x95: {  	[sflag:s15] =	ssyncadd.s32 $0xFFFFFFFF  }
0x96: {  	s16 =	sld [smem:$0x11];
	(tm) =	ssettm $0x1  }
0x97: {  	s17 =	sld [smem:$0x3FFB];
	_ =	sdelay $0x3  }
0x98: {  	_ =	strace s17  }
0x99: {  	s3 =	sld [smem:$0x3FFC];
	_ =	sdelay $0x3  }
0x9a: {  	_ =	strace s3  }
0x9b: {  	s3 =	sld [smem:$0x3FFD];
	_ =	sdelay $0x3  }
0x9c: {  	_ =	strace s3  }
0x9d: {  	_ =	strace $0x8FFFFFFF  }
0x9e: {  	s18 =	sld [smem:$0x3FDB];
	_ =	sdelay $0x1  }
0x9f: {  	s19 =	simm.s32 $_scs_section_size  }
0xa0: {  	s5 =	simm.s32 $_size__tile_overlayer_lowered;
	s6 =	simm.s32 $_tile_overlayer_lowered  }
0xa1: {  	s22 =	simm.s32 $0x1BFF;
	s21 =	sshll.u32 s6, $0x1;
	s3 =	sadd.s32 s19, s18  }
0xa2: {  	s7 =	simm.s32 $0x0;
	s20 =	sshll.u32 s5, $0x1;
	s5 =	sadd.s32 s21, s3  }
0xa3: {  	[timem:s7], [sflag:s22] =	dma.local [hbm:s5], s20  }
0xa4: {  	_ =	swait.ge [sflag:s22], s20  }
0xa5: {  	s4 =	ssub.s32 $0x0, s20;
	[sflag:s22] =	ssyncset.done $0x0  }
0xa6: {  	[sflag:s22] =	ssyncadd.s32 s4;
	_ =	sdelay $0x1  }
0xa7: {  	s23 =	simm.s32 $0x1B8B  }
0xa8: {  	_ =	swait.ge [sflag:s23], $0x1  }
0xa9: {  	[sflag:s23] =	ssyncset.done $0x0  }
0xaa: {  	s25 =	simm.s32 $0x1B8E;
	s24 =	sld [smem:$0x3FFE];
	[sflag:s23] =	ssyncadd.s32 $0xFFFFFFFF  }
0xab: {  	s26 =	simm.s32 $execute0_lowered;
	[smem:$0x3FD2] =	sst s25  }
0xac: {  	s5 =	sshll.u32 s26, $0x1;
	_ =	strace $0x80000046;
	[dreg:$0x1] =	wrdreg $0xFFFFFFFF  }
0xad: {  	s28 =	simm.s32 $_size_execute0_lowered;
	s3 =	sadd.s32 s3, s5;
	[dreg:$0x0] =	wrdreg $0x0  }
0xae: {  	s5 =	sshll.u32 s28, $0x1;
	[dreg:$0x2] =	wrdreg s3  }
0xaf: {  	[dreg:$0x3] =	wrdreg s5  }
0xb0: {  	[dreg:$0x4] =	wrdreg $0xC0  }
0xb1: {  	_ =	task [dreg:s7], $0x5FFFF  }
0xb2: {  	[dreg:$0x1] =	wrdreg $0xFFFFFFFF  }
0xb3: {  	[dreg:$0x0] =	wrdreg $0x60  }
0xb4: {  	[dreg:$0x2] =	wrdreg s24  }
0xb5: {  	[dreg:$0x3] =	wrdreg s16  }
0xb6: {  	[dreg:$0x4] =	wrdreg $0x9  }
0xb7: {  	_ =	task.clear_ibuf [dreg:s7], $0x5FFFF;
	_ =	strace $0x90000046  }
0xb8: {  	s29 =	simm.s32 $0x9;
	_ =	strace $0x80000048  }
0xb9: {  	_ =	swait.ge [sflag:s29], $0x1  }
0xba: {  	[sflag:s29] =	ssyncadd.s32 $0xFFFFFFFF  }
0xbb: {  	_ =	strace $0x90000048  }
0xbc: {  	_ =	sfence  }
0xbd: {  	s30 =	sld [smem:$0x0];
	_ =	sdelay $0x2  }
0xbe: {  	s31 =	sshll.u32 s1, $0xD;
	s1 =	sshrl.u32 s1, $0x2  }
0xbf: {  	s3 =	sand.u32 $0x4000, s31;
	s1 =	sadd.s32 s1, s30  }
0xc0: {  	s0 =	sor.u32 s3, s0;
	s1 =	sshll.u32 s1, $0x11  }
0xc1: {  	s0 =	sor.u32 s1, s0  }
0xc2: {  	s0 =	sadd.s32 $0x8F2B, s0  }
0xc3: {  	[sflag:s0] =	ssyncadd.remote.s32 $0x1  }
0xc4: {  	_ =	sfence.sel $0xFFFF  }
0xc5: {  	[dreg:$0x0] =	wrdreg $0xFFFFFFFF;
	(pc) =	sbr.abs _section_cstart, $3  }
0xc6: {  	[dreg:$0x1] =	wrdreg $0xFFFFFFFF  }
0xc7: {  	_ =	task.clear_ibuf [dreg:s7], $0x2FFFF;
	_ =	strace $0x9FFFFFFF  }
0xc8: {  	(tm) =	ssettm $0x7FFFFFFF  }
0xc9: {  	_ =	shalt  }
tec
execute0_lowered:
.L_overlay_start_1:
0x0: {  	(tag) =	ssettag $0x1  }
0x1: {  	s1 =	srdreg.scid  }
0x2: {  	s8 =	rddreg [dreg:$0x0];
	s0 =	stileid.u32;
	s14 =	sand.u32 $0x1, s1  }
0x3: {  	s13 =	rddreg [dreg:$0x1];
	s3 =	sshll.u32 s0, $0xD;
	s4 =	sshll.u32 s14, $0xC  }
0x4: {  	s2 =	simm.s32 $0x0;
	s1 =	rddreg [dreg:$0x2];
	s15 =	sor.u32 s4, s3  }
0x5: {  	[smem:$0x7FF] =	sst s2;
	s3 =	sshrl.u32 s15, $0x3  }
0x6: {  	_ =	strace $0x80000047;
	s4 =	sadd.s32 s13, s3;
	s3 =	simm.s32 $0x2  }
0x7: {  	[tilespmem:s2], [sflag:$0x2] =	stream.linear.gather [hbm4b:s4+s2], $0x400, $0x38;
	[tilespmem:$0xC400] =	vst v63  }
0x8: {  	_ =	swait.ge [sflag:s3], $0x400  }
0x9: {  	s6 =	simm.s32 $0x400;
	[sflag:s3] =	ssyncset.done $0x0  }
0xa: {  	s7 =	simm.s32 $0x1;
	s5 =	sadd.s32 $0x101A00, s8;
	[sflag:s3] =	ssyncadd.s32 $0xFFFFFC00  }
0xb: {  	[tilespmem:s6], [sflag:$0x1] =	stream.indirect.gather [hbm4b:s5+s6], $0x30, s2, s6, $0xb8;
	[tilespmem:$0xC400] =	vst v63  }
0xc: {  	s9 =	smul.u32 $0x6, s15;
	_ =	swait.ge [sflag:s7], $0xC000  }
0xd: {  	s16 =	sadd.s32 $0x1A00, s8;
	[sflag:s7] =	ssyncset.done $0x0  }
0xe: {  	s8 =	sadd.s32 s16, s9;
	[sflag:s7] =	ssyncadd.s32 $0xFFFF4000  }
0xf: {  	[hbm4b:s8+s2] =	stream.linear.scatter [tilespmem:s6], [sflag:$0x2], $0xC000, $0x38;
	[tilespmem:$0xC400] =	vst v63  }
0x10: {  	s10 =	sor.u32 $0x400, s15;
	_ =	swait.ge [sflag:s3], $0xC000  }
0x11: {  	s29 =	sshrl.u32 s10, $0x3;
	[sflag:s3] =	ssyncset.done $0x0  }
0x12: {  	s9 =	sadd.s32 s13, s29;
	[sflag:s3] =	ssyncadd.s32 $0xFFFF4000  }
0x13: {  	[tilespmem:s2], [sflag:$0x2] =	stream.linear.gather [hbm4b:s9+s2], $0x400, $0x38;
	[tilespmem:$0xC400] =	vst v63  }
0x14: {  	_ =	swait.ge [sflag:s3], $0x400  }
0x15: {  	[sflag:s3] =	ssyncset.done $0x0  }
0x16: {  	[sflag:s3] =	ssyncadd.s32 $0xFFFFFC00  }
0x17: {  	[tilespmem:s6], [sflag:$0x1] =	stream.indirect.gather [hbm4b:s5+s6], $0x30, s2, s6, $0xb8;
	[tilespmem:$0xC400] =	vst v63  }
0x18: {  	s10 =	smul.u32 $0x6, s10;
	_ =	swait.ge [sflag:s7], $0xC000  }
0x19: {  	[sflag:s7] =	ssyncset.done $0x0  }
0x1a: {  	s10 =	sadd.s32 s16, s10;
	[sflag:s7] =	ssyncadd.s32 $0xFFFF4000  }
0x1b: {  	[hbm4b:s10+s2] =	stream.linear.scatter [tilespmem:s6], [sflag:$0x2], $0xC000, $0x38;
	[tilespmem:$0xC400] =	vst v63  }
0x1c: {  	s12 =	sor.u32 $0x800, s15;
	_ =	swait.ge [sflag:s3], $0xC000  }
0x1d: {  	s11 =	sshrl.u32 s12, $0x3;
	[sflag:s3] =	ssyncset.done $0x0  }
0x1e: {  	s11 =	sadd.s32 s13, s11;
	[sflag:s3] =	ssyncadd.s32 $0xFFFF4000  }
0x1f: {  	[tilespmem:s2], [sflag:$0x2] =	stream.linear.gather [hbm4b:s11+s2], $0x400, $0x38;
	[tilespmem:$0xC400] =	vst v63  }
0x20: {  	_ =	swait.ge [sflag:s3], $0x400  }
0x21: {  	[sflag:s3] =	ssyncset.done $0x0  }
0x22: {  	[sflag:s3] =	ssyncadd.s32 $0xFFFFFC00  }
0x23: {  	[tilespmem:s6], [sflag:$0x1] =	stream.indirect.gather [hbm4b:s5+s6], $0x30, s2, s6, $0xb8;
	[tilespmem:$0xC400] =	vst v63  }
0x24: {  	s12 =	smul.u32 $0x6, s12;
	_ =	swait.ge [sflag:s7], $0xC000  }
0x25: {  	[sflag:s7] =	ssyncset.done $0x0  }
0x26: {  	s12 =	sadd.s32 s16, s12;
	[sflag:s7] =	ssyncadd.s32 $0xFFFF4000  }
0x27: {  	[hbm4b:s12+s2] =	stream.linear.scatter [tilespmem:s6], [sflag:$0x2], $0xC000, $0x38;
	[tilespmem:$0xC400] =	vst v63  }
0x28: {  	s15 =	sor.u32 $0xC00, s15;
	_ =	swait.ge [sflag:s3], $0xC000  }
0x29: {  	s17 =	sshrl.u32 s15, $0x3;
	[sflag:s3] =	ssyncset.done $0x0  }
0x2a: {  	s14 =	ssub.s32 $0x2, s14;
	s13 =	sadd.s32 s13, s17;
	[sflag:s3] =	ssyncadd.s32 $0xFFFF4000  }
0x2b: {  	[tilespmem:s2], [sflag:$0x2] =	stream.linear.gather [hbm4b:s13+s2], $0x400, $0x38;
	[tilespmem:$0xC400] =	vst v63  }
0x2c: {  	s30 =	sshrl.u32 s14, $0x1;
	_ =	swait.ge [sflag:s3], $0x400  }
0x2d: {  	s17 =	ssub.s32 s14, s30;
	[sflag:s3] =	ssyncset.done $0x0  }
0x2e: {  	s31 =	smax.u32 s17, $0x1;
	[sflag:s3] =	ssyncadd.s32 $0xFFFFFC00  }
0x2f: {  	[tilespmem:s6], [sflag:$0x1] =	stream.indirect.gather [hbm4b:s5+s6], $0x30, s2, s6, $0xb8;
	[tilespmem:$0xC400] =	vst v63  }
0x30: {  	s15 =	smul.u32 $0x6, s15;
	p0 =	sne.s32 s31, $0x1;
	_ =	swait.ge [sflag:s7], $0xC000  }
.Ltmp0:
0x31: {  	[sflag:s7] =	ssyncset.done $0x0;
	(pc) =	sbr.rel @!p0 .LBB2_2-.Ltmp0, $4  }
0x32: {  	s14 =	sadd.s32 s16, s15;
	[sflag:s7] =	ssyncadd.s32 $0xFFFF4000  }
0x33: {  	[hbm4b:s14+s2] =	stream.linear.scatter [tilespmem:s6], [sflag:$0x2], $0xC000, $0x38;
	[tilespmem:$0xC400] =	vst v63  }
0x34: {  	_ =	swait.ge [sflag:s3], $0xC000  }
0x35: {  	s15 =	sadd.s32 $0xFFFFFFFF, s31;
	[sflag:s3] =	ssyncset.done $0x0  }
.LBB2_1:
0x36: {  	p0 =	sne.s32 s15, $0x1;
	s15 =	sadd.s32 $0xFFFFFFFF, s15;
	[sflag:s3] =	ssyncadd.s32 $0xFFFF4000  }
0x37: {  	[tilespmem:s2], [sflag:$0x2] =	stream.linear.gather [hbm4b:s4+s2], $0x400, $0x38;
	[tilespmem:$0xC400] =	vst v63  }
0x38: {  	_ =	swait.ge [sflag:s3], $0x400  }
0x39: {  	[sflag:s3] =	ssyncset.done $0x0  }
0x3a: {  	[sflag:s3] =	ssyncadd.s32 $0xFFFFFC00  }
0x3b: {  	[tilespmem:s6], [sflag:$0x1] =	stream.indirect.gather [hbm4b:s5+s6], $0x30, s2, s6, $0xb8;
	[tilespmem:$0xC400] =	vst v63  }
0x3c: {  	_ =	swait.ge [sflag:s7], $0xC000  }
0x3d: {  	[sflag:s7] =	ssyncset.done $0x0  }
0x3e: {  	[sflag:s7] =	ssyncadd.s32 $0xFFFF4000  }
0x3f: {  	[hbm4b:s8+s2] =	stream.linear.scatter [tilespmem:s6], [sflag:$0x2], $0xC000, $0x38;
	[tilespmem:$0xC400] =	vst v63  }
0x40: {  	_ =	swait.ge [sflag:s3], $0xC000  }
0x41: {  	[sflag:s3] =	ssyncset.done $0x0  }
0x42: {  	[sflag:s3] =	ssyncadd.s32 $0xFFFF4000  }
0x43: {  	[tilespmem:s2], [sflag:$0x2] =	stream.linear.gather [hbm4b:s9+s2], $0x400, $0x38;
	[tilespmem:$0xC400] =	vst v63  }
0x44: {  	_ =	swait.ge [sflag:s3], $0x400  }
0x45: {  	[sflag:s3] =	ssyncset.done $0x0  }
0x46: {  	[sflag:s3] =	ssyncadd.s32 $0xFFFFFC00  }
0x47: {  	[tilespmem:s6], [sflag:$0x1] =	stream.indirect.gather [hbm4b:s5+s6], $0x30, s2, s6, $0xb8;
	[tilespmem:$0xC400] =	vst v63  }
0x48: {  	_ =	swait.ge [sflag:s7], $0xC000  }
0x49: {  	[sflag:s7] =	ssyncset.done $0x0  }
0x4a: {  	[sflag:s7] =	ssyncadd.s32 $0xFFFF4000  }
0x4b: {  	[hbm4b:s10+s2] =	stream.linear.scatter [tilespmem:s6], [sflag:$0x2], $0xC000, $0x38;
	[tilespmem:$0xC400] =	vst v63  }
0x4c: {  	_ =	swait.ge [sflag:s3], $0xC000  }
0x4d: {  	[sflag:s3] =	ssyncset.done $0x0  }
0x4e: {  	[sflag:s3] =	ssyncadd.s32 $0xFFFF4000  }
0x4f: {  	[tilespmem:s2], [sflag:$0x2] =	stream.linear.gather [hbm4b:s11+s2], $0x400, $0x38;
	[tilespmem:$0xC400] =	vst v63  }
0x50: {  	_ =	swait.ge [sflag:s3], $0x400  }
0x51: {  	[sflag:s3] =	ssyncset.done $0x0  }
0x52: {  	[sflag:s3] =	ssyncadd.s32 $0xFFFFFC00  }
0x53: {  	[tilespmem:s6], [sflag:$0x1] =	stream.indirect.gather [hbm4b:s5+s6], $0x30, s2, s6, $0xb8;
	[tilespmem:$0xC400] =	vst v63  }
0x54: {  	_ =	swait.ge [sflag:s7], $0xC000  }
0x55: {  	[sflag:s7] =	ssyncset.done $0x0  }
0x56: {  	[sflag:s7] =	ssyncadd.s32 $0xFFFF4000  }
0x57: {  	[hbm4b:s12+s2] =	stream.linear.scatter [tilespmem:s6], [sflag:$0x2], $0xC000, $0x38;
	[tilespmem:$0xC400] =	vst v63  }
0x58: {  	_ =	swait.ge [sflag:s3], $0xC000  }
0x59: {  	[sflag:s3] =	ssyncset.done $0x0  }
0x5a: {  	[sflag:s3] =	ssyncadd.s32 $0xFFFF4000  }
0x5b: {  	[tilespmem:s2], [sflag:$0x2] =	stream.linear.gather [hbm4b:s13+s2], $0x400, $0x38;
	[tilespmem:$0xC400] =	vst v63  }
0x5c: {  	_ =	swait.ge [sflag:s3], $0x400  }
0x5d: {  	[sflag:s3] =	ssyncset.done $0x0  }
0x5e: {  	[sflag:s3] =	ssyncadd.s32 $0xFFFFFC00  }
0x5f: {  	[tilespmem:s6], [sflag:$0x1] =	stream.indirect.gather [hbm4b:s5+s6], $0x30, s2, s6, $0xb8;
	[tilespmem:$0xC400] =	vst v63  }
0x60: {  	_ =	swait.ge [sflag:s7], $0xC000  }
.Ltmp1:
0x61: {  	[sflag:s7] =	ssyncset.done $0x0;
	(pc) =	sbr.rel @p0 .LBB2_1-.Ltmp1, $4  }
0x62: {  	[sflag:s7] =	ssyncadd.s32 $0xFFFF4000  }
0x63: {  	[hbm4b:s14+s2] =	stream.linear.scatter [tilespmem:s6], [sflag:$0x2], $0xC000, $0x38;
	[tilespmem:$0xC400] =	vst v63  }
0x64: {  	_ =	swait.ge [sflag:s3], $0xC000  }
0x65: {  	[sflag:s3] =	ssyncset.done $0x0  }
.LBB2_2:
0x66: {  	[sflag:s3] =	ssyncadd.s32 $0xFFFF4000  }
0x67: {  	_ =	sfence.sel $0x180000  }
0x68: {  	[bflag:$0x0] =	sbarrier.arrive $0xFFFF  }
0x69: {  	p0 =	sne.s32 s0, $0x0;
	_ =	strace $0x90000047  }
0x6a: {  	s0 =	sadd.s32 @!p0 $0x100000, s1;
	[bflag:$0x2] =	sbarrier.arrive $0xFFFF  }
0x6b: {  	[sflag:s0] =	ssyncadd.tile.s32 @!p0 $0x1;
	_ =	shalt  }
.Lfunc_end2:
_tile_overlayer_lowered:
.L_overlay_start_2:
0x6c: {  	(tag) =	ssettag $0x2  }
0x6d: {  	s0 =	rddreg [dreg:$0x0];
	s2 =	stileid.u32  }
0x6e: {  	s1 =	rddreg [dreg:$0x1];
	p0 =	sne.s32 s2, $0x0  }
0x6f: {  	s3 =	rddreg [dreg:$0x2];
	[bflag:$0x3] =	sbarrier.arrive $0xFFFF;
	s2 =	simm.s32 @!p0 $0x1C02  }
0x70: {  	[timem:s3], [sflag:s2] =	dma.local @!p0 [hbm:s0], s1  }
0x71: {  	s0 =	simm.s32 @!p0 $0x2  }
0x72: {  	_ =	swait.ge @!p0 [sflag:s0], s1  }
0x73: {  	s1 =	ssub.s32 @!p0 $0x0, s1;
	[sflag:s0] =	ssyncset.done @!p0 $0x0  }
0x74: {  	[sflag:s0] =	ssyncadd.s32 @!p0 s1  }
0x75: {  	[bflag:$0x3] =	sbarrier.arrive $0xFFFF  }
0x76: {  	_ =	shalt  }

</sc_bundles>
